<compile_context>
chip_gen: v7x
topology: tpu7x:2x2x1
jax: 0.10.2.dev20260603
libtpu: 0.0.44.dev20260713+nightly
codegen_flags: <defaults>
</compile_context>

<pallas_src>
import functools

import jax
import jax.numpy as jnp
from jax import lax
from jax.experimental import pallas as pl
from jax.experimental.pallas import tpu as pltpu
from jax.experimental.pallas import tpu_sc as plsc

N_NODES = 10000
N_PAD = 10240
E_EDGES = 320000
D_IN = 128
H_HID = 128
C_OUT = 64

NC = 2
NS = 16
STRIPE = N_PAD // NS
EPT = E_EDGES // (NC * NS)
CH = 80
NCHUNK = EPT // CH
BM = 2000
LAST = N_NODES - (NS - 1) * STRIPE


def _make_sc_agg(F, with_deg, nbuf=2, src_ring=False):
  mesh = plsc.VectorSubcoreMesh(core_axis_name="c", subcore_axis_name="s")
  outs = [jax.ShapeDtypeStruct((NC, N_NODES, F), jnp.float32)]
  assert not src_ring or nbuf == 3
  scratch = [
      pltpu.VMEM((3, CH) if src_ring else (NCHUNK, CH), jnp.int32),
      pltpu.VMEM((NCHUNK, CH), jnp.int32),
  ]
  scratch += [pltpu.VMEM((CH, F), jnp.float32)] * nbuf
  scratch += [pltpu.VMEM_SHARED((N_PAD, F), jnp.float32)]
  scratch += [pltpu.SemaphoreType.DMA] * (2 * nbuf)
  if src_ring:
    scratch += [pltpu.SemaphoreType.DMA] * 3
  if with_deg:
    outs.append(jax.ShapeDtypeStruct((NC * N_NODES,), jnp.float32))
    scratch += [
        pltpu.VMEM((CH,), jnp.float32),
        pltpu.VMEM_SHARED((N_PAD,), jnp.float32),
        pltpu.VMEM((STRIPE,), jnp.float32),
        pltpu.SemaphoreType.DMA,
    ]

  def body(*refs):
    if with_deg:
      (table, src, dst, zrow, zvec, ones_h, out, degout, idx_s, idx_d,
       *rest) = refs
      rest, (ones_v, dega, dstage, sd) = rest[:-4], rest[-4:]
    else:
      (table, src, dst, zrow, out, idx_s, idx_d, *rest) = refs
    RB = list(rest[:nbuf])
    acc = rest[nbuf]
    SG = list(rest[nbuf + 1:2 * nbuf + 1])
    SS = list(rest[2 * nbuf + 1:3 * nbuf + 1])
    SI = list(rest[3 * nbuf + 1:3 * nbuf + 4]) if src_ring else None
    s = lax.axis_index("s")
    c = lax.axis_index("c")
    wid = c * NS + s
    r0 = pl.multiple_of(s * STRIPE, 8)
    if not src_ring:
      pltpu.sync_copy(src.at[wid], idx_s)
    pltpu.sync_copy(dst.at[wid], idx_d)
    pltpu.sync_copy(zrow, acc.at[pl.ds(r0, STRIPE), :])
    if with_deg:
      pltpu.sync_copy(zvec, dstage)
      pltpu.sync_copy(dstage, dega.at[pl.ds(r0, STRIPE)])
      pltpu.sync_copy(ones_h, ones_v)
    plsc.subcore_barrier()

    def src_idx(i, b):
      return idx_s.at[b] if src_ring else idx_s.at[i]

    def gath(i, b):
      pltpu.async_copy(table.at[src_idx(i, b)], RB[b], SG[b])

    def wait_gath(b):
      pltpu.make_async_copy(table.at[src_idx(0, b)], RB[b], SG[b]).wait()

    def idx_load(i, slot):
      pltpu.async_copy(src.at[wid, i], idx_s.at[slot], SI[slot])

    def wait_idx(slot):
      pltpu.make_async_copy(src.at[wid, 0], idx_s.at[slot], SI[slot]).wait()

    def deg_scat(i):
      if with_deg:
        pltpu.async_copy(ones_v, dega.at[idx_d.at[i]], sd, add=True)

    def scat_sync(i, b):
      pltpu.sync_copy(RB[b], acc.at[idx_d.at[i]], add=True)
      deg_scat(i)

    def scat_async(i, b):
      pltpu.async_copy(RB[b], acc.at[idx_d.at[i]], SS[b], add=True)
      deg_scat(i)

    def wait_scat(b):
      pltpu.make_async_copy(RB[b], acc.at[idx_d.at[0]], SS[b]).wait()

    if nbuf == 2:
      gath(0, 0)

      def step(j, carry):
        i = 2 * j
        gath(i + 1, 1)
        wait_gath(0)
        scat_sync(i, 0)
        gath(i + 2, 0)
        wait_gath(1)
        scat_sync(i + 1, 1)
        return carry

      lax.fori_loop(0, (NCHUNK - 1) // 2, step, 0)
      wait_gath(0)
      scat_sync(NCHUNK - 1, 0)
    else:
      if src_ring:
        idx_load(0, 0)
        idx_load(1, 1)
        idx_load(2, 2)
        wait_idx(0)
        wait_idx(1)
        wait_idx(2)
      gath(0, 0)
      gath(1, 1)
      wait_gath(0)
      if src_ring:
        idx_load(3, 0)
      scat_async(0, 0)
      gath(2, 2)
      wait_gath(1)
      if src_ring:
        idx_load(4, 1)
      scat_async(1, 1)
      wait_scat(0)
      if src_ring:
        wait_idx(0)
      gath(3, 0)

      def tri(j, carry):
        i = 3 * j + 2
        for t in range(3):
          b = (2 + t) % 3
          wait_gath(b)
          if src_ring:
            idx_load(i + t + 3, b)
          scat_async(i + t, b)
          wait_scat((1 + t) % 3)
          if src_ring:
            wait_idx((1 + t) % 3)
          gath(i + t + 2, (1 + t) % 3)
        return carry

      lax.fori_loop(0, (NCHUNK - 5) // 3, tri, 0)

      wait_gath(2)
      scat_async(NCHUNK - 3, 2)
      wait_scat(1)
      if src_ring:
        wait_idx(1)
      gath(NCHUNK - 1, 1)
      wait_gath(0)
      scat_async(NCHUNK - 2, 0)
      wait_gath(1)
      scat_async(NCHUNK - 1, 1)
      wait_scat(2)
      wait_scat(0)
      wait_scat(1)
    if with_deg:
      pltpu.make_async_copy(dst.at[wid], idx_d, sd).wait()
    plsc.subcore_barrier()

    @pl.when(s < NS - 1)
    def _():
      pltpu.sync_copy(acc.at[pl.ds(r0, STRIPE), :],
                      out.at[c, pl.ds(r0, STRIPE), :])
      if with_deg:
        d0 = pl.multiple_of(c * N_NODES + r0, 8)
        pltpu.sync_copy(dega.at[pl.ds(r0, STRIPE)], dstage)
        pltpu.sync_copy(dstage, degout.at[pl.ds(d0, STRIPE)])

    @pl.when(s == NS - 1)
    def _():
      pltpu.sync_copy(acc.at[pl.ds(r0, LAST), :],
                      out.at[c, pl.ds(r0, LAST), :])
      if with_deg:
        d0 = pl.multiple_of(c * N_NODES + r0, 8)
        pltpu.sync_copy(dega.at[pl.ds(r0, LAST)], dstage.at[pl.ds(0, LAST)])
        pltpu.sync_copy(dstage.at[pl.ds(0, LAST)], degout.at[pl.ds(d0, LAST)])

  return pl.kernel(body, mesh=mesh, out_type=outs, scratch_types=scratch,
                   compiler_params=pltpu.CompilerParams(
                       use_tc_tiling_on_sc=False))


_sc_agg_l1 = _make_sc_agg(H_HID, with_deg=True, nbuf=3, src_ring=True)
_sc_agg_l2 = _make_sc_agg(C_OUT, with_deg=False, nbuf=3)


def _mm2_body(x_ref, wa_ref, wb_ref, oa_ref, ob_ref):
  xv = x_ref[...]
  oa_ref[...] = jnp.dot(xv, wa_ref[...], preferred_element_type=jnp.float32,
                        precision=lax.Precision.HIGHEST)
  ob_ref[...] = jnp.dot(xv, wb_ref[...], preferred_element_type=jnp.float32,
                        precision=lax.Precision.HIGHEST)


def _mm2(a, wa, wb):
  m, k = a.shape
  fa = wa.shape[1]
  fb = wb.shape[1]
  return pl.pallas_call(
      _mm2_body,
      grid=(m // BM,),
      in_specs=[
          pl.BlockSpec((BM, k), lambda i: (i, 0)),
          pl.BlockSpec((k, fa), lambda i: (0, 0)),
          pl.BlockSpec((k, fb), lambda i: (0, 0)),
      ],
      out_specs=[
          pl.BlockSpec((BM, fa), lambda i: (i, 0)),
          pl.BlockSpec((BM, fb), lambda i: (i, 0)),
      ],
      out_shape=[
          jax.ShapeDtypeStruct((m, fa), jnp.float32),
          jax.ShapeDtypeStruct((m, fb), jnp.float32),
      ],
  )(a, wa, wb)


def _l1mm_body(xs_ref, p_ref, dpt_ref, b_ref, wa_ref, wb_ref, oa_ref, ob_ref):
  d = jnp.maximum(dpt_ref[:, 0:1] + dpt_ref[:, 1:2], 1.0)
  agg = (p_ref[0] + p_ref[1]) / d
  h = jnp.maximum(xs_ref[...] + agg + b_ref[...], 0.0)
  oa_ref[...] = jnp.dot(h, wa_ref[...], preferred_element_type=jnp.float32,
                        precision=lax.Precision.HIGHEST)
  ob_ref[...] = jnp.dot(h, wb_ref[...], preferred_element_type=jnp.float32,
                        precision=lax.Precision.HIGHEST)


def _l1mm(xw_self, p, dpt, b, wa, wb):
  fa = wa.shape[1]
  fb = wb.shape[1]
  return pl.pallas_call(
      _l1mm_body,
      grid=(N_NODES // BM,),
      in_specs=[
          pl.BlockSpec((BM, H_HID), lambda i: (i, 0)),
          pl.BlockSpec((NC, BM, H_HID), lambda i: (0, i, 0)),
          pl.BlockSpec((BM, NC), lambda i: (i, 0)),
          pl.BlockSpec((1, H_HID), lambda i: (0, 0)),
          pl.BlockSpec((H_HID, fa), lambda i: (0, 0)),
          pl.BlockSpec((H_HID, fb), lambda i: (0, 0)),
      ],
      out_specs=[
          pl.BlockSpec((BM, fa), lambda i: (i, 0)),
          pl.BlockSpec((BM, fb), lambda i: (i, 0)),
      ],
      out_shape=[
          jax.ShapeDtypeStruct((N_NODES, fa), jnp.float32),
          jax.ShapeDtypeStruct((N_NODES, fb), jnp.float32),
      ],
  )(xw_self, p, dpt, b, wa, wb)


def _l2fin_body(hs_ref, q_ref, dpt_ref, b_ref, o_ref):
  d = jnp.maximum(dpt_ref[:, 0:1] + dpt_ref[:, 1:2], 1.0)
  z = hs_ref[...] + (q_ref[0] + q_ref[1]) / d + b_ref[...]
  m = jnp.max(z, axis=1, keepdims=True)
  e = z - m
  o_ref[...] = e - jnp.log(jnp.sum(jnp.exp(e), axis=1, keepdims=True))


def _l2fin(hw_self, q, dpt, b):
  return pl.pallas_call(
      _l2fin_body,
      grid=(N_NODES // BM,),
      in_specs=[
          pl.BlockSpec((BM, C_OUT), lambda i: (i, 0)),
          pl.BlockSpec((NC, BM, C_OUT), lambda i: (0, i, 0)),
          pl.BlockSpec((BM, NC), lambda i: (i, 0)),
          pl.BlockSpec((1, C_OUT), lambda i: (0, 0)),
      ],
      out_specs=pl.BlockSpec((BM, C_OUT), lambda i: (i, 0)),
      out_shape=jax.ShapeDtypeStruct((N_NODES, C_OUT), jnp.float32),
  )(hw_self, q, dpt, b)


def kernel(x, edge_index, W_self1, W_neigh1, b1, W_self2, W_neigh2, b2):
  src = edge_index[0].reshape(NC * NS, NCHUNK, CH)
  dst = edge_index[1].reshape(NC * NS, NCHUNK, CH)
  zrow1 = jnp.zeros((STRIPE, H_HID), jnp.float32)
  zrow2 = jnp.zeros((STRIPE, C_OUT), jnp.float32)
  zvec = jnp.zeros((STRIPE,), jnp.float32)
  ones_h = jnp.ones((CH,), jnp.float32)

  xw_neigh, xw_self = _mm2(x, W_neigh1, W_self1)
  p, dp = _sc_agg_l1(xw_neigh, src, dst, zrow1, zvec, ones_h)
  dpt = dp.reshape(NC, N_NODES).T

  hw_neigh, hw_self = _l1mm(xw_self, p, dpt, b1.reshape(1, H_HID),
                            W_neigh2, W_self2)
  q, = _sc_agg_l2(hw_neigh, src, dst, zrow2)
  return _l2fin(hw_self, q, dpt, b2.reshape(1, C_OUT))

# --- scband reference (transcript-rebuilt; emitter-appended) ---
"""Pipeline reference for scband-graph-sage-420906795014 (READ-ONLY COPY).

The authoritative reference and input builder live on the scoring server;
editing this copy changes nothing except your own understanding.
"""

import jax, jax.numpy as jnp
import numpy as np

N = 10000
E = 320000
D = 128
H = 128
C = 64


def setup_inputs(seed: int = 0) -> dict:
    key = jax.random.key(seed)
    ks = jax.random.split(key, 9)
    x = jax.random.normal(ks[0], (N, D), dtype=jnp.float32)
    edge_index = jax.random.randint(ks[1], (2, E), 0, N, dtype=jnp.int32)
    # SAGEConv layer 1 params (fc_self, fc_neigh, bias) -- DGL 'mean' aggregator
    W_self1 = jax.random.normal(ks[2], (D, H), dtype=jnp.float32) / np.sqrt(D)
    W_neigh1 = jax.random.normal(ks[3], (D, H), dtype=jnp.float32) / np.sqrt(D)
    b1 = jnp.zeros((H,), dtype=jnp.float32)
    # SAGEConv layer 2 params
    W_self2 = jax.random.normal(ks[4], (H, C), dtype=jnp.float32) / np.sqrt(H)
    W_neigh2 = jax.random.normal(ks[5], (H, C), dtype=jnp.float32) / np.sqrt(H)
    b2 = jnp.zeros((C,), dtype=jnp.float32)
    return {
        "x": x,
        "edge_index": edge_index,
        "W_self1": W_self1,
        "W_neigh1": W_neigh1,
        "b1": b1,
        "W_self2": W_self2,
        "W_neigh2": W_neigh2,
        "b2": b2,
    }


def _sage_mean_layer(h, src, dst, W_self, W_neigh, b, n_nodes):
    # mean aggregation over in-neighbors: gather h[src], scatter-add to dst, divide by in-degree
    msgs = h[src]  # gather [E, d]
    summed = jax.ops.segment_sum(msgs, dst, num_segments=n_nodes)
    deg = jax.ops.segment_sum(jnp.ones((src.shape[0],), dtype=h.dtype), dst, num_segments=n_nodes)
    agg = summed / jnp.maximum(deg, 1.0)[:, None]
    return h @ W_self + agg @ W_neigh + b


def reference(x, edge_index, W_self1, W_neigh1, b1, W_self2, W_neigh2, b2):
    src = edge_index[0]
    dst = edge_index[1]
    h = _sage_mean_layer(x, src, dst, W_self1, W_neigh1, b1, N)
    h = jax.nn.relu(h)
    # dropout p=0.0 is identity
    h = _sage_mean_layer(h, src, dst, W_self2, W_neigh2, b2, N)
    return jax.nn.log_softmax(h, axis=-1)

if __name__ == "__main__":
    import jax
    _d = setup_inputs()
    print(jax.jit(kernel)(*tuple(_d.values())))

</pallas_src>

<mosaic_0001>
#map = affine_map<(d0, d1) -> (0, 0)>
#map1 = affine_map<(d0, d1) -> (0, 0, 0)>
module attributes {stable_mosaic.version = 14 : i64} {
  func.func @body(%arg0: i32, %arg1: i32, %arg2: memref<10000x64xf32, #tpu.memory_space<hbm>>, %arg3: memref<32x125x80xi32, #tpu.memory_space<hbm>>, %arg4: memref<32x125x80xi32, #tpu.memory_space<hbm>>, %arg5: memref<640x64xf32, #tpu.memory_space<hbm>>, %arg6: memref<2x10000x64xf32, #tpu.memory_space<hbm>>, %arg7: memref<125x80xi32, #tpu.memory_space<vmem>>, %arg8: memref<125x80xi32, #tpu.memory_space<vmem>>, %arg9: memref<80x64xf32, #tpu.memory_space<vmem>>, %arg10: memref<80x64xf32, #tpu.memory_space<vmem>>, %arg11: memref<80x64xf32, #tpu.memory_space<vmem>>, %arg12: memref<10240x64xf32, #tpu.memory_space<vmem_shared>>, %arg13: memref<!tpu.dma_semaphore, #tpu.memory_space<semaphore_mem>>, %arg14: memref<!tpu.dma_semaphore, #tpu.memory_space<semaphore_mem>>, %arg15: memref<!tpu.dma_semaphore, #tpu.memory_space<semaphore_mem>>, %arg16: memref<!tpu.dma_semaphore, #tpu.memory_space<semaphore_mem>>, %arg17: memref<!tpu.dma_semaphore, #tpu.memory_space<semaphore_mem>>, %arg18: memref<!tpu.dma_semaphore, #tpu.memory_space<semaphore_mem>>) attributes {dimension_semantics = [#tpu.dimension_semantics<core_parallel>, #tpu.dimension_semantics<subcore_parallel>], iteration_bounds = array<i64: 2, 16>, scalar_prefetch = 0 : i64, scratch_operands = 12 : i64, tpu.core_type = #tpu.core_type<sc_vector_subcore>, window_params = [{transform_indices = #map}, {transform_indices = #map1}, {transform_indices = #map1}, {transform_indices = #map}, {transform_indices = #map1}]} {
    %mul3A = arith.constant 16 : i32
    %mul3A_0 = arith.muli %arg0, %mul3A : i32
    %add3A = arith.addi %mul3A_0, %arg1 : i32
    %mul3A_1 = arith.constant 640 : i32
    %mul3A_2 = arith.muli %arg1, %mul3A_1 : i32
    %multiple_of3A = tpu.assume_multiple %mul3A_2, 8 : i32
    "tpu.region"() ({
      %run_scoped3A = tpu.sem_alloc : memref<!tpu.dma_semaphore, #tpu.memory_space<semaphore_mem>>
      %dma_start3A_153 = arith.constant 0 : i32
      %dma_start3A_154 = arith.constant 0 : i32
      %dma_start3A_155 = tpu.memref_slice %arg3[%add3A, %dma_start3A_153, %dma_start3A_154] : memref<32x125x80xi32, #tpu.memory_space<hbm>> -> memref<1x125x80xi32, #tpu.memory_space<hbm>>
      %dma_start3A_156 = tpu.memref_squeeze %dma_start3A_155 : memref<1x125x80xi32, #tpu.memory_space<hbm>> -> memref<125x80xi32, #tpu.memory_space<hbm>>
      %dma_start3A_157 = arith.constant 0 : i32
      %dma_start3A_158 = arith.constant 0 : i32
      %dma_start3A_159 = tpu.memref_slice %arg3[%add3A, %dma_start3A_157, %dma_start3A_158] : memref<32x125x80xi32, #tpu.memory_space<hbm>> -> memref<1x125x80xi32, #tpu.memory_space<hbm>>
      %dma_start3A_160 = tpu.memref_squeeze %dma_start3A_159 : memref<1x125x80xi32, #tpu.memory_space<hbm>> -> memref<125x80xi32, #tpu.memory_space<hbm>>
      tpu.enqueue_dma source(%dma_start3A_160 : memref<125x80xi32, #tpu.memory_space<hbm>>) target(%arg7 : memref<125x80xi32, #tpu.memory_space<vmem>>) target_semaphore(%run_scoped3A : memref<!tpu.dma_semaphore, #tpu.memory_space<semaphore_mem>>)
      %dma_wait3A_161 = arith.constant 0 : i32
      %dma_wait3A_162 = arith.constant 0 : i32
      %dma_wait3A_163 = tpu.memref_slice %arg3[%add3A, %dma_wait3A_161, %dma_wait3A_162] : memref<32x125x80xi32, #tpu.memory_space<hbm>> -> memref<1x125x80xi32, #tpu.memory_space<hbm>>
      %dma_wait3A_164 = tpu.memref_squeeze %dma_wait3A_163 : memref<1x125x80xi32, #tpu.memory_space<hbm>> -> memref<125x80xi32, #tpu.memory_space<hbm>>
      %dma_wait3A_165 = arith.constant 0 : i32
      %dma_wait3A_166 = arith.constant 0 : i32
      %dma_wait3A_167 = tpu.memref_slice %arg3[%add3A, %dma_wait3A_165, %dma_wait3A_166] : memref<32x125x80xi32, #tpu.memory_space<hbm>> -> memref<1x125x80xi32, #tpu.memory_space<hbm>>
      %dma_wait3A_168 = tpu.memref_squeeze %dma_wait3A_167 : memref<1x125x80xi32, #tpu.memory_space<hbm>> -> memref<125x80xi32, #tpu.memory_space<hbm>>
      tpu.wait_dma2 semaphore(%run_scoped3A : memref<!tpu.dma_semaphore, #tpu.memory_space<semaphore_mem>>) src(%dma_wait3A_168 : memref<125x80xi32, #tpu.memory_space<hbm>>) dst(%arg7 : memref<125x80xi32, #tpu.memory_space<vmem>>)
      tpu.yield
    }) : () -> ()
    "tpu.region"() ({
      %run_scoped3A = tpu.sem_alloc : memref<!tpu.dma_semaphore, #tpu.memory_space<semaphore_mem>>
      %dma_start3A_153 = arith.constant 0 : i32
      %dma_start3A_154 = arith.constant 0 : i32
      %dma_start3A_155 = tpu.memref_slice %arg4[%add3A, %dma_start3A_153, %dma_start3A_154] : memref<32x125x80xi32, #tpu.memory_space<hbm>> -> memref<1x125x80xi32, #tpu.memory_space<hbm>>
      %dma_start3A_156 = tpu.memref_squeeze %dma_start3A_155 : memref<1x125x80xi32, #tpu.memory_space<hbm>> -> memref<125x80xi32, #tpu.memory_space<hbm>>
      %dma_start3A_157 = arith.constant 0 : i32
      %dma_start3A_158 = arith.constant 0 : i32
      %dma_start3A_159 = tpu.memref_slice %arg4[%add3A, %dma_start3A_157, %dma_start3A_158] : memref<32x125x80xi32, #tpu.memory_space<hbm>> -> memref<1x125x80xi32, #tpu.memory_space<hbm>>
      %dma_start3A_160 = tpu.memref_squeeze %dma_start3A_159 : memref<1x125x80xi32, #tpu.memory_space<hbm>> -> memref<125x80xi32, #tpu.memory_space<hbm>>
      tpu.enqueue_dma source(%dma_start3A_160 : memref<125x80xi32, #tpu.memory_space<hbm>>) target(%arg8 : memref<125x80xi32, #tpu.memory_space<vmem>>) target_semaphore(%run_scoped3A : memref<!tpu.dma_semaphore, #tpu.memory_space<semaphore_mem>>)
      %dma_wait3A_161 = arith.constant 0 : i32
      %dma_wait3A_162 = arith.constant 0 : i32
      %dma_wait3A_163 = tpu.memref_slice %arg4[%add3A, %dma_wait3A_161, %dma_wait3A_162] : memref<32x125x80xi32, #tpu.memory_space<hbm>> -> memref<1x125x80xi32, #tpu.memory_space<hbm>>
      %dma_wait3A_164 = tpu.memref_squeeze %dma_wait3A_163 : memref<1x125x80xi32, #tpu.memory_space<hbm>> -> memref<125x80xi32, #tpu.memory_space<hbm>>
      %dma_wait3A_165 = arith.constant 0 : i32
      %dma_wait3A_166 = arith.constant 0 : i32
      %dma_wait3A_167 = tpu.memref_slice %arg4[%add3A, %dma_wait3A_165, %dma_wait3A_166] : memref<32x125x80xi32, #tpu.memory_space<hbm>> -> memref<1x125x80xi32, #tpu.memory_space<hbm>>
      %dma_wait3A_168 = tpu.memref_squeeze %dma_wait3A_167 : memref<1x125x80xi32, #tpu.memory_space<hbm>> -> memref<125x80xi32, #tpu.memory_space<hbm>>
      tpu.wait_dma2 semaphore(%run_scoped3A : memref<!tpu.dma_semaphore, #tpu.memory_space<semaphore_mem>>) src(%dma_wait3A_168 : memref<125x80xi32, #tpu.memory_space<hbm>>) dst(%arg8 : memref<125x80xi32, #tpu.memory_space<vmem>>)
      tpu.yield
    }) : () -> ()
    "tpu.region"() ({
      %run_scoped3A = tpu.sem_alloc : memref<!tpu.dma_semaphore, #tpu.memory_space<semaphore_mem>>
      %dma_start3A_153 = arith.constant 0 : i32
      %dma_start3A_154 = tpu.memref_slice %arg12[%multiple_of3A, %dma_start3A_153] : memref<10240x64xf32, #tpu.memory_space<vmem_shared>> -> memref<640x64xf32, #tpu.memory_space<vmem_shared>>
      tpu.enqueue_dma source(%arg5 : memref<640x64xf32, #tpu.memory_space<hbm>>) target(%dma_start3A_154 : memref<640x64xf32, #tpu.memory_space<vmem_shared>>) target_semaphore(%run_scoped3A : memref<!tpu.dma_semaphore, #tpu.memory_space<semaphore_mem>>)
      %dma_wait3A_155 = arith.constant 0 : i32
      %dma_wait3A_156 = tpu.memref_slice %arg12[%multiple_of3A, %dma_wait3A_155] : memref<10240x64xf32, #tpu.memory_space<vmem_shared>> -> memref<640x64xf32, #tpu.memory_space<vmem_shared>>
      tpu.wait_dma2 semaphore(%run_scoped3A : memref<!tpu.dma_semaphore, #tpu.memory_space<semaphore_mem>>) src(%arg5 : memref<640x64xf32, #tpu.memory_space<hbm>>) dst(%dma_wait3A_156 : memref<640x64xf32, #tpu.memory_space<vmem_shared>>)
      tpu.yield
    }) : () -> ()
    %barrier3A = arith.constant 0 : index
    tpu.barrier barrier_id(%barrier3A)
    %dma_start3A = arith.constant 0 : i32
    %dma_start3A_3 = arith.constant 0 : i32
    %dma_start3A_4 = tpu.memref_slice %arg7[%dma_start3A, %dma_start3A_3] : memref<125x80xi32, #tpu.memory_space<vmem>> -> memref<1x80xi32, #tpu.memory_space<vmem>>
    %dma_start3A_5 = tpu.memref_squeeze %dma_start3A_4 : memref<1x80xi32, #tpu.memory_space<vmem>> -> memref<80xi32, #tpu.memory_space<vmem>>
    %dma_start3A_6 = arith.constant 0 : i32
    %dma_start3A_7 = arith.constant 0 : i32
    %dma_start3A_8 = tpu.memref_slice %arg2[%dma_start3A_6, %dma_start3A_7] : memref<10000x64xf32, #tpu.memory_space<hbm>> -> memref<10000x64xf32, #tpu.memory_space<hbm>>
    tpu.enqueue_indirect_dma source(%dma_start3A_8 : memref<10000x64xf32, #tpu.memory_space<hbm>>) target(%arg9 : memref<80x64xf32, #tpu.memory_space<vmem>>) offsets(%dma_start3A_5 : memref<80xi32, #tpu.memory_space<vmem>>) semaphore(%arg13 : memref<!tpu.dma_semaphore, #tpu.memory_space<semaphore_mem>>)
    %dma_start3A_9 = arith.constant 1 : i32
    %dma_start3A_10 = arith.constant 0 : i32
    %dma_start3A_11 = tpu.memref_slice %arg7[%dma_start3A_9, %dma_start3A_10] : memref<125x80xi32, #tpu.memory_space<vmem>> -> memref<1x80xi32, #tpu.memory_space<vmem>>
    %dma_start3A_12 = tpu.memref_squeeze %dma_start3A_11 : memref<1x80xi32, #tpu.memory_space<vmem>> -> memref<80xi32, #tpu.memory_space<vmem>>
    %dma_start3A_13 = arith.constant 0 : i32
    %dma_start3A_14 = arith.constant 0 : i32
    %dma_start3A_15 = tpu.memref_slice %arg2[%dma_start3A_13, %dma_start3A_14] : memref<10000x64xf32, #tpu.memory_space<hbm>> -> memref<10000x64xf32, #tpu.memory_space<hbm>>
    tpu.enqueue_indirect_dma source(%dma_start3A_15 : memref<10000x64xf32, #tpu.memory_space<hbm>>) target(%arg10 : memref<80x64xf32, #tpu.memory_space<vmem>>) offsets(%dma_start3A_12 : memref<80xi32, #tpu.memory_space<vmem>>) semaphore(%arg14 : memref<!tpu.dma_semaphore, #tpu.memory_space<semaphore_mem>>)
    %dma_wait3A = arith.constant 0 : i32
    %dma_wait3A_16 = arith.constant 0 : i32
    %dma_wait3A_17 = tpu.memref_slice %arg7[%dma_wait3A, %dma_wait3A_16] : memref<125x80xi32, #tpu.memory_space<vmem>> -> memref<1x80xi32, #tpu.memory_space<vmem>>
    %dma_wait3A_18 = tpu.memref_squeeze %dma_wait3A_17 : memref<1x80xi32, #tpu.memory_space<vmem>> -> memref<80xi32, #tpu.memory_space<vmem>>
    %dma_wait3A_19 = arith.constant 0 : i32
    %dma_wait3A_20 = arith.constant 0 : i32
    %dma_wait3A_21 = tpu.memref_slice %arg2[%dma_wait3A_19, %dma_wait3A_20] : memref<10000x64xf32, #tpu.memory_space<hbm>> -> memref<10000x64xf32, #tpu.memory_space<hbm>>
    tpu.wait_indirect_dma semaphore(%arg13 : memref<!tpu.dma_semaphore, #tpu.memory_space<semaphore_mem>>) src(%dma_wait3A_21 : memref<10000x64xf32, #tpu.memory_space<hbm>>) dst(%arg9 : memref<80x64xf32, #tpu.memory_space<vmem>>)
    %dma_start3A_22 = arith.constant 0 : i32
    %dma_start3A_23 = arith.constant 0 : i32
    %dma_start3A_24 = tpu.memref_slice %arg8[%dma_start3A_22, %dma_start3A_23] : memref<125x80xi32, #tpu.memory_space<vmem>> -> memref<1x80xi32, #tpu.memory_space<vmem>>
    %dma_start3A_25 = tpu.memref_squeeze %dma_start3A_24 : memref<1x80xi32, #tpu.memory_space<vmem>> -> memref<80xi32, #tpu.memory_space<vmem>>
    %dma_start3A_26 = arith.constant 0 : i32
    %dma_start3A_27 = arith.constant 0 : i32
    %dma_start3A_28 = tpu.memref_slice %arg12[%dma_start3A_26, %dma_start3A_27] : memref<10240x64xf32, #tpu.memory_space<vmem_shared>> -> memref<10240x64xf32, #tpu.memory_space<vmem_shared>>
    tpu.enqueue_indirect_dma source(%arg9 : memref<80x64xf32, #tpu.memory_space<vmem>>) target(%dma_start3A_28 : memref<10240x64xf32, #tpu.memory_space<vmem_shared>>) offsets(%dma_start3A_25 : memref<80xi32, #tpu.memory_space<vmem>>) semaphore(%arg16 : memref<!tpu.dma_semaphore, #tpu.memory_space<semaphore_mem>>) {add = true}
    %dma_start3A_29 = arith.constant 2 : i32
    %dma_start3A_30 = arith.constant 0 : i32
    %dma_start3A_31 = tpu.memref_slice %arg7[%dma_start3A_29, %dma_start3A_30] : memref<125x80xi32, #tpu.memory_space<vmem>> -> memref<1x80xi32, #tpu.memory_space<vmem>>
    %dma_start3A_32 = tpu.memref_squeeze %dma_start3A_31 : memref<1x80xi32, #tpu.memory_space<vmem>> -> memref<80xi32, #tpu.memory_space<vmem>>
    %dma_start3A_33 = arith.constant 0 : i32
    %dma_start3A_34 = arith.constant 0 : i32
    %dma_start3A_35 = tpu.memref_slice %arg2[%dma_start3A_33, %dma_start3A_34] : memref<10000x64xf32, #tpu.memory_space<hbm>> -> memref<10000x64xf32, #tpu.memory_space<hbm>>
    tpu.enqueue_indirect_dma source(%dma_start3A_35 : memref<10000x64xf32, #tpu.memory_space<hbm>>) target(%arg11 : memref<80x64xf32, #tpu.memory_space<vmem>>) offsets(%dma_start3A_32 : memref<80xi32, #tpu.memory_space<vmem>>) semaphore(%arg15 : memref<!tpu.dma_semaphore, #tpu.memory_space<semaphore_mem>>)
    %dma_wait3A_36 = arith.constant 0 : i32
    %dma_wait3A_37 = arith.constant 0 : i32
    %dma_wait3A_38 = tpu.memref_slice %arg7[%dma_wait3A_36, %dma_wait3A_37] : memref<125x80xi32, #tpu.memory_space<vmem>> -> memref<1x80xi32, #tpu.memory_space<vmem>>
    %dma_wait3A_39 = tpu.memref_squeeze %dma_wait3A_38 : memref<1x80xi32, #tpu.memory_space<vmem>> -> memref<80xi32, #tpu.memory_space<vmem>>
    %dma_wait3A_40 = arith.constant 0 : i32
    %dma_wait3A_41 = arith.constant 0 : i32
    %dma_wait3A_42 = tpu.memref_slice %arg2[%dma_wait3A_40, %dma_wait3A_41] : memref<10000x64xf32, #tpu.memory_space<hbm>> -> memref<10000x64xf32, #tpu.memory_space<hbm>>
    tpu.wait_indirect_dma semaphore(%arg14 : memref<!tpu.dma_semaphore, #tpu.memory_space<semaphore_mem>>) src(%dma_wait3A_42 : memref<10000x64xf32, #tpu.memory_space<hbm>>) dst(%arg10 : memref<80x64xf32, #tpu.memory_space<vmem>>)
    %dma_start3A_43 = arith.constant 1 : i32
    %dma_start3A_44 = arith.constant 0 : i32
    %dma_start3A_45 = tpu.memref_slice %arg8[%dma_start3A_43, %dma_start3A_44] : memref<125x80xi32, #tpu.memory_space<vmem>> -> memref<1x80xi32, #tpu.memory_space<vmem>>
    %dma_start3A_46 = tpu.memref_squeeze %dma_start3A_45 : memref<1x80xi32, #tpu.memory_space<vmem>> -> memref<80xi32, #tpu.memory_space<vmem>>
    %dma_start3A_47 = arith.constant 0 : i32
    %dma_start3A_48 = arith.constant 0 : i32
    %dma_start3A_49 = tpu.memref_slice %arg12[%dma_start3A_47, %dma_start3A_48] : memref<10240x64xf32, #tpu.memory_space<vmem_shared>> -> memref<10240x64xf32, #tpu.memory_space<vmem_shared>>
    tpu.enqueue_indirect_dma source(%arg10 : memref<80x64xf32, #tpu.memory_space<vmem>>) target(%dma_start3A_49 : memref<10240x64xf32, #tpu.memory_space<vmem_shared>>) offsets(%dma_start3A_46 : memref<80xi32, #tpu.memory_space<vmem>>) semaphore(%arg17 : memref<!tpu.dma_semaphore, #tpu.memory_space<semaphore_mem>>) {add = true}
    %dma_wait3A_50 = arith.constant 0 : i32
    %dma_wait3A_51 = arith.constant 0 : i32
    %dma_wait3A_52 = tpu.memref_slice %arg8[%dma_wait3A_50, %dma_wait3A_51] : memref<125x80xi32, #tpu.memory_space<vmem>> -> memref<1x80xi32, #tpu.memory_space<vmem>>
    %dma_wait3A_53 = tpu.memref_squeeze %dma_wait3A_52 : memref<1x80xi32, #tpu.memory_space<vmem>> -> memref<80xi32, #tpu.memory_space<vmem>>
    %dma_wait3A_54 = arith.constant 0 : i32
    %dma_wait3A_55 = arith.constant 0 : i32
    %dma_wait3A_56 = tpu.memref_slice %arg12[%dma_wait3A_54, %dma_wait3A_55] : memref<10240x64xf32, #tpu.memory_space<vmem_shared>> -> memref<10240x64xf32, #tpu.memory_space<vmem_shared>>
    tpu.wait_indirect_dma semaphore(%arg16 : memref<!tpu.dma_semaphore, #tpu.memory_space<semaphore_mem>>) src(%arg9 : memref<80x64xf32, #tpu.memory_space<vmem>>) dst(%dma_wait3A_56 : memref<10240x64xf32, #tpu.memory_space<vmem_shared>>)
    %dma_start3A_57 = arith.constant 3 : i32
    %dma_start3A_58 = arith.constant 0 : i32
    %dma_start3A_59 = tpu.memref_slice %arg7[%dma_start3A_57, %dma_start3A_58] : memref<125x80xi32, #tpu.memory_space<vmem>> -> memref<1x80xi32, #tpu.memory_space<vmem>>
    %dma_start3A_60 = tpu.memref_squeeze %dma_start3A_59 : memref<1x80xi32, #tpu.memory_space<vmem>> -> memref<80xi32, #tpu.memory_space<vmem>>
    %dma_start3A_61 = arith.constant 0 : i32
    %dma_start3A_62 = arith.constant 0 : i32
    %dma_start3A_63 = tpu.memref_slice %arg2[%dma_start3A_61, %dma_start3A_62] : memref<10000x64xf32, #tpu.memory_space<hbm>> -> memref<10000x64xf32, #tpu.memory_space<hbm>>
    tpu.enqueue_indirect_dma source(%dma_start3A_63 : memref<10000x64xf32, #tpu.memory_space<hbm>>) target(%arg9 : memref<80x64xf32, #tpu.memory_space<vmem>>) offsets(%dma_start3A_60 : memref<80xi32, #tpu.memory_space<vmem>>) semaphore(%arg13 : memref<!tpu.dma_semaphore, #tpu.memory_space<semaphore_mem>>)
    %scan3A = arith.constant 0 : i32
    %scan3A_64 = arith.constant 0 : i32
    %scan3A_65 = arith.constant 40 : i32
    %scan3A_66 = arith.addi %scan3A_64, %scan3A_65 : i32
    %scan3A_67 = arith.constant 1 : i32
    scf.for %scan3A_153 = %scan3A_64 to %scan3A_66 step %scan3A_67  : i32 {
      %mul3A_154 = arith.constant 3 : i32
      %mul3A_155 = arith.muli %mul3A_154, %scan3A_153 : i32
      %add3A_156 = arith.constant 2 : i32
      %add3A_157 = arith.addi %mul3A_155, %add3A_156 : i32
      %dma_wait3A_158 = arith.constant 0 : i32
      %dma_wait3A_159 = arith.constant 0 : i32
      %dma_wait3A_160 = tpu.memref_slice %arg7[%dma_wait3A_158, %dma_wait3A_159] : memref<125x80xi32, #tpu.memory_space<vmem>> -> memref<1x80xi32, #tpu.memory_space<vmem>>
      %dma_wait3A_161 = tpu.memref_squeeze %dma_wait3A_160 : memref<1x80xi32, #tpu.memory_space<vmem>> -> memref<80xi32, #tpu.memory_space<vmem>>
      %dma_wait3A_162 = arith.constant 0 : i32
      %dma_wait3A_163 = arith.constant 0 : i32
      %dma_wait3A_164 = tpu.memref_slice %arg2[%dma_wait3A_162, %dma_wait3A_163] : memref<10000x64xf32, #tpu.memory_space<hbm>> -> memref<10000x64xf32, #tpu.memory_space<hbm>>
      tpu.wait_indirect_dma semaphore(%arg15 : memref<!tpu.dma_semaphore, #tpu.memory_space<semaphore_mem>>) src(%dma_wait3A_164 : memref<10000x64xf32, #tpu.memory_space<hbm>>) dst(%arg11 : memref<80x64xf32, #tpu.memory_space<vmem>>)
      %add3A_165 = arith.constant 0 : i32
      %add3A_166 = arith.addi %add3A_157, %add3A_165 : i32
      %dma_start3A_167 = arith.constant 0 : i32
      %dma_start3A_168 = tpu.memref_slice %arg8[%add3A_166, %dma_start3A_167] : memref<125x80xi32, #tpu.memory_space<vmem>> -> memref<1x80xi32, #tpu.memory_space<vmem>>
      %dma_start3A_169 = tpu.memref_squeeze %dma_start3A_168 : memref<1x80xi32, #tpu.memory_space<vmem>> -> memref<80xi32, #tpu.memory_space<vmem>>
      %dma_start3A_170 = arith.constant 0 : i32
      %dma_start3A_171 = arith.constant 0 : i32
      %dma_start3A_172 = tpu.memref_slice %arg12[%dma_start3A_170, %dma_start3A_171] : memref<10240x64xf32, #tpu.memory_space<vmem_shared>> -> memref<10240x64xf32, #tpu.memory_space<vmem_shared>>
      tpu.enqueue_indirect_dma source(%arg11 : memref<80x64xf32, #tpu.memory_space<vmem>>) target(%dma_start3A_172 : memref<10240x64xf32, #tpu.memory_space<vmem_shared>>) offsets(%dma_start3A_169 : memref<80xi32, #tpu.memory_space<vmem>>) semaphore(%arg18 : memref<!tpu.dma_semaphore, #tpu.memory_space<semaphore_mem>>) {add = true}
      %dma_wait3A_173 = arith.constant 0 : i32
      %dma_wait3A_174 = arith.constant 0 : i32
      %dma_wait3A_175 = tpu.memref_slice %arg8[%dma_wait3A_173, %dma_wait3A_174] : memref<125x80xi32, #tpu.memory_space<vmem>> -> memref<1x80xi32, #tpu.memory_space<vmem>>
      %dma_wait3A_176 = tpu.memref_squeeze %dma_wait3A_175 : memref<1x80xi32, #tpu.memory_space<vmem>> -> memref<80xi32, #tpu.memory_space<vmem>>
      %dma_wait3A_177 = arith.constant 0 : i32
      %dma_wait3A_178 = arith.constant 0 : i32
      %dma_wait3A_179 = tpu.memref_slice %arg12[%dma_wait3A_177, %dma_wait3A_178] : memref<10240x64xf32, #tpu.memory_space<vmem_shared>> -> memref<10240x64xf32, #tpu.memory_space<vmem_shared>>
      tpu.wait_indirect_dma semaphore(%arg17 : memref<!tpu.dma_semaphore, #tpu.memory_space<semaphore_mem>>) src(%arg10 : memref<80x64xf32, #tpu.memory_space<vmem>>) dst(%dma_wait3A_179 : memref<10240x64xf32, #tpu.memory_space<vmem_shared>>)
      %add3A_180 = arith.constant 0 : i32
      %add3A_181 = arith.addi %add3A_157, %add3A_180 : i32
      %add3A_182 = arith.constant 2 : i32
      %add3A_183 = arith.addi %add3A_181, %add3A_182 : i32
      %dma_start3A_184 = arith.constant 0 : i32
      %dma_start3A_185 = tpu.memref_slice %arg7[%add3A_183, %dma_start3A_184] : memref<125x80xi32, #tpu.memory_space<vmem>> -> memref<1x80xi32, #tpu.memory_space<vmem>>
      %dma_start3A_186 = tpu.memref_squeeze %dma_start3A_185 : memref<1x80xi32, #tpu.memory_space<vmem>> -> memref<80xi32, #tpu.memory_space<vmem>>
      %dma_start3A_187 = arith.constant 0 : i32
      %dma_start3A_188 = arith.constant 0 : i32
      %dma_start3A_189 = tpu.memref_slice %arg2[%dma_start3A_187, %dma_start3A_188] : memref<10000x64xf32, #tpu.memory_space<hbm>> -> memref<10000x64xf32, #tpu.memory_space<hbm>>
      tpu.enqueue_indirect_dma source(%dma_start3A_189 : memref<10000x64xf32, #tpu.memory_space<hbm>>) target(%arg10 : memref<80x64xf32, #tpu.memory_space<vmem>>) offsets(%dma_start3A_186 : memref<80xi32, #tpu.memory_space<vmem>>) semaphore(%arg14 : memref<!tpu.dma_semaphore, #tpu.memory_space<semaphore_mem>>)
      %dma_wait3A_190 = arith.constant 0 : i32
      %dma_wait3A_191 = arith.constant 0 : i32
      %dma_wait3A_192 = tpu.memref_slice %arg7[%dma_wait3A_190, %dma_wait3A_191] : memref<125x80xi32, #tpu.memory_space<vmem>> -> memref<1x80xi32, #tpu.memory_space<vmem>>
      %dma_wait3A_193 = tpu.memref_squeeze %dma_wait3A_192 : memref<1x80xi32, #tpu.memory_space<vmem>> -> memref<80xi32, #tpu.memory_space<vmem>>
      %dma_wait3A_194 = arith.constant 0 : i32
      %dma_wait3A_195 = arith.constant 0 : i32
      %dma_wait3A_196 = tpu.memref_slice %arg2[%dma_wait3A_194, %dma_wait3A_195] : memref<10000x64xf32, #tpu.memory_space<hbm>> -> memref<10000x64xf32, #tpu.memory_space<hbm>>
      tpu.wait_indirect_dma semaphore(%arg13 : memref<!tpu.dma_semaphore, #tpu.memory_space<semaphore_mem>>) src(%dma_wait3A_196 : memref<10000x64xf32, #tpu.memory_space<hbm>>) dst(%arg9 : memref<80x64xf32, #tpu.memory_space<vmem>>)
      %add3A_197 = arith.constant 1 : i32
      %add3A_198 = arith.addi %add3A_157, %add3A_197 : i32
      %dma_start3A_199 = arith.constant 0 : i32
      %dma_start3A_200 = tpu.memref_slice %arg8[%add3A_198, %dma_start3A_199] : memref<125x80xi32, #tpu.memory_space<vmem>> -> memref<1x80xi32, #tpu.memory_space<vmem>>
      %dma_start3A_201 = tpu.memref_squeeze %dma_start3A_200 : memref<1x80xi32, #tpu.memory_space<vmem>> -> memref<80xi32, #tpu.memory_space<vmem>>
      %dma_start3A_202 = arith.constant 0 : i32
      %dma_start3A_203 = arith.constant 0 : i32
      %dma_start3A_204 = tpu.memref_slice %arg12[%dma_start3A_202, %dma_start3A_203] : memref<10240x64xf32, #tpu.memory_space<vmem_shared>> -> memref<10240x64xf32, #tpu.memory_space<vmem_shared>>
      tpu.enqueue_indirect_dma source(%arg9 : memref<80x64xf32, #tpu.memory_space<vmem>>) target(%dma_start3A_204 : memref<10240x64xf32, #tpu.memory_space<vmem_shared>>) offsets(%dma_start3A_201 : memref<80xi32, #tpu.memory_space<vmem>>) semaphore(%arg16 : memref<!tpu.dma_semaphore, #tpu.memory_space<semaphore_mem>>) {add = true}
      %dma_wait3A_205 = arith.constant 0 : i32
      %dma_wait3A_206 = arith.constant 0 : i32
      %dma_wait3A_207 = tpu.memref_slice %arg8[%dma_wait3A_205, %dma_wait3A_206] : memref<125x80xi32, #tpu.memory_space<vmem>> -> memref<1x80xi32, #tpu.memory_space<vmem>>
      %dma_wait3A_208 = tpu.memref_squeeze %dma_wait3A_207 : memref<1x80xi32, #tpu.memory_space<vmem>> -> memref<80xi32, #tpu.memory_space<vmem>>
      %dma_wait3A_209 = arith.constant 0 : i32
      %dma_wait3A_210 = arith.constant 0 : i32
      %dma_wait3A_211 = tpu.memref_slice %arg12[%dma_wait3A_209, %dma_wait3A_210] : memref<10240x64xf32, #tpu.memory_space<vmem_shared>> -> memref<10240x64xf32, #tpu.memory_space<vmem_shared>>
      tpu.wait_indirect_dma semaphore(%arg18 : memref<!tpu.dma_semaphore, #tpu.memory_space<semaphore_mem>>) src(%arg11 : memref<80x64xf32, #tpu.memory_space<vmem>>) dst(%dma_wait3A_211 : memref<10240x64xf32, #tpu.memory_space<vmem_shared>>)
      %add3A_212 = arith.constant 1 : i32
      %add3A_213 = arith.addi %add3A_157, %add3A_212 : i32
      %add3A_214 = arith.constant 2 : i32
      %add3A_215 = arith.addi %add3A_213, %add3A_214 : i32
      %dma_start3A_216 = arith.constant 0 : i32
      %dma_start3A_217 = tpu.memref_slice %arg7[%add3A_215, %dma_start3A_216] : memref<125x80xi32, #tpu.memory_space<vmem>> -> memref<1x80xi32, #tpu.memory_space<vmem>>
      %dma_start3A_218 = tpu.memref_squeeze %dma_start3A_217 : memref<1x80xi32, #tpu.memory_space<vmem>> -> memref<80xi32, #tpu.memory_space<vmem>>
      %dma_start3A_219 = arith.constant 0 : i32
      %dma_start3A_220 = arith.constant 0 : i32
      %dma_start3A_221 = tpu.memref_slice %arg2[%dma_start3A_219, %dma_start3A_220] : memref<10000x64xf32, #tpu.memory_space<hbm>> -> memref<10000x64xf32, #tpu.memory_space<hbm>>
      tpu.enqueue_indirect_dma source(%dma_start3A_221 : memref<10000x64xf32, #tpu.memory_space<hbm>>) target(%arg11 : memref<80x64xf32, #tpu.memory_space<vmem>>) offsets(%dma_start3A_218 : memref<80xi32, #tpu.memory_space<vmem>>) semaphore(%arg15 : memref<!tpu.dma_semaphore, #tpu.memory_space<semaphore_mem>>)
      %dma_wait3A_222 = arith.constant 0 : i32
      %dma_wait3A_223 = arith.constant 0 : i32
      %dma_wait3A_224 = tpu.memref_slice %arg7[%dma_wait3A_222, %dma_wait3A_223] : memref<125x80xi32, #tpu.memory_space<vmem>> -> memref<1x80xi32, #tpu.memory_space<vmem>>
      %dma_wait3A_225 = tpu.memref_squeeze %dma_wait3A_224 : memref<1x80xi32, #tpu.memory_space<vmem>> -> memref<80xi32, #tpu.memory_space<vmem>>
      %dma_wait3A_226 = arith.constant 0 : i32
      %dma_wait3A_227 = arith.constant 0 : i32
      %dma_wait3A_228 = tpu.memref_slice %arg2[%dma_wait3A_226, %dma_wait3A_227] : memref<10000x64xf32, #tpu.memory_space<hbm>> -> memref<10000x64xf32, #tpu.memory_space<hbm>>
      tpu.wait_indirect_dma semaphore(%arg14 : memref<!tpu.dma_semaphore, #tpu.memory_space<semaphore_mem>>) src(%dma_wait3A_228 : memref<10000x64xf32, #tpu.memory_space<hbm>>) dst(%arg10 : memref<80x64xf32, #tpu.memory_space<vmem>>)
      %add3A_229 = arith.constant 2 : i32
      %add3A_230 = arith.addi %add3A_157, %add3A_229 : i32
      %dma_start3A_231 = arith.constant 0 : i32
      %dma_start3A_232 = tpu.memref_slice %arg8[%add3A_230, %dma_start3A_231] : memref<125x80xi32, #tpu.memory_space<vmem>> -> memref<1x80xi32, #tpu.memory_space<vmem>>
      %dma_start3A_233 = tpu.memref_squeeze %dma_start3A_232 : memref<1x80xi32, #tpu.memory_space<vmem>> -> memref<80xi32, #tpu.memory_space<vmem>>
      %dma_start3A_234 = arith.constant 0 : i32
      %dma_start3A_235 = arith.constant 0 : i32
      %dma_start3A_236 = tpu.memref_slice %arg12[%dma_start3A_234, %dma_start3A_235] : memref<10240x64xf32, #tpu.memory_space<vmem_shared>> -> memref<10240x64xf32, #tpu.memory_space<vmem_shared>>
      tpu.enqueue_indirect_dma source(%arg10 : memref<80x64xf32, #tpu.memory_space<vmem>>) target(%dma_start3A_236 : memref<10240x64xf32, #tpu.memory_space<vmem_shared>>) offsets(%dma_start3A_233 : memref<80xi32, #tpu.memory_space<vmem>>) semaphore(%arg17 : memref<!tpu.dma_semaphore, #tpu.memory_space<semaphore_mem>>) {add = true}
      %dma_wait3A_237 = arith.constant 0 : i32
      %dma_wait3A_238 = arith.constant 0 : i32
      %dma_wait3A_239 = tpu.memref_slice %arg8[%dma_wait3A_237, %dma_wait3A_238] : memref<125x80xi32, #tpu.memory_space<vmem>> -> memref<1x80xi32, #tpu.memory_space<vmem>>
      %dma_wait3A_240 = tpu.memref_squeeze %dma_wait3A_239 : memref<1x80xi32, #tpu.memory_space<vmem>> -> memref<80xi32, #tpu.memory_space<vmem>>
      %dma_wait3A_241 = arith.constant 0 : i32
      %dma_wait3A_242 = arith.constant 0 : i32
      %dma_wait3A_243 = tpu.memref_slice %arg12[%dma_wait3A_241, %dma_wait3A_242] : memref<10240x64xf32, #tpu.memory_space<vmem_shared>> -> memref<10240x64xf32, #tpu.memory_space<vmem_shared>>
      tpu.wait_indirect_dma semaphore(%arg16 : memref<!tpu.dma_semaphore, #tpu.memory_space<semaphore_mem>>) src(%arg9 : memref<80x64xf32, #tpu.memory_space<vmem>>) dst(%dma_wait3A_243 : memref<10240x64xf32, #tpu.memory_space<vmem_shared>>)
      %add3A_244 = arith.constant 2 : i32
      %add3A_245 = arith.addi %add3A_157, %add3A_244 : i32
      %add3A_246 = arith.constant 2 : i32
      %add3A_247 = arith.addi %add3A_245, %add3A_246 : i32
      %dma_start3A_248 = arith.constant 0 : i32
      %dma_start3A_249 = tpu.memref_slice %arg7[%add3A_247, %dma_start3A_248] : memref<125x80xi32, #tpu.memory_space<vmem>> -> memref<1x80xi32, #tpu.memory_space<vmem>>
      %dma_start3A_250 = tpu.memref_squeeze %dma_start3A_249 : memref<1x80xi32, #tpu.memory_space<vmem>> -> memref<80xi32, #tpu.memory_space<vmem>>
      %dma_start3A_251 = arith.constant 0 : i32
      %dma_start3A_252 = arith.constant 0 : i32
      %dma_start3A_253 = tpu.memref_slice %arg2[%dma_start3A_251, %dma_start3A_252] : memref<10000x64xf32, #tpu.memory_space<hbm>> -> memref<10000x64xf32, #tpu.memory_space<hbm>>
      tpu.enqueue_indirect_dma source(%dma_start3A_253 : memref<10000x64xf32, #tpu.memory_space<hbm>>) target(%arg9 : memref<80x64xf32, #tpu.memory_space<vmem>>) offsets(%dma_start3A_250 : memref<80xi32, #tpu.memory_space<vmem>>) semaphore(%arg13 : memref<!tpu.dma_semaphore, #tpu.memory_space<semaphore_mem>>)
    }
    %scan3A_68 = arith.constant 40 : i32
    %dma_wait3A_69 = arith.constant 0 : i32
    %dma_wait3A_70 = arith.constant 0 : i32
    %dma_wait3A_71 = tpu.memref_slice %arg7[%dma_wait3A_69, %dma_wait3A_70] : memref<125x80xi32, #tpu.memory_space<vmem>> -> memref<1x80xi32, #tpu.memory_space<vmem>>
    %dma_wait3A_72 = tpu.memref_squeeze %dma_wait3A_71 : memref<1x80xi32, #tpu.memory_space<vmem>> -> memref<80xi32, #tpu.memory_space<vmem>>
    %dma_wait3A_73 = arith.constant 0 : i32
    %dma_wait3A_74 = arith.constant 0 : i32
    %dma_wait3A_75 = tpu.memref_slice %arg2[%dma_wait3A_73, %dma_wait3A_74] : memref<10000x64xf32, #tpu.memory_space<hbm>> -> memref<10000x64xf32, #tpu.memory_space<hbm>>
    tpu.wait_indirect_dma semaphore(%arg15 : memref<!tpu.dma_semaphore, #tpu.memory_space<semaphore_mem>>) src(%dma_wait3A_75 : memref<10000x64xf32, #tpu.memory_space<hbm>>) dst(%arg11 : memref<80x64xf32, #tpu.memory_space<vmem>>)
    %dma_start3A_76 = arith.constant 122 : i32
    %dma_start3A_77 = arith.constant 0 : i32
    %dma_start3A_78 = tpu.memref_slice %arg8[%dma_start3A_76, %dma_start3A_77] : memref<125x80xi32, #tpu.memory_space<vmem>> -> memref<1x80xi32, #tpu.memory_space<vmem>>
    %dma_start3A_79 = tpu.memref_squeeze %dma_start3A_78 : memref<1x80xi32, #tpu.memory_space<vmem>> -> memref<80xi32, #tpu.memory_space<vmem>>
    %dma_start3A_80 = arith.constant 0 : i32
    %dma_start3A_81 = arith.constant 0 : i32
    %dma_start3A_82 = tpu.memref_slice %arg12[%dma_start3A_80, %dma_start3A_81] : memref<10240x64xf32, #tpu.memory_space<vmem_shared>> -> memref<10240x64xf32, #tpu.memory_space<vmem_shared>>
    tpu.enqueue_indirect_dma source(%arg11 : memref<80x64xf32, #tpu.memory_space<vmem>>) target(%dma_start3A_82 : memref<10240x64xf32, #tpu.memory_space<vmem_shared>>) offsets(%dma_start3A_79 : memref<80xi32, #tpu.memory_space<vmem>>) semaphore(%arg18 : memref<!tpu.dma_semaphore, #tpu.memory_space<semaphore_mem>>) {add = true}
    %dma_wait3A_83 = arith.constant 0 : i32
    %dma_wait3A_84 = arith.constant 0 : i32
    %dma_wait3A_85 = tpu.memref_slice %arg8[%dma_wait3A_83, %dma_wait3A_84] : memref<125x80xi32, #tpu.memory_space<vmem>> -> memref<1x80xi32, #tpu.memory_space<vmem>>
    %dma_wait3A_86 = tpu.memref_squeeze %dma_wait3A_85 : memref<1x80xi32, #tpu.memory_space<vmem>> -> memref<80xi32, #tpu.memory_space<vmem>>
    %dma_wait3A_87 = arith.constant 0 : i32
    %dma_wait3A_88 = arith.constant 0 : i32
    %dma_wait3A_89 = tpu.memref_slice %arg12[%dma_wait3A_87, %dma_wait3A_88] : memref<10240x64xf32, #tpu.memory_space<vmem_shared>> -> memref<10240x64xf32, #tpu.memory_space<vmem_shared>>
    tpu.wait_indirect_dma semaphore(%arg17 : memref<!tpu.dma_semaphore, #tpu.memory_space<semaphore_mem>>) src(%arg10 : memref<80x64xf32, #tpu.memory_space<vmem>>) dst(%dma_wait3A_89 : memref<10240x64xf32, #tpu.memory_space<vmem_shared>>)
    %dma_start3A_90 = arith.constant 124 : i32
    %dma_start3A_91 = arith.constant 0 : i32
    %dma_start3A_92 = tpu.memref_slice %arg7[%dma_start3A_90, %dma_start3A_91] : memref<125x80xi32, #tpu.memory_space<vmem>> -> memref<1x80xi32, #tpu.memory_space<vmem>>
    %dma_start3A_93 = tpu.memref_squeeze %dma_start3A_92 : memref<1x80xi32, #tpu.memory_space<vmem>> -> memref<80xi32, #tpu.memory_space<vmem>>
    %dma_start3A_94 = arith.constant 0 : i32
    %dma_start3A_95 = arith.constant 0 : i32
    %dma_start3A_96 = tpu.memref_slice %arg2[%dma_start3A_94, %dma_start3A_95] : memref<10000x64xf32, #tpu.memory_space<hbm>> -> memref<10000x64xf32, #tpu.memory_space<hbm>>
    tpu.enqueue_indirect_dma source(%dma_start3A_96 : memref<10000x64xf32, #tpu.memory_space<hbm>>) target(%arg10 : memref<80x64xf32, #tpu.memory_space<vmem>>) offsets(%dma_start3A_93 : memref<80xi32, #tpu.memory_space<vmem>>) semaphore(%arg14 : memref<!tpu.dma_semaphore, #tpu.memory_space<semaphore_mem>>)
    %dma_wait3A_97 = arith.constant 0 : i32
    %dma_wait3A_98 = arith.constant 0 : i32
    %dma_wait3A_99 = tpu.memref_slice %arg7[%dma_wait3A_97, %dma_wait3A_98] : memref<125x80xi32, #tpu.memory_space<vmem>> -> memref<1x80xi32, #tpu.memory_space<vmem>>
    %dma_wait3A_100 = tpu.memref_squeeze %dma_wait3A_99 : memref<1x80xi32, #tpu.memory_space<vmem>> -> memref<80xi32, #tpu.memory_space<vmem>>
    %dma_wait3A_101 = arith.constant 0 : i32
    %dma_wait3A_102 = arith.constant 0 : i32
    %dma_wait3A_103 = tpu.memref_slice %arg2[%dma_wait3A_101, %dma_wait3A_102] : memref<10000x64xf32, #tpu.memory_space<hbm>> -> memref<10000x64xf32, #tpu.memory_space<hbm>>
    tpu.wait_indirect_dma semaphore(%arg13 : memref<!tpu.dma_semaphore, #tpu.memory_space<semaphore_mem>>) src(%dma_wait3A_103 : memref<10000x64xf32, #tpu.memory_space<hbm>>) dst(%arg9 : memref<80x64xf32, #tpu.memory_space<vmem>>)
    %dma_start3A_104 = arith.constant 123 : i32
    %dma_start3A_105 = arith.constant 0 : i32
    %dma_start3A_106 = tpu.memref_slice %arg8[%dma_start3A_104, %dma_start3A_105] : memref<125x80xi32, #tpu.memory_space<vmem>> -> memref<1x80xi32, #tpu.memory_space<vmem>>
    %dma_start3A_107 = tpu.memref_squeeze %dma_start3A_106 : memref<1x80xi32, #tpu.memory_space<vmem>> -> memref<80xi32, #tpu.memory_space<vmem>>
    %dma_start3A_108 = arith.constant 0 : i32
    %dma_start3A_109 = arith.constant 0 : i32
    %dma_start3A_110 = tpu.memref_slice %arg12[%dma_start3A_108, %dma_start3A_109] : memref<10240x64xf32, #tpu.memory_space<vmem_shared>> -> memref<10240x64xf32, #tpu.memory_space<vmem_shared>>
    tpu.enqueue_indirect_dma source(%arg9 : memref<80x64xf32, #tpu.memory_space<vmem>>) target(%dma_start3A_110 : memref<10240x64xf32, #tpu.memory_space<vmem_shared>>) offsets(%dma_start3A_107 : memref<80xi32, #tpu.memory_space<vmem>>) semaphore(%arg16 : memref<!tpu.dma_semaphore, #tpu.memory_space<semaphore_mem>>) {add = true}
    %dma_wait3A_111 = arith.constant 0 : i32
    %dma_wait3A_112 = arith.constant 0 : i32
    %dma_wait3A_113 = tpu.memref_slice %arg7[%dma_wait3A_111, %dma_wait3A_112] : memref<125x80xi32, #tpu.memory_space<vmem>> -> memref<1x80xi32, #tpu.memory_space<vmem>>
    %dma_wait3A_114 = tpu.memref_squeeze %dma_wait3A_113 : memref<1x80xi32, #tpu.memory_space<vmem>> -> memref<80xi32, #tpu.memory_space<vmem>>
    %dma_wait3A_115 = arith.constant 0 : i32
    %dma_wait3A_116 = arith.constant 0 : i32
    %dma_wait3A_117 = tpu.memref_slice %arg2[%dma_wait3A_115, %dma_wait3A_116] : memref<10000x64xf32, #tpu.memory_space<hbm>> -> memref<10000x64xf32, #tpu.memory_space<hbm>>
    tpu.wait_indirect_dma semaphore(%arg14 : memref<!tpu.dma_semaphore, #tpu.memory_space<semaphore_mem>>) src(%dma_wait3A_117 : memref<10000x64xf32, #tpu.memory_space<hbm>>) dst(%arg10 : memref<80x64xf32, #tpu.memory_space<vmem>>)
    %dma_start3A_118 = arith.constant 124 : i32
    %dma_start3A_119 = arith.constant 0 : i32
    %dma_start3A_120 = tpu.memref_slice %arg8[%dma_start3A_118, %dma_start3A_119] : memref<125x80xi32, #tpu.memory_space<vmem>> -> memref<1x80xi32, #tpu.memory_space<vmem>>
    %dma_start3A_121 = tpu.memref_squeeze %dma_start3A_120 : memref<1x80xi32, #tpu.memory_space<vmem>> -> memref<80xi32, #tpu.memory_space<vmem>>
    %dma_start3A_122 = arith.constant 0 : i32
    %dma_start3A_123 = arith.constant 0 : i32
    %dma_start3A_124 = tpu.memref_slice %arg12[%dma_start3A_122, %dma_start3A_123] : memref<10240x64xf32, #tpu.memory_space<vmem_shared>> -> memref<10240x64xf32, #tpu.memory_space<vmem_shared>>
    tpu.enqueue_indirect_dma source(%arg10 : memref<80x64xf32, #tpu.memory_space<vmem>>) target(%dma_start3A_124 : memref<10240x64xf32, #tpu.memory_space<vmem_shared>>) offsets(%dma_start3A_121 : memref<80xi32, #tpu.memory_space<vmem>>) semaphore(%arg17 : memref<!tpu.dma_semaphore, #tpu.memory_space<semaphore_mem>>) {add = true}
    %dma_wait3A_125 = arith.constant 0 : i32
    %dma_wait3A_126 = arith.constant 0 : i32
    %dma_wait3A_127 = tpu.memref_slice %arg8[%dma_wait3A_125, %dma_wait3A_126] : memref<125x80xi32, #tpu.memory_space<vmem>> -> memref<1x80xi32, #tpu.memory_space<vmem>>
    %dma_wait3A_128 = tpu.memref_squeeze %dma_wait3A_127 : memref<1x80xi32, #tpu.memory_space<vmem>> -> memref<80xi32, #tpu.memory_space<vmem>>
    %dma_wait3A_129 = arith.constant 0 : i32
    %dma_wait3A_130 = arith.constant 0 : i32
    %dma_wait3A_131 = tpu.memref_slice %arg12[%dma_wait3A_129, %dma_wait3A_130] : memref<10240x64xf32, #tpu.memory_space<vmem_shared>> -> memref<10240x64xf32, #tpu.memory_space<vmem_shared>>
    tpu.wait_indirect_dma semaphore(%arg18 : memref<!tpu.dma_semaphore, #tpu.memory_space<semaphore_mem>>) src(%arg11 : memref<80x64xf32, #tpu.memory_space<vmem>>) dst(%dma_wait3A_131 : memref<10240x64xf32, #tpu.memory_space<vmem_shared>>)
    %dma_wait3A_132 = arith.constant 0 : i32
    %dma_wait3A_133 = arith.constant 0 : i32
    %dma_wait3A_134 = tpu.memref_slice %arg8[%dma_wait3A_132, %dma_wait3A_133] : memref<125x80xi32, #tpu.memory_space<vmem>> -> memref<1x80xi32, #tpu.memory_space<vmem>>
    %dma_wait3A_135 = tpu.memref_squeeze %dma_wait3A_134 : memref<1x80xi32, #tpu.memory_space<vmem>> -> memref<80xi32, #tpu.memory_space<vmem>>
    %dma_wait3A_136 = arith.constant 0 : i32
    %dma_wait3A_137 = arith.constant 0 : i32
    %dma_wait3A_138 = tpu.memref_slice %arg12[%dma_wait3A_136, %dma_wait3A_137] : memref<10240x64xf32, #tpu.memory_space<vmem_shared>> -> memref<10240x64xf32, #tpu.memory_space<vmem_shared>>
    tpu.wait_indirect_dma semaphore(%arg16 : memref<!tpu.dma_semaphore, #tpu.memory_space<semaphore_mem>>) src(%arg9 : memref<80x64xf32, #tpu.memory_space<vmem>>) dst(%dma_wait3A_138 : memref<10240x64xf32, #tpu.memory_space<vmem_shared>>)
    %dma_wait3A_139 = arith.constant 0 : i32
    %dma_wait3A_140 = arith.constant 0 : i32
    %dma_wait3A_141 = tpu.memref_slice %arg8[%dma_wait3A_139, %dma_wait3A_140] : memref<125x80xi32, #tpu.memory_space<vmem>> -> memref<1x80xi32, #tpu.memory_space<vmem>>
    %dma_wait3A_142 = tpu.memref_squeeze %dma_wait3A_141 : memref<1x80xi32, #tpu.memory_space<vmem>> -> memref<80xi32, #tpu.memory_space<vmem>>
    %dma_wait3A_143 = arith.constant 0 : i32
    %dma_wait3A_144 = arith.constant 0 : i32
    %dma_wait3A_145 = tpu.memref_slice %arg12[%dma_wait3A_143, %dma_wait3A_144] : memref<10240x64xf32, #tpu.memory_space<vmem_shared>> -> memref<10240x64xf32, #tpu.memory_space<vmem_shared>>
    tpu.wait_indirect_dma semaphore(%arg17 : memref<!tpu.dma_semaphore, #tpu.memory_space<semaphore_mem>>) src(%arg10 : memref<80x64xf32, #tpu.memory_space<vmem>>) dst(%dma_wait3A_145 : memref<10240x64xf32, #tpu.memory_space<vmem_shared>>)
    %barrier3A_146 = arith.constant 0 : index
    tpu.barrier barrier_id(%barrier3A_146)
    %lt3A = arith.constant 15 : i32
    %lt3A_147 = arith.cmpi slt, %arg1, %lt3A : i32
    %convert_element_type3A = arith.extui %lt3A_147 : i1 to i32
    %cond3A = arith.constant 0 : i32
    %cond3A_148 = arith.cmpi ne, %convert_element_type3A, %cond3A : i32
    scf.if %cond3A_148 {
      "tpu.region"() ({
        %run_scoped3A = tpu.sem_alloc : memref<!tpu.dma_semaphore, #tpu.memory_space<semaphore_mem>>
        %dma_start3A_153 = arith.constant 0 : i32
        %dma_start3A_154 = tpu.memref_slice %arg6[%arg0, %multiple_of3A, %dma_start3A_153] : memref<2x10000x64xf32, #tpu.memory_space<hbm>> -> memref<1x640x64xf32, #tpu.memory_space<hbm>>
        %dma_start3A_155 = tpu.memref_squeeze %dma_start3A_154 : memref<1x640x64xf32, #tpu.memory_space<hbm>> -> memref<640x64xf32, #tpu.memory_space<hbm>>
        %dma_start3A_156 = arith.constant 0 : i32
        %dma_start3A_157 = tpu.memref_slice %arg12[%multiple_of3A, %dma_start3A_156] : memref<10240x64xf32, #tpu.memory_space<vmem_shared>> -> memref<640x64xf32, #tpu.memory_space<vmem_shared>>
        tpu.enqueue_dma source(%dma_start3A_157 : memref<640x64xf32, #tpu.memory_space<vmem_shared>>) target(%dma_start3A_155 : memref<640x64xf32, #tpu.memory_space<hbm>>) target_semaphore(%run_scoped3A : memref<!tpu.dma_semaphore, #tpu.memory_space<semaphore_mem>>)
        %dma_wait3A_158 = arith.constant 0 : i32
        %dma_wait3A_159 = tpu.memref_slice %arg6[%arg0, %multiple_of3A, %dma_wait3A_158] : memref<2x10000x64xf32, #tpu.memory_space<hbm>> -> memref<1x640x64xf32, #tpu.memory_space<hbm>>
        %dma_wait3A_160 = tpu.memref_squeeze %dma_wait3A_159 : memref<1x640x64xf32, #tpu.memory_space<hbm>> -> memref<640x64xf32, #tpu.memory_space<hbm>>
        %dma_wait3A_161 = arith.constant 0 : i32
        %dma_wait3A_162 = tpu.memref_slice %arg12[%multiple_of3A, %dma_wait3A_161] : memref<10240x64xf32, #tpu.memory_space<vmem_shared>> -> memref<640x64xf32, #tpu.memory_space<vmem_shared>>
        tpu.wait_dma2 semaphore(%run_scoped3A : memref<!tpu.dma_semaphore, #tpu.memory_space<semaphore_mem>>) src(%dma_wait3A_162 : memref<640x64xf32, #tpu.memory_space<vmem_shared>>) dst(%dma_wait3A_160 : memref<640x64xf32, #tpu.memory_space<hbm>>)
        tpu.yield
      }) : () -> ()
    } else {
    }
    %eq3A = arith.constant 15 : i32
    %eq3A_149 = arith.cmpi eq, %arg1, %eq3A : i32
    %convert_element_type3A_150 = arith.extui %eq3A_149 : i1 to i32
    %cond3A_151 = arith.constant 0 : i32
    %cond3A_152 = arith.cmpi ne, %convert_element_type3A_150, %cond3A_151 : i32
    scf.if %cond3A_152 {
      "tpu.region"() ({
        %run_scoped3A = tpu.sem_alloc : memref<!tpu.dma_semaphore, #tpu.memory_space<semaphore_mem>>
        %dma_start3A_153 = arith.constant 0 : i32
        %dma_start3A_154 = tpu.memref_slice %arg6[%arg0, %multiple_of3A, %dma_start3A_153] : memref<2x10000x64xf32, #tpu.memory_space<hbm>> -> memref<1x400x64xf32, #tpu.memory_space<hbm>>
        %dma_start3A_155 = tpu.memref_squeeze %dma_start3A_154 : memref<1x400x64xf32, #tpu.memory_space<hbm>> -> memref<400x64xf32, #tpu.memory_space<hbm>>
        %dma_start3A_156 = arith.constant 0 : i32
        %dma_start3A_157 = tpu.memref_slice %arg12[%multiple_of3A, %dma_start3A_156] : memref<10240x64xf32, #tpu.memory_space<vmem_shared>> -> memref<400x64xf32, #tpu.memory_space<vmem_shared>>
        tpu.enqueue_dma source(%dma_start3A_157 : memref<400x64xf32, #tpu.memory_space<vmem_shared>>) target(%dma_start3A_155 : memref<400x64xf32, #tpu.memory_space<hbm>>) target_semaphore(%run_scoped3A : memref<!tpu.dma_semaphore, #tpu.memory_space<semaphore_mem>>)
        %dma_wait3A_158 = arith.constant 0 : i32
        %dma_wait3A_159 = tpu.memref_slice %arg6[%arg0, %multiple_of3A, %dma_wait3A_158] : memref<2x10000x64xf32, #tpu.memory_space<hbm>> -> memref<1x400x64xf32, #tpu.memory_space<hbm>>
        %dma_wait3A_160 = tpu.memref_squeeze %dma_wait3A_159 : memref<1x400x64xf32, #tpu.memory_space<hbm>> -> memref<400x64xf32, #tpu.memory_space<hbm>>
        %dma_wait3A_161 = arith.constant 0 : i32
        %dma_wait3A_162 = tpu.memref_slice %arg12[%multiple_of3A, %dma_wait3A_161] : memref<10240x64xf32, #tpu.memory_space<vmem_shared>> -> memref<400x64xf32, #tpu.memory_space<vmem_shared>>
        tpu.wait_dma2 semaphore(%run_scoped3A : memref<!tpu.dma_semaphore, #tpu.memory_space<semaphore_mem>>) src(%dma_wait3A_162 : memref<400x64xf32, #tpu.memory_space<vmem_shared>>) dst(%dma_wait3A_160 : memref<400x64xf32, #tpu.memory_space<hbm>>)
        tpu.yield
      }) : () -> ()
    } else {
    }
    return
  }
}

#map = affine_map<(d0, d1) -> (0, 0)>
#map1 = affine_map<(d0, d1) -> (0, 0, 0)>
#map2 = affine_map<(d0, d1) -> (0)>
module attributes {stable_mosaic.version = 14 : i64} {
  func.func @body(%arg0: i32, %arg1: i32, %arg2: memref<10000x128xf32, #tpu.memory_space<hbm>>, %arg3: memref<32x125x80xi32, #tpu.memory_space<hbm>>, %arg4: memref<32x125x80xi32, #tpu.memory_space<hbm>>, %arg5: memref<640x128xf32, #tpu.memory_space<hbm>>, %arg6: memref<640xf32, #tpu.memory_space<hbm>>, %arg7: memref<80xf32, #tpu.memory_space<hbm>>, %arg8: memref<2x10000x128xf32, #tpu.memory_space<hbm>>, %arg9: memref<20000xf32, #tpu.memory_space<hbm>>, %arg10: memref<3x80xi32, #tpu.memory_space<vmem>>, %arg11: memref<125x80xi32, #tpu.memory_space<vmem>>, %arg12: memref<80x128xf32, #tpu.memory_space<vmem>>, %arg13: memref<80x128xf32, #tpu.memory_space<vmem>>, %arg14: memref<80x128xf32, #tpu.memory_space<vmem>>, %arg15: memref<10240x128xf32, #tpu.memory_space<vmem_shared>>, %arg16: memref<!tpu.dma_semaphore, #tpu.memory_space<semaphore_mem>>, %arg17: memref<!tpu.dma_semaphore, #tpu.memory_space<semaphore_mem>>, %arg18: memref<!tpu.dma_semaphore, #tpu.memory_space<semaphore_mem>>, %arg19: memref<!tpu.dma_semaphore, #tpu.memory_space<semaphore_mem>>, %arg20: memref<!tpu.dma_semaphore, #tpu.memory_space<semaphore_mem>>, %arg21: memref<!tpu.dma_semaphore, #tpu.memory_space<semaphore_mem>>, %arg22: memref<!tpu.dma_semaphore, #tpu.memory_space<semaphore_mem>>, %arg23: memref<!tpu.dma_semaphore, #tpu.memory_space<semaphore_mem>>, %arg24: memref<!tpu.dma_semaphore, #tpu.memory_space<semaphore_mem>>, %arg25: memref<80xf32, #tpu.memory_space<vmem>>, %arg26: memref<10240xf32, #tpu.memory_space<vmem_shared>>, %arg27: memref<640xf32, #tpu.memory_space<vmem>>, %arg28: memref<!tpu.dma_semaphore, #tpu.memory_space<semaphore_mem>>) attributes {dimension_semantics = [#tpu.dimension_semantics<core_parallel>, #tpu.dimension_semantics<subcore_parallel>], iteration_bounds = array<i64: 2, 16>, scalar_prefetch = 0 : i64, scratch_operands = 19 : i64, tpu.core_type = #tpu.core_type<sc_vector_subcore>, window_params = [{transform_indices = #map}, {transform_indices = #map1}, {transform_indices = #map1}, {transform_indices = #map}, {transform_indices = #map2}, {transform_indices = #map2}, {transform_indices = #map1}, {transform_indices = #map2}]} {
    %mul3A = arith.constant 16 : i32
    %mul3A_0 = arith.muli %arg0, %mul3A : i32
    %add3A = arith.addi %mul3A_0, %arg1 : i32
    %mul3A_1 = arith.constant 640 : i32
    %mul3A_2 = arith.muli %arg1, %mul3A_1 : i32
    %multiple_of3A = tpu.assume_multiple %mul3A_2, 8 : i32
    "tpu.region"() ({
      %run_scoped3A = tpu.sem_alloc : memref<!tpu.dma_semaphore, #tpu.memory_space<semaphore_mem>>
      %dma_start3A_331 = arith.constant 0 : i32
      %dma_start3A_332 = arith.constant 0 : i32
      %dma_start3A_333 = tpu.memref_slice %arg4[%add3A, %dma_start3A_331, %dma_start3A_332] : memref<32x125x80xi32, #tpu.memory_space<hbm>> -> memref<1x125x80xi32, #tpu.memory_space<hbm>>
      %dma_start3A_334 = tpu.memref_squeeze %dma_start3A_333 : memref<1x125x80xi32, #tpu.memory_space<hbm>> -> memref<125x80xi32, #tpu.memory_space<hbm>>
      %dma_start3A_335 = arith.constant 0 : i32
      %dma_start3A_336 = arith.constant 0 : i32
      %dma_start3A_337 = tpu.memref_slice %arg4[%add3A, %dma_start3A_335, %dma_start3A_336] : memref<32x125x80xi32, #tpu.memory_space<hbm>> -> memref<1x125x80xi32, #tpu.memory_space<hbm>>
      %dma_start3A_338 = tpu.memref_squeeze %dma_start3A_337 : memref<1x125x80xi32, #tpu.memory_space<hbm>> -> memref<125x80xi32, #tpu.memory_space<hbm>>
      tpu.enqueue_dma source(%dma_start3A_338 : memref<125x80xi32, #tpu.memory_space<hbm>>) target(%arg11 : memref<125x80xi32, #tpu.memory_space<vmem>>) target_semaphore(%run_scoped3A : memref<!tpu.dma_semaphore, #tpu.memory_space<semaphore_mem>>)
      %dma_wait3A_339 = arith.constant 0 : i32
      %dma_wait3A_340 = arith.constant 0 : i32
      %dma_wait3A_341 = tpu.memref_slice %arg4[%add3A, %dma_wait3A_339, %dma_wait3A_340] : memref<32x125x80xi32, #tpu.memory_space<hbm>> -> memref<1x125x80xi32, #tpu.memory_space<hbm>>
      %dma_wait3A_342 = tpu.memref_squeeze %dma_wait3A_341 : memref<1x125x80xi32, #tpu.memory_space<hbm>> -> memref<125x80xi32, #tpu.memory_space<hbm>>
      %dma_wait3A_343 = arith.constant 0 : i32
      %dma_wait3A_344 = arith.constant 0 : i32
      %dma_wait3A_345 = tpu.memref_slice %arg4[%add3A, %dma_wait3A_343, %dma_wait3A_344] : memref<32x125x80xi32, #tpu.memory_space<hbm>> -> memref<1x125x80xi32, #tpu.memory_space<hbm>>
      %dma_wait3A_346 = tpu.memref_squeeze %dma_wait3A_345 : memref<1x125x80xi32, #tpu.memory_space<hbm>> -> memref<125x80xi32, #tpu.memory_space<hbm>>
      tpu.wait_dma2 semaphore(%run_scoped3A : memref<!tpu.dma_semaphore, #tpu.memory_space<semaphore_mem>>) src(%dma_wait3A_346 : memref<125x80xi32, #tpu.memory_space<hbm>>) dst(%arg11 : memref<125x80xi32, #tpu.memory_space<vmem>>)
      tpu.yield
    }) : () -> ()
    "tpu.region"() ({
      %run_scoped3A = tpu.sem_alloc : memref<!tpu.dma_semaphore, #tpu.memory_space<semaphore_mem>>
      %dma_start3A_331 = arith.constant 0 : i32
      %dma_start3A_332 = tpu.memref_slice %arg15[%multiple_of3A, %dma_start3A_331] : memref<10240x128xf32, #tpu.memory_space<vmem_shared>> -> memref<640x128xf32, #tpu.memory_space<vmem_shared>>
      tpu.enqueue_dma source(%arg5 : memref<640x128xf32, #tpu.memory_space<hbm>>) target(%dma_start3A_332 : memref<640x128xf32, #tpu.memory_space<vmem_shared>>) target_semaphore(%run_scoped3A : memref<!tpu.dma_semaphore, #tpu.memory_space<semaphore_mem>>)
      %dma_wait3A_333 = arith.constant 0 : i32
      %dma_wait3A_334 = tpu.memref_slice %arg15[%multiple_of3A, %dma_wait3A_333] : memref<10240x128xf32, #tpu.memory_space<vmem_shared>> -> memref<640x128xf32, #tpu.memory_space<vmem_shared>>
      tpu.wait_dma2 semaphore(%run_scoped3A : memref<!tpu.dma_semaphore, #tpu.memory_space<semaphore_mem>>) src(%arg5 : memref<640x128xf32, #tpu.memory_space<hbm>>) dst(%dma_wait3A_334 : memref<640x128xf32, #tpu.memory_space<vmem_shared>>)
      tpu.yield
    }) : () -> ()
    "tpu.region"() ({
      %run_scoped3A = tpu.sem_alloc : memref<!tpu.dma_semaphore, #tpu.memory_space<semaphore_mem>>
      tpu.enqueue_dma source(%arg6 : memref<640xf32, #tpu.memory_space<hbm>>) target(%arg27 : memref<640xf32, #tpu.memory_space<vmem>>) target_semaphore(%run_scoped3A : memref<!tpu.dma_semaphore, #tpu.memory_space<semaphore_mem>>)
      tpu.wait_dma2 semaphore(%run_scoped3A : memref<!tpu.dma_semaphore, #tpu.memory_space<semaphore_mem>>) src(%arg6 : memref<640xf32, #tpu.memory_space<hbm>>) dst(%arg27 : memref<640xf32, #tpu.memory_space<vmem>>)
      tpu.yield
    }) : () -> ()
    "tpu.region"() ({
      %run_scoped3A = tpu.sem_alloc : memref<!tpu.dma_semaphore, #tpu.memory_space<semaphore_mem>>
      %dma_start3A_331 = tpu.memref_slice %arg26[%multiple_of3A] : memref<10240xf32, #tpu.memory_space<vmem_shared>> -> memref<640xf32, #tpu.memory_space<vmem_shared>>
      %dma_start3A_332 = tpu.memref_slice %arg26[%multiple_of3A] : memref<10240xf32, #tpu.memory_space<vmem_shared>> -> memref<640xf32, #tpu.memory_space<vmem_shared>>
      tpu.enqueue_dma source(%arg27 : memref<640xf32, #tpu.memory_space<vmem>>) target(%dma_start3A_332 : memref<640xf32, #tpu.memory_space<vmem_shared>>) target_semaphore(%run_scoped3A : memref<!tpu.dma_semaphore, #tpu.memory_space<semaphore_mem>>)
      %dma_wait3A_333 = tpu.memref_slice %arg26[%multiple_of3A] : memref<10240xf32, #tpu.memory_space<vmem_shared>> -> memref<640xf32, #tpu.memory_space<vmem_shared>>
      %dma_wait3A_334 = tpu.memref_slice %arg26[%multiple_of3A] : memref<10240xf32, #tpu.memory_space<vmem_shared>> -> memref<640xf32, #tpu.memory_space<vmem_shared>>
      tpu.wait_dma2 semaphore(%run_scoped3A : memref<!tpu.dma_semaphore, #tpu.memory_space<semaphore_mem>>) src(%arg27 : memref<640xf32, #tpu.memory_space<vmem>>) dst(%dma_wait3A_334 : memref<640xf32, #tpu.memory_space<vmem_shared>>)
      tpu.yield
    }) : () -> ()
    "tpu.region"() ({
      %run_scoped3A = tpu.sem_alloc : memref<!tpu.dma_semaphore, #tpu.memory_space<semaphore_mem>>
      tpu.enqueue_dma source(%arg7 : memref<80xf32, #tpu.memory_space<hbm>>) target(%arg25 : memref<80xf32, #tpu.memory_space<vmem>>) target_semaphore(%run_scoped3A : memref<!tpu.dma_semaphore, #tpu.memory_space<semaphore_mem>>)
      tpu.wait_dma2 semaphore(%run_scoped3A : memref<!tpu.dma_semaphore, #tpu.memory_space<semaphore_mem>>) src(%arg7 : memref<80xf32, #tpu.memory_space<hbm>>) dst(%arg25 : memref<80xf32, #tpu.memory_space<vmem>>)
      tpu.yield
    }) : () -> ()
    %barrier3A = arith.constant 0 : index
    tpu.barrier barrier_id(%barrier3A)
    %dma_start3A = arith.constant 0 : i32
    %dma_start3A_3 = arith.constant 0 : i32
    %dma_start3A_4 = arith.constant 0 : i32
    %dma_start3A_5 = tpu.memref_slice %arg10[%dma_start3A_3, %dma_start3A_4] : memref<3x80xi32, #tpu.memory_space<vmem>> -> memref<1x80xi32, #tpu.memory_space<vmem>>
    %dma_start3A_6 = tpu.memref_squeeze %dma_start3A_5 : memref<1x80xi32, #tpu.memory_space<vmem>> -> memref<80xi32, #tpu.memory_space<vmem>>
    %dma_start3A_7 = arith.constant 0 : i32
    %dma_start3A_8 = tpu.memref_slice %arg3[%add3A, %dma_start3A, %dma_start3A_7] : memref<32x125x80xi32, #tpu.memory_space<hbm>> -> memref<1x1x80xi32, #tpu.memory_space<hbm>>
    %dma_start3A_9 = tpu.memref_squeeze %dma_start3A_8 : memref<1x1x80xi32, #tpu.memory_space<hbm>> -> memref<80xi32, #tpu.memory_space<hbm>>
    %dma_start3A_10 = arith.constant 0 : i32
    %dma_start3A_11 = tpu.memref_slice %arg10[%dma_start3A_3, %dma_start3A_10] : memref<3x80xi32, #tpu.memory_space<vmem>> -> memref<1x80xi32, #tpu.memory_space<vmem>>
    %dma_start3A_12 = tpu.memref_squeeze %dma_start3A_11 : memref<1x80xi32, #tpu.memory_space<vmem>> -> memref<80xi32, #tpu.memory_space<vmem>>
    %dma_start3A_13 = arith.constant 0 : i32
    %dma_start3A_14 = tpu.memref_slice %arg3[%add3A, %dma_start3A, %dma_start3A_13] : memref<32x125x80xi32, #tpu.memory_space<hbm>> -> memref<1x1x80xi32, #tpu.memory_space<hbm>>
    %dma_start3A_15 = tpu.memref_squeeze %dma_start3A_14 : memref<1x1x80xi32, #tpu.memory_space<hbm>> -> memref<80xi32, #tpu.memory_space<hbm>>
    tpu.enqueue_dma source(%dma_start3A_15 : memref<80xi32, #tpu.memory_space<hbm>>) target(%dma_start3A_12 : memref<80xi32, #tpu.memory_space<vmem>>) target_semaphore(%arg22 : memref<!tpu.dma_semaphore, #tpu.memory_space<semaphore_mem>>)
    %dma_start3A_16 = arith.constant 1 : i32
    %dma_start3A_17 = arith.constant 1 : i32
    %dma_start3A_18 = arith.constant 0 : i32
    %dma_start3A_19 = tpu.memref_slice %arg10[%dma_start3A_17, %dma_start3A_18] : memref<3x80xi32, #tpu.memory_space<vmem>> -> memref<1x80xi32, #tpu.memory_space<vmem>>
    %dma_start3A_20 = tpu.memref_squeeze %dma_start3A_19 : memref<1x80xi32, #tpu.memory_space<vmem>> -> memref<80xi32, #tpu.memory_space<vmem>>
    %dma_start3A_21 = arith.constant 0 : i32
    %dma_start3A_22 = tpu.memref_slice %arg3[%add3A, %dma_start3A_16, %dma_start3A_21] : memref<32x125x80xi32, #tpu.memory_space<hbm>> -> memref<1x1x80xi32, #tpu.memory_space<hbm>>
    %dma_start3A_23 = tpu.memref_squeeze %dma_start3A_22 : memref<1x1x80xi32, #tpu.memory_space<hbm>> -> memref<80xi32, #tpu.memory_space<hbm>>
    %dma_start3A_24 = arith.constant 0 : i32
    %dma_start3A_25 = tpu.memref_slice %arg10[%dma_start3A_17, %dma_start3A_24] : memref<3x80xi32, #tpu.memory_space<vmem>> -> memref<1x80xi32, #tpu.memory_space<vmem>>
    %dma_start3A_26 = tpu.memref_squeeze %dma_start3A_25 : memref<1x80xi32, #tpu.memory_space<vmem>> -> memref<80xi32, #tpu.memory_space<vmem>>
    %dma_start3A_27 = arith.constant 0 : i32
    %dma_start3A_28 = tpu.memref_slice %arg3[%add3A, %dma_start3A_16, %dma_start3A_27] : memref<32x125x80xi32, #tpu.memory_space<hbm>> -> memref<1x1x80xi32, #tpu.memory_space<hbm>>
    %dma_start3A_29 = tpu.memref_squeeze %dma_start3A_28 : memref<1x1x80xi32, #tpu.memory_space<hbm>> -> memref<80xi32, #tpu.memory_space<hbm>>
    tpu.enqueue_dma source(%dma_start3A_29 : memref<80xi32, #tpu.memory_space<hbm>>) target(%dma_start3A_26 : memref<80xi32, #tpu.memory_space<vmem>>) target_semaphore(%arg23 : memref<!tpu.dma_semaphore, #tpu.memory_space<semaphore_mem>>)
    %dma_start3A_30 = arith.constant 2 : i32
    %dma_start3A_31 = arith.constant 2 : i32
    %dma_start3A_32 = arith.constant 0 : i32
    %dma_start3A_33 = tpu.memref_slice %arg10[%dma_start3A_31, %dma_start3A_32] : memref<3x80xi32, #tpu.memory_space<vmem>> -> memref<1x80xi32, #tpu.memory_space<vmem>>
    %dma_start3A_34 = tpu.memref_squeeze %dma_start3A_33 : memref<1x80xi32, #tpu.memory_space<vmem>> -> memref<80xi32, #tpu.memory_space<vmem>>
    %dma_start3A_35 = arith.constant 0 : i32
    %dma_start3A_36 = tpu.memref_slice %arg3[%add3A, %dma_start3A_30, %dma_start3A_35] : memref<32x125x80xi32, #tpu.memory_space<hbm>> -> memref<1x1x80xi32, #tpu.memory_space<hbm>>
    %dma_start3A_37 = tpu.memref_squeeze %dma_start3A_36 : memref<1x1x80xi32, #tpu.memory_space<hbm>> -> memref<80xi32, #tpu.memory_space<hbm>>
    %dma_start3A_38 = arith.constant 0 : i32
    %dma_start3A_39 = tpu.memref_slice %arg10[%dma_start3A_31, %dma_start3A_38] : memref<3x80xi32, #tpu.memory_space<vmem>> -> memref<1x80xi32, #tpu.memory_space<vmem>>
    %dma_start3A_40 = tpu.memref_squeeze %dma_start3A_39 : memref<1x80xi32, #tpu.memory_space<vmem>> -> memref<80xi32, #tpu.memory_space<vmem>>
    %dma_start3A_41 = arith.constant 0 : i32
    %dma_start3A_42 = tpu.memref_slice %arg3[%add3A, %dma_start3A_30, %dma_start3A_41] : memref<32x125x80xi32, #tpu.memory_space<hbm>> -> memref<1x1x80xi32, #tpu.memory_space<hbm>>
    %dma_start3A_43 = tpu.memref_squeeze %dma_start3A_42 : memref<1x1x80xi32, #tpu.memory_space<hbm>> -> memref<80xi32, #tpu.memory_space<hbm>>
    tpu.enqueue_dma source(%dma_start3A_43 : memref<80xi32, #tpu.memory_space<hbm>>) target(%dma_start3A_40 : memref<80xi32, #tpu.memory_space<vmem>>) target_semaphore(%arg24 : memref<!tpu.dma_semaphore, #tpu.memory_space<semaphore_mem>>)
    %dma_wait3A = arith.constant 0 : i32
    %dma_wait3A_44 = arith.constant 0 : i32
    %dma_wait3A_45 = arith.constant 0 : i32
    %dma_wait3A_46 = tpu.memref_slice %arg10[%dma_wait3A_44, %dma_wait3A_45] : memref<3x80xi32, #tpu.memory_space<vmem>> -> memref<1x80xi32, #tpu.memory_space<vmem>>
    %dma_wait3A_47 = tpu.memref_squeeze %dma_wait3A_46 : memref<1x80xi32, #tpu.memory_space<vmem>> -> memref<80xi32, #tpu.memory_space<vmem>>
    %dma_wait3A_48 = arith.constant 0 : i32
    %dma_wait3A_49 = tpu.memref_slice %arg3[%add3A, %dma_wait3A, %dma_wait3A_48] : memref<32x125x80xi32, #tpu.memory_space<hbm>> -> memref<1x1x80xi32, #tpu.memory_space<hbm>>
    %dma_wait3A_50 = tpu.memref_squeeze %dma_wait3A_49 : memref<1x1x80xi32, #tpu.memory_space<hbm>> -> memref<80xi32, #tpu.memory_space<hbm>>
    %dma_wait3A_51 = arith.constant 0 : i32
    %dma_wait3A_52 = tpu.memref_slice %arg10[%dma_wait3A_44, %dma_wait3A_51] : memref<3x80xi32, #tpu.memory_space<vmem>> -> memref<1x80xi32, #tpu.memory_space<vmem>>
    %dma_wait3A_53 = tpu.memref_squeeze %dma_wait3A_52 : memref<1x80xi32, #tpu.memory_space<vmem>> -> memref<80xi32, #tpu.memory_space<vmem>>
    %dma_wait3A_54 = arith.constant 0 : i32
    %dma_wait3A_55 = tpu.memref_slice %arg3[%add3A, %dma_wait3A, %dma_wait3A_54] : memref<32x125x80xi32, #tpu.memory_space<hbm>> -> memref<1x1x80xi32, #tpu.memory_space<hbm>>
    %dma_wait3A_56 = tpu.memref_squeeze %dma_wait3A_55 : memref<1x1x80xi32, #tpu.memory_space<hbm>> -> memref<80xi32, #tpu.memory_space<hbm>>
    tpu.wait_dma2 semaphore(%arg22 : memref<!tpu.dma_semaphore, #tpu.memory_space<semaphore_mem>>) src(%dma_wait3A_56 : memref<80xi32, #tpu.memory_space<hbm>>) dst(%dma_wait3A_53 : memref<80xi32, #tpu.memory_space<vmem>>)
    %dma_wait3A_57 = arith.constant 0 : i32
    %dma_wait3A_58 = arith.constant 1 : i32
    %dma_wait3A_59 = arith.constant 0 : i32
    %dma_wait3A_60 = tpu.memref_slice %arg10[%dma_wait3A_58, %dma_wait3A_59] : memref<3x80xi32, #tpu.memory_space<vmem>> -> memref<1x80xi32, #tpu.memory_space<vmem>>
    %dma_wait3A_61 = tpu.memref_squeeze %dma_wait3A_60 : memref<1x80xi32, #tpu.memory_space<vmem>> -> memref<80xi32, #tpu.memory_space<vmem>>
    %dma_wait3A_62 = arith.constant 0 : i32
    %dma_wait3A_63 = tpu.memref_slice %arg3[%add3A, %dma_wait3A_57, %dma_wait3A_62] : memref<32x125x80xi32, #tpu.memory_space<hbm>> -> memref<1x1x80xi32, #tpu.memory_space<hbm>>
    %dma_wait3A_64 = tpu.memref_squeeze %dma_wait3A_63 : memref<1x1x80xi32, #tpu.memory_space<hbm>> -> memref<80xi32, #tpu.memory_space<hbm>>
    %dma_wait3A_65 = arith.constant 0 : i32
    %dma_wait3A_66 = tpu.memref_slice %arg10[%dma_wait3A_58, %dma_wait3A_65] : memref<3x80xi32, #tpu.memory_space<vmem>> -> memref<1x80xi32, #tpu.memory_space<vmem>>
    %dma_wait3A_67 = tpu.memref_squeeze %dma_wait3A_66 : memref<1x80xi32, #tpu.memory_space<vmem>> -> memref<80xi32, #tpu.memory_space<vmem>>
    %dma_wait3A_68 = arith.constant 0 : i32
    %dma_wait3A_69 = tpu.memref_slice %arg3[%add3A, %dma_wait3A_57, %dma_wait3A_68] : memref<32x125x80xi32, #tpu.memory_space<hbm>> -> memref<1x1x80xi32, #tpu.memory_space<hbm>>
    %dma_wait3A_70 = tpu.memref_squeeze %dma_wait3A_69 : memref<1x1x80xi32, #tpu.memory_space<hbm>> -> memref<80xi32, #tpu.memory_space<hbm>>
    tpu.wait_dma2 semaphore(%arg23 : memref<!tpu.dma_semaphore, #tpu.memory_space<semaphore_mem>>) src(%dma_wait3A_70 : memref<80xi32, #tpu.memory_space<hbm>>) dst(%dma_wait3A_67 : memref<80xi32, #tpu.memory_space<vmem>>)
    %dma_wait3A_71 = arith.constant 0 : i32
    %dma_wait3A_72 = arith.constant 2 : i32
    %dma_wait3A_73 = arith.constant 0 : i32
    %dma_wait3A_74 = tpu.memref_slice %arg10[%dma_wait3A_72, %dma_wait3A_73] : memref<3x80xi32, #tpu.memory_space<vmem>> -> memref<1x80xi32, #tpu.memory_space<vmem>>
    %dma_wait3A_75 = tpu.memref_squeeze %dma_wait3A_74 : memref<1x80xi32, #tpu.memory_space<vmem>> -> memref<80xi32, #tpu.memory_space<vmem>>
    %dma_wait3A_76 = arith.constant 0 : i32
    %dma_wait3A_77 = tpu.memref_slice %arg3[%add3A, %dma_wait3A_71, %dma_wait3A_76] : memref<32x125x80xi32, #tpu.memory_space<hbm>> -> memref<1x1x80xi32, #tpu.memory_space<hbm>>
    %dma_wait3A_78 = tpu.memref_squeeze %dma_wait3A_77 : memref<1x1x80xi32, #tpu.memory_space<hbm>> -> memref<80xi32, #tpu.memory_space<hbm>>
    %dma_wait3A_79 = arith.constant 0 : i32
    %dma_wait3A_80 = tpu.memref_slice %arg10[%dma_wait3A_72, %dma_wait3A_79] : memref<3x80xi32, #tpu.memory_space<vmem>> -> memref<1x80xi32, #tpu.memory_space<vmem>>
    %dma_wait3A_81 = tpu.memref_squeeze %dma_wait3A_80 : memref<1x80xi32, #tpu.memory_space<vmem>> -> memref<80xi32, #tpu.memory_space<vmem>>
    %dma_wait3A_82 = arith.constant 0 : i32
    %dma_wait3A_83 = tpu.memref_slice %arg3[%add3A, %dma_wait3A_71, %dma_wait3A_82] : memref<32x125x80xi32, #tpu.memory_space<hbm>> -> memref<1x1x80xi32, #tpu.memory_space<hbm>>
    %dma_wait3A_84 = tpu.memref_squeeze %dma_wait3A_83 : memref<1x1x80xi32, #tpu.memory_space<hbm>> -> memref<80xi32, #tpu.memory_space<hbm>>
    tpu.wait_dma2 semaphore(%arg24 : memref<!tpu.dma_semaphore, #tpu.memory_space<semaphore_mem>>) src(%dma_wait3A_84 : memref<80xi32, #tpu.memory_space<hbm>>) dst(%dma_wait3A_81 : memref<80xi32, #tpu.memory_space<vmem>>)
    %dma_start3A_85 = arith.constant 0 : i32
    %dma_start3A_86 = arith.constant 0 : i32
    %dma_start3A_87 = tpu.memref_slice %arg10[%dma_start3A_85, %dma_start3A_86] : memref<3x80xi32, #tpu.memory_space<vmem>> -> memref<1x80xi32, #tpu.memory_space<vmem>>
    %dma_start3A_88 = tpu.memref_squeeze %dma_start3A_87 : memref<1x80xi32, #tpu.memory_space<vmem>> -> memref<80xi32, #tpu.memory_space<vmem>>
    %dma_start3A_89 = arith.constant 0 : i32
    %dma_start3A_90 = arith.constant 0 : i32
    %dma_start3A_91 = tpu.memref_slice %arg2[%dma_start3A_89, %dma_start3A_90] : memref<10000x128xf32, #tpu.memory_space<hbm>> -> memref<10000x128xf32, #tpu.memory_space<hbm>>
    tpu.enqueue_indirect_dma source(%dma_start3A_91 : memref<10000x128xf32, #tpu.memory_space<hbm>>) target(%arg12 : memref<80x128xf32, #tpu.memory_space<vmem>>) offsets(%dma_start3A_88 : memref<80xi32, #tpu.memory_space<vmem>>) semaphore(%arg16 : memref<!tpu.dma_semaphore, #tpu.memory_space<semaphore_mem>>)
    %dma_start3A_92 = arith.constant 1 : i32
    %dma_start3A_93 = arith.constant 0 : i32
    %dma_start3A_94 = tpu.memref_slice %arg10[%dma_start3A_92, %dma_start3A_93] : memref<3x80xi32, #tpu.memory_space<vmem>> -> memref<1x80xi32, #tpu.memory_space<vmem>>
    %dma_start3A_95 = tpu.memref_squeeze %dma_start3A_94 : memref<1x80xi32, #tpu.memory_space<vmem>> -> memref<80xi32, #tpu.memory_space<vmem>>
    %dma_start3A_96 = arith.constant 0 : i32
    %dma_start3A_97 = arith.constant 0 : i32
    %dma_start3A_98 = tpu.memref_slice %arg2[%dma_start3A_96, %dma_start3A_97] : memref<10000x128xf32, #tpu.memory_space<hbm>> -> memref<10000x128xf32, #tpu.memory_space<hbm>>
    tpu.enqueue_indirect_dma source(%dma_start3A_98 : memref<10000x128xf32, #tpu.memory_space<hbm>>) target(%arg13 : memref<80x128xf32, #tpu.memory_space<vmem>>) offsets(%dma_start3A_95 : memref<80xi32, #tpu.memory_space<vmem>>) semaphore(%arg17 : memref<!tpu.dma_semaphore, #tpu.memory_space<semaphore_mem>>)
    %dma_wait3A_99 = arith.constant 0 : i32
    %dma_wait3A_100 = arith.constant 0 : i32
    %dma_wait3A_101 = tpu.memref_slice %arg10[%dma_wait3A_99, %dma_wait3A_100] : memref<3x80xi32, #tpu.memory_space<vmem>> -> memref<1x80xi32, #tpu.memory_space<vmem>>
    %dma_wait3A_102 = tpu.memref_squeeze %dma_wait3A_101 : memref<1x80xi32, #tpu.memory_space<vmem>> -> memref<80xi32, #tpu.memory_space<vmem>>
    %dma_wait3A_103 = arith.constant 0 : i32
    %dma_wait3A_104 = arith.constant 0 : i32
    %dma_wait3A_105 = tpu.memref_slice %arg2[%dma_wait3A_103, %dma_wait3A_104] : memref<10000x128xf32, #tpu.memory_space<hbm>> -> memref<10000x128xf32, #tpu.memory_space<hbm>>
    tpu.wait_indirect_dma semaphore(%arg16 : memref<!tpu.dma_semaphore, #tpu.memory_space<semaphore_mem>>) src(%dma_wait3A_105 : memref<10000x128xf32, #tpu.memory_space<hbm>>) dst(%arg12 : memref<80x128xf32, #tpu.memory_space<vmem>>)
    %dma_start3A_106 = arith.constant 3 : i32
    %dma_start3A_107 = arith.constant 0 : i32
    %dma_start3A_108 = arith.constant 0 : i32
    %dma_start3A_109 = tpu.memref_slice %arg10[%dma_start3A_107, %dma_start3A_108] : memref<3x80xi32, #tpu.memory_space<vmem>> -> memref<1x80xi32, #tpu.memory_space<vmem>>
    %dma_start3A_110 = tpu.memref_squeeze %dma_start3A_109 : memref<1x80xi32, #tpu.memory_space<vmem>> -> memref<80xi32, #tpu.memory_space<vmem>>
    %dma_start3A_111 = arith.constant 0 : i32
    %dma_start3A_112 = tpu.memref_slice %arg3[%add3A, %dma_start3A_106, %dma_start3A_111] : memref<32x125x80xi32, #tpu.memory_space<hbm>> -> memref<1x1x80xi32, #tpu.memory_space<hbm>>
    %dma_start3A_113 = tpu.memref_squeeze %dma_start3A_112 : memref<1x1x80xi32, #tpu.memory_space<hbm>> -> memref<80xi32, #tpu.memory_space<hbm>>
    %dma_start3A_114 = arith.constant 0 : i32
    %dma_start3A_115 = tpu.memref_slice %arg10[%dma_start3A_107, %dma_start3A_114] : memref<3x80xi32, #tpu.memory_space<vmem>> -> memref<1x80xi32, #tpu.memory_space<vmem>>
    %dma_start3A_116 = tpu.memref_squeeze %dma_start3A_115 : memref<1x80xi32, #tpu.memory_space<vmem>> -> memref<80xi32, #tpu.memory_space<vmem>>
    %dma_start3A_117 = arith.constant 0 : i32
    %dma_start3A_118 = tpu.memref_slice %arg3[%add3A, %dma_start3A_106, %dma_start3A_117] : memref<32x125x80xi32, #tpu.memory_space<hbm>> -> memref<1x1x80xi32, #tpu.memory_space<hbm>>
    %dma_start3A_119 = tpu.memref_squeeze %dma_start3A_118 : memref<1x1x80xi32, #tpu.memory_space<hbm>> -> memref<80xi32, #tpu.memory_space<hbm>>
    tpu.enqueue_dma source(%dma_start3A_119 : memref<80xi32, #tpu.memory_space<hbm>>) target(%dma_start3A_116 : memref<80xi32, #tpu.memory_space<vmem>>) target_semaphore(%arg22 : memref<!tpu.dma_semaphore, #tpu.memory_space<semaphore_mem>>)
    %dma_start3A_120 = arith.constant 0 : i32
    %dma_start3A_121 = arith.constant 0 : i32
    %dma_start3A_122 = tpu.memref_slice %arg11[%dma_start3A_120, %dma_start3A_121] : memref<125x80xi32, #tpu.memory_space<vmem>> -> memref<1x80xi32, #tpu.memory_space<vmem>>
    %dma_start3A_123 = tpu.memref_squeeze %dma_start3A_122 : memref<1x80xi32, #tpu.memory_space<vmem>> -> memref<80xi32, #tpu.memory_space<vmem>>
    %dma_start3A_124 = arith.constant 0 : i32
    %dma_start3A_125 = arith.constant 0 : i32
    %dma_start3A_126 = tpu.memref_slice %arg15[%dma_start3A_124, %dma_start3A_125] : memref<10240x128xf32, #tpu.memory_space<vmem_shared>> -> memref<10240x128xf32, #tpu.memory_space<vmem_shared>>
    tpu.enqueue_indirect_dma source(%arg12 : memref<80x128xf32, #tpu.memory_space<vmem>>) target(%dma_start3A_126 : memref<10240x128xf32, #tpu.memory_space<vmem_shared>>) offsets(%dma_start3A_123 : memref<80xi32, #tpu.memory_space<vmem>>) semaphore(%arg19 : memref<!tpu.dma_semaphore, #tpu.memory_space<semaphore_mem>>) {add = true}
    %dma_start3A_127 = arith.constant 0 : i32
    %dma_start3A_128 = arith.constant 0 : i32
    %dma_start3A_129 = tpu.memref_slice %arg11[%dma_start3A_127, %dma_start3A_128] : memref<125x80xi32, #tpu.memory_space<vmem>> -> memref<1x80xi32, #tpu.memory_space<vmem>>
    %dma_start3A_130 = tpu.memref_squeeze %dma_start3A_129 : memref<1x80xi32, #tpu.memory_space<vmem>> -> memref<80xi32, #tpu.memory_space<vmem>>
    %dma_start3A_131 = arith.constant 0 : i32
    %dma_start3A_132 = tpu.memref_slice %arg26[%dma_start3A_131] : memref<10240xf32, #tpu.memory_space<vmem_shared>> -> memref<10240xf32, #tpu.memory_space<vmem_shared>>
    tpu.enqueue_indirect_dma source(%arg25 : memref<80xf32, #tpu.memory_space<vmem>>) target(%dma_start3A_132 : memref<10240xf32, #tpu.memory_space<vmem_shared>>) offsets(%dma_start3A_130 : memref<80xi32, #tpu.memory_space<vmem>>) semaphore(%arg28 : memref<!tpu.dma_semaphore, #tpu.memory_space<semaphore_mem>>) {add = true}
    %dma_start3A_133 = arith.constant 2 : i32
    %dma_start3A_134 = arith.constant 0 : i32
    %dma_start3A_135 = tpu.memref_slice %arg10[%dma_start3A_133, %dma_start3A_134] : memref<3x80xi32, #tpu.memory_space<vmem>> -> memref<1x80xi32, #tpu.memory_space<vmem>>
    %dma_start3A_136 = tpu.memref_squeeze %dma_start3A_135 : memref<1x80xi32, #tpu.memory_space<vmem>> -> memref<80xi32, #tpu.memory_space<vmem>>
    %dma_start3A_137 = arith.constant 0 : i32
    %dma_start3A_138 = arith.constant 0 : i32
    %dma_start3A_139 = tpu.memref_slice %arg2[%dma_start3A_137, %dma_start3A_138] : memref<10000x128xf32, #tpu.memory_space<hbm>> -> memref<10000x128xf32, #tpu.memory_space<hbm>>
    tpu.enqueue_indirect_dma source(%dma_start3A_139 : memref<10000x128xf32, #tpu.memory_space<hbm>>) target(%arg14 : memref<80x128xf32, #tpu.memory_space<vmem>>) offsets(%dma_start3A_136 : memref<80xi32, #tpu.memory_space<vmem>>) semaphore(%arg18 : memref<!tpu.dma_semaphore, #tpu.memory_space<semaphore_mem>>)
    %dma_wait3A_140 = arith.constant 1 : i32
    %dma_wait3A_141 = arith.constant 0 : i32
    %dma_wait3A_142 = tpu.memref_slice %arg10[%dma_wait3A_140, %dma_wait3A_141] : memref<3x80xi32, #tpu.memory_space<vmem>> -> memref<1x80xi32, #tpu.memory_space<vmem>>
    %dma_wait3A_143 = tpu.memref_squeeze %dma_wait3A_142 : memref<1x80xi32, #tpu.memory_space<vmem>> -> memref<80xi32, #tpu.memory_space<vmem>>
    %dma_wait3A_144 = arith.constant 0 : i32
    %dma_wait3A_145 = arith.constant 0 : i32
    %dma_wait3A_146 = tpu.memref_slice %arg2[%dma_wait3A_144, %dma_wait3A_145] : memref<10000x128xf32, #tpu.memory_space<hbm>> -> memref<10000x128xf32, #tpu.memory_space<hbm>>
    tpu.wait_indirect_dma semaphore(%arg17 : memref<!tpu.dma_semaphore, #tpu.memory_space<semaphore_mem>>) src(%dma_wait3A_146 : memref<10000x128xf32, #tpu.memory_space<hbm>>) dst(%arg13 : memref<80x128xf32, #tpu.memory_space<vmem>>)
    %dma_start3A_147 = arith.constant 4 : i32
    %dma_start3A_148 = arith.constant 1 : i32
    %dma_start3A_149 = arith.constant 0 : i32
    %dma_start3A_150 = tpu.memref_slice %arg10[%dma_start3A_148, %dma_start3A_149] : memref<3x80xi32, #tpu.memory_space<vmem>> -> memref<1x80xi32, #tpu.memory_space<vmem>>
    %dma_start3A_151 = tpu.memref_squeeze %dma_start3A_150 : memref<1x80xi32, #tpu.memory_space<vmem>> -> memref<80xi32, #tpu.memory_space<vmem>>
    %dma_start3A_152 = arith.constant 0 : i32
    %dma_start3A_153 = tpu.memref_slice %arg3[%add3A, %dma_start3A_147, %dma_start3A_152] : memref<32x125x80xi32, #tpu.memory_space<hbm>> -> memref<1x1x80xi32, #tpu.memory_space<hbm>>
    %dma_start3A_154 = tpu.memref_squeeze %dma_start3A_153 : memref<1x1x80xi32, #tpu.memory_space<hbm>> -> memref<80xi32, #tpu.memory_space<hbm>>
    %dma_start3A_155 = arith.constant 0 : i32
    %dma_start3A_156 = tpu.memref_slice %arg10[%dma_start3A_148, %dma_start3A_155] : memref<3x80xi32, #tpu.memory_space<vmem>> -> memref<1x80xi32, #tpu.memory_space<vmem>>
    %dma_start3A_157 = tpu.memref_squeeze %dma_start3A_156 : memref<1x80xi32, #tpu.memory_space<vmem>> -> memref<80xi32, #tpu.memory_space<vmem>>
    %dma_start3A_158 = arith.constant 0 : i32
    %dma_start3A_159 = tpu.memref_slice %arg3[%add3A, %dma_start3A_147, %dma_start3A_158] : memref<32x125x80xi32, #tpu.memory_space<hbm>> -> memref<1x1x80xi32, #tpu.memory_space<hbm>>
    %dma_start3A_160 = tpu.memref_squeeze %dma_start3A_159 : memref<1x1x80xi32, #tpu.memory_space<hbm>> -> memref<80xi32, #tpu.memory_space<hbm>>
    tpu.enqueue_dma source(%dma_start3A_160 : memref<80xi32, #tpu.memory_space<hbm>>) target(%dma_start3A_157 : memref<80xi32, #tpu.memory_space<vmem>>) target_semaphore(%arg23 : memref<!tpu.dma_semaphore, #tpu.memory_space<semaphore_mem>>)
    %dma_start3A_161 = arith.constant 1 : i32
    %dma_start3A_162 = arith.constant 0 : i32
    %dma_start3A_163 = tpu.memref_slice %arg11[%dma_start3A_161, %dma_start3A_162] : memref<125x80xi32, #tpu.memory_space<vmem>> -> memref<1x80xi32, #tpu.memory_space<vmem>>
    %dma_start3A_164 = tpu.memref_squeeze %dma_start3A_163 : memref<1x80xi32, #tpu.memory_space<vmem>> -> memref<80xi32, #tpu.memory_space<vmem>>
    %dma_start3A_165 = arith.constant 0 : i32
    %dma_start3A_166 = arith.constant 0 : i32
    %dma_start3A_167 = tpu.memref_slice %arg15[%dma_start3A_165, %dma_start3A_166] : memref<10240x128xf32, #tpu.memory_space<vmem_shared>> -> memref<10240x128xf32, #tpu.memory_space<vmem_shared>>
    tpu.enqueue_indirect_dma source(%arg13 : memref<80x128xf32, #tpu.memory_space<vmem>>) target(%dma_start3A_167 : memref<10240x128xf32, #tpu.memory_space<vmem_shared>>) offsets(%dma_start3A_164 : memref<80xi32, #tpu.memory_space<vmem>>) semaphore(%arg20 : memref<!tpu.dma_semaphore, #tpu.memory_space<semaphore_mem>>) {add = true}
    %dma_start3A_168 = arith.constant 1 : i32
    %dma_start3A_169 = arith.constant 0 : i32
    %dma_start3A_170 = tpu.memref_slice %arg11[%dma_start3A_168, %dma_start3A_169] : memref<125x80xi32, #tpu.memory_space<vmem>> -> memref<1x80xi32, #tpu.memory_space<vmem>>
    %dma_start3A_171 = tpu.memref_squeeze %dma_start3A_170 : memref<1x80xi32, #tpu.memory_space<vmem>> -> memref<80xi32, #tpu.memory_space<vmem>>
    %dma_start3A_172 = arith.constant 0 : i32
    %dma_start3A_173 = tpu.memref_slice %arg26[%dma_start3A_172] : memref<10240xf32, #tpu.memory_space<vmem_shared>> -> memref<10240xf32, #tpu.memory_space<vmem_shared>>
    tpu.enqueue_indirect_dma source(%arg25 : memref<80xf32, #tpu.memory_space<vmem>>) target(%dma_start3A_173 : memref<10240xf32, #tpu.memory_space<vmem_shared>>) offsets(%dma_start3A_171 : memref<80xi32, #tpu.memory_space<vmem>>) semaphore(%arg28 : memref<!tpu.dma_semaphore, #tpu.memory_space<semaphore_mem>>) {add = true}
    %dma_wait3A_174 = arith.constant 0 : i32
    %dma_wait3A_175 = arith.constant 0 : i32
    %dma_wait3A_176 = tpu.memref_slice %arg11[%dma_wait3A_174, %dma_wait3A_175] : memref<125x80xi32, #tpu.memory_space<vmem>> -> memref<1x80xi32, #tpu.memory_space<vmem>>
    %dma_wait3A_177 = tpu.memref_squeeze %dma_wait3A_176 : memref<1x80xi32, #tpu.memory_space<vmem>> -> memref<80xi32, #tpu.memory_space<vmem>>
    %dma_wait3A_178 = arith.constant 0 : i32
    %dma_wait3A_179 = arith.constant 0 : i32
    %dma_wait3A_180 = tpu.memref_slice %arg15[%dma_wait3A_178, %dma_wait3A_179] : memref<10240x128xf32, #tpu.memory_space<vmem_shared>> -> memref<10240x128xf32, #tpu.memory_space<vmem_shared>>
    tpu.wait_indirect_dma semaphore(%arg19 : memref<!tpu.dma_semaphore, #tpu.memory_space<semaphore_mem>>) src(%arg12 : memref<80x128xf32, #tpu.memory_space<vmem>>) dst(%dma_wait3A_180 : memref<10240x128xf32, #tpu.memory_space<vmem_shared>>)
    %dma_wait3A_181 = arith.constant 0 : i32
    %dma_wait3A_182 = arith.constant 0 : i32
    %dma_wait3A_183 = arith.constant 0 : i32
    %dma_wait3A_184 = tpu.memref_slice %arg10[%dma_wait3A_182, %dma_wait3A_183] : memref<3x80xi32, #tpu.memory_space<vmem>> -> memref<1x80xi32, #tpu.memory_space<vmem>>
    %dma_wait3A_185 = tpu.memref_squeeze %dma_wait3A_184 : memref<1x80xi32, #tpu.memory_space<vmem>> -> memref<80xi32, #tpu.memory_space<vmem>>
    %dma_wait3A_186 = arith.constant 0 : i32
    %dma_wait3A_187 = tpu.memref_slice %arg3[%add3A, %dma_wait3A_181, %dma_wait3A_186] : memref<32x125x80xi32, #tpu.memory_space<hbm>> -> memref<1x1x80xi32, #tpu.memory_space<hbm>>
    %dma_wait3A_188 = tpu.memref_squeeze %dma_wait3A_187 : memref<1x1x80xi32, #tpu.memory_space<hbm>> -> memref<80xi32, #tpu.memory_space<hbm>>
    %dma_wait3A_189 = arith.constant 0 : i32
    %dma_wait3A_190 = tpu.memref_slice %arg10[%dma_wait3A_182, %dma_wait3A_189] : memref<3x80xi32, #tpu.memory_space<vmem>> -> memref<1x80xi32, #tpu.memory_space<vmem>>
    %dma_wait3A_191 = tpu.memref_squeeze %dma_wait3A_190 : memref<1x80xi32, #tpu.memory_space<vmem>> -> memref<80xi32, #tpu.memory_space<vmem>>
    %dma_wait3A_192 = arith.constant 0 : i32
    %dma_wait3A_193 = tpu.memref_slice %arg3[%add3A, %dma_wait3A_181, %dma_wait3A_192] : memref<32x125x80xi32, #tpu.memory_space<hbm>> -> memref<1x1x80xi32, #tpu.memory_space<hbm>>
    %dma_wait3A_194 = tpu.memref_squeeze %dma_wait3A_193 : memref<1x1x80xi32, #tpu.memory_space<hbm>> -> memref<80xi32, #tpu.memory_space<hbm>>
    tpu.wait_dma2 semaphore(%arg22 : memref<!tpu.dma_semaphore, #tpu.memory_space<semaphore_mem>>) src(%dma_wait3A_194 : memref<80xi32, #tpu.memory_space<hbm>>) dst(%dma_wait3A_191 : memref<80xi32, #tpu.memory_space<vmem>>)
    %dma_start3A_195 = arith.constant 0 : i32
    %dma_start3A_196 = arith.constant 0 : i32
    %dma_start3A_197 = tpu.memref_slice %arg10[%dma_start3A_195, %dma_start3A_196] : memref<3x80xi32, #tpu.memory_space<vmem>> -> memref<1x80xi32, #tpu.memory_space<vmem>>
    %dma_start3A_198 = tpu.memref_squeeze %dma_start3A_197 : memref<1x80xi32, #tpu.memory_space<vmem>> -> memref<80xi32, #tpu.memory_space<vmem>>
    %dma_start3A_199 = arith.constant 0 : i32
    %dma_start3A_200 = arith.constant 0 : i32
    %dma_start3A_201 = tpu.memref_slice %arg2[%dma_start3A_199, %dma_start3A_200] : memref<10000x128xf32, #tpu.memory_space<hbm>> -> memref<10000x128xf32, #tpu.memory_space<hbm>>
    tpu.enqueue_indirect_dma source(%dma_start3A_201 : memref<10000x128xf32, #tpu.memory_space<hbm>>) target(%arg12 : memref<80x128xf32, #tpu.memory_space<vmem>>) offsets(%dma_start3A_198 : memref<80xi32, #tpu.memory_space<vmem>>) semaphore(%arg16 : memref<!tpu.dma_semaphore, #tpu.memory_space<semaphore_mem>>)
    %scan3A = arith.constant 0 : i32
    %scan3A_202 = arith.constant 0 : i32
    %scan3A_203 = arith.constant 40 : i32
    %scan3A_204 = arith.addi %scan3A_202, %scan3A_203 : i32
    %scan3A_205 = arith.constant 1 : i32
    scf.for %scan3A_331 = %scan3A_202 to %scan3A_204 step %scan3A_205  : i32 {
      %mul3A_332 = arith.constant 3 : i32
      %mul3A_333 = arith.muli %mul3A_332, %scan3A_331 : i32
      %add3A_334 = arith.constant 2 : i32
      %add3A_335 = arith.addi %mul3A_333, %add3A_334 : i32
      %dma_wait3A_336 = arith.constant 2 : i32
      %dma_wait3A_337 = arith.constant 0 : i32
      %dma_wait3A_338 = tpu.memref_slice %arg10[%dma_wait3A_336, %dma_wait3A_337] : memref<3x80xi32, #tpu.memory_space<vmem>> -> memref<1x80xi32, #tpu.memory_space<vmem>>
      %dma_wait3A_339 = tpu.memref_squeeze %dma_wait3A_338 : memref<1x80xi32, #tpu.memory_space<vmem>> -> memref<80xi32, #tpu.memory_space<vmem>>
      %dma_wait3A_340 = arith.constant 0 : i32
      %dma_wait3A_341 = arith.constant 0 : i32
      %dma_wait3A_342 = tpu.memref_slice %arg2[%dma_wait3A_340, %dma_wait3A_341] : memref<10000x128xf32, #tpu.memory_space<hbm>> -> memref<10000x128xf32, #tpu.memory_space<hbm>>
      tpu.wait_indirect_dma semaphore(%arg18 : memref<!tpu.dma_semaphore, #tpu.memory_space<semaphore_mem>>) src(%dma_wait3A_342 : memref<10000x128xf32, #tpu.memory_space<hbm>>) dst(%arg14 : memref<80x128xf32, #tpu.memory_space<vmem>>)
      %add3A_343 = arith.constant 0 : i32
      %add3A_344 = arith.addi %add3A_335, %add3A_343 : i32
      %add3A_345 = arith.constant 3 : i32
      %add3A_346 = arith.addi %add3A_344, %add3A_345 : i32
      %dma_start3A_347 = arith.constant 2 : i32
      %dma_start3A_348 = arith.constant 0 : i32
      %dma_start3A_349 = tpu.memref_slice %arg10[%dma_start3A_347, %dma_start3A_348] : memref<3x80xi32, #tpu.memory_space<vmem>> -> memref<1x80xi32, #tpu.memory_space<vmem>>
      %dma_start3A_350 = tpu.memref_squeeze %dma_start3A_349 : memref<1x80xi32, #tpu.memory_space<vmem>> -> memref<80xi32, #tpu.memory_space<vmem>>
      %dma_start3A_351 = arith.constant 0 : i32
      %dma_start3A_352 = tpu.memref_slice %arg3[%add3A, %add3A_346, %dma_start3A_351] : memref<32x125x80xi32, #tpu.memory_space<hbm>> -> memref<1x1x80xi32, #tpu.memory_space<hbm>>
      %dma_start3A_353 = tpu.memref_squeeze %dma_start3A_352 : memref<1x1x80xi32, #tpu.memory_space<hbm>> -> memref<80xi32, #tpu.memory_space<hbm>>
      %dma_start3A_354 = arith.constant 0 : i32
      %dma_start3A_355 = tpu.memref_slice %arg10[%dma_start3A_347, %dma_start3A_354] : memref<3x80xi32, #tpu.memory_space<vmem>> -> memref<1x80xi32, #tpu.memory_space<vmem>>
      %dma_start3A_356 = tpu.memref_squeeze %dma_start3A_355 : memref<1x80xi32, #tpu.memory_space<vmem>> -> memref<80xi32, #tpu.memory_space<vmem>>
      %dma_start3A_357 = arith.constant 0 : i32
      %dma_start3A_358 = tpu.memref_slice %arg3[%add3A, %add3A_346, %dma_start3A_357] : memref<32x125x80xi32, #tpu.memory_space<hbm>> -> memref<1x1x80xi32, #tpu.memory_space<hbm>>
      %dma_start3A_359 = tpu.memref_squeeze %dma_start3A_358 : memref<1x1x80xi32, #tpu.memory_space<hbm>> -> memref<80xi32, #tpu.memory_space<hbm>>
      tpu.enqueue_dma source(%dma_start3A_359 : memref<80xi32, #tpu.memory_space<hbm>>) target(%dma_start3A_356 : memref<80xi32, #tpu.memory_space<vmem>>) target_semaphore(%arg24 : memref<!tpu.dma_semaphore, #tpu.memory_space<semaphore_mem>>)
      %add3A_360 = arith.constant 0 : i32
      %add3A_361 = arith.addi %add3A_335, %add3A_360 : i32
      %dma_start3A_362 = arith.constant 0 : i32
      %dma_start3A_363 = tpu.memref_slice %arg11[%add3A_361, %dma_start3A_362] : memref<125x80xi32, #tpu.memory_space<vmem>> -> memref<1x80xi32, #tpu.memory_space<vmem>>
      %dma_start3A_364 = tpu.memref_squeeze %dma_start3A_363 : memref<1x80xi32, #tpu.memory_space<vmem>> -> memref<80xi32, #tpu.memory_space<vmem>>
      %dma_start3A_365 = arith.constant 0 : i32
      %dma_start3A_366 = arith.constant 0 : i32
      %dma_start3A_367 = tpu.memref_slice %arg15[%dma_start3A_365, %dma_start3A_366] : memref<10240x128xf32, #tpu.memory_space<vmem_shared>> -> memref<10240x128xf32, #tpu.memory_space<vmem_shared>>
      tpu.enqueue_indirect_dma source(%arg14 : memref<80x128xf32, #tpu.memory_space<vmem>>) target(%dma_start3A_367 : memref<10240x128xf32, #tpu.memory_space<vmem_shared>>) offsets(%dma_start3A_364 : memref<80xi32, #tpu.memory_space<vmem>>) semaphore(%arg21 : memref<!tpu.dma_semaphore, #tpu.memory_space<semaphore_mem>>) {add = true}
      %dma_start3A_368 = arith.constant 0 : i32
      %dma_start3A_369 = tpu.memref_slice %arg11[%add3A_361, %dma_start3A_368] : memref<125x80xi32, #tpu.memory_space<vmem>> -> memref<1x80xi32, #tpu.memory_space<vmem>>
      %dma_start3A_370 = tpu.memref_squeeze %dma_start3A_369 : memref<1x80xi32, #tpu.memory_space<vmem>> -> memref<80xi32, #tpu.memory_space<vmem>>
      %dma_start3A_371 = arith.constant 0 : i32
      %dma_start3A_372 = tpu.memref_slice %arg26[%dma_start3A_371] : memref<10240xf32, #tpu.memory_space<vmem_shared>> -> memref<10240xf32, #tpu.memory_space<vmem_shared>>
      tpu.enqueue_indirect_dma source(%arg25 : memref<80xf32, #tpu.memory_space<vmem>>) target(%dma_start3A_372 : memref<10240xf32, #tpu.memory_space<vmem_shared>>) offsets(%dma_start3A_370 : memref<80xi32, #tpu.memory_space<vmem>>) semaphore(%arg28 : memref<!tpu.dma_semaphore, #tpu.memory_space<semaphore_mem>>) {add = true}
      %dma_wait3A_373 = arith.constant 0 : i32
      %dma_wait3A_374 = arith.constant 0 : i32
      %dma_wait3A_375 = tpu.memref_slice %arg11[%dma_wait3A_373, %dma_wait3A_374] : memref<125x80xi32, #tpu.memory_space<vmem>> -> memref<1x80xi32, #tpu.memory_space<vmem>>
      %dma_wait3A_376 = tpu.memref_squeeze %dma_wait3A_375 : memref<1x80xi32, #tpu.memory_space<vmem>> -> memref<80xi32, #tpu.memory_space<vmem>>
      %dma_wait3A_377 = arith.constant 0 : i32
      %dma_wait3A_378 = arith.constant 0 : i32
      %dma_wait3A_379 = tpu.memref_slice %arg15[%dma_wait3A_377, %dma_wait3A_378] : memref<10240x128xf32, #tpu.memory_space<vmem_shared>> -> memref<10240x128xf32, #tpu.memory_space<vmem_shared>>
      tpu.wait_indirect_dma semaphore(%arg20 : memref<!tpu.dma_semaphore, #tpu.memory_space<semaphore_mem>>) src(%arg13 : memref<80x128xf32, #tpu.memory_space<vmem>>) dst(%dma_wait3A_379 : memref<10240x128xf32, #tpu.memory_space<vmem_shared>>)
      %dma_wait3A_380 = arith.constant 0 : i32
      %dma_wait3A_381 = arith.constant 1 : i32
      %dma_wait3A_382 = arith.constant 0 : i32
      %dma_wait3A_383 = tpu.memref_slice %arg10[%dma_wait3A_381, %dma_wait3A_382] : memref<3x80xi32, #tpu.memory_space<vmem>> -> memref<1x80xi32, #tpu.memory_space<vmem>>
      %dma_wait3A_384 = tpu.memref_squeeze %dma_wait3A_383 : memref<1x80xi32, #tpu.memory_space<vmem>> -> memref<80xi32, #tpu.memory_space<vmem>>
      %dma_wait3A_385 = arith.constant 0 : i32
      %dma_wait3A_386 = tpu.memref_slice %arg3[%add3A, %dma_wait3A_380, %dma_wait3A_385] : memref<32x125x80xi32, #tpu.memory_space<hbm>> -> memref<1x1x80xi32, #tpu.memory_space<hbm>>
      %dma_wait3A_387 = tpu.memref_squeeze %dma_wait3A_386 : memref<1x1x80xi32, #tpu.memory_space<hbm>> -> memref<80xi32, #tpu.memory_space<hbm>>
      %dma_wait3A_388 = arith.constant 0 : i32
      %dma_wait3A_389 = tpu.memref_slice %arg10[%dma_wait3A_381, %dma_wait3A_388] : memref<3x80xi32, #tpu.memory_space<vmem>> -> memref<1x80xi32, #tpu.memory_space<vmem>>
      %dma_wait3A_390 = tpu.memref_squeeze %dma_wait3A_389 : memref<1x80xi32, #tpu.memory_space<vmem>> -> memref<80xi32, #tpu.memory_space<vmem>>
      %dma_wait3A_391 = arith.constant 0 : i32
      %dma_wait3A_392 = tpu.memref_slice %arg3[%add3A, %dma_wait3A_380, %dma_wait3A_391] : memref<32x125x80xi32, #tpu.memory_space<hbm>> -> memref<1x1x80xi32, #tpu.memory_space<hbm>>
      %dma_wait3A_393 = tpu.memref_squeeze %dma_wait3A_392 : memref<1x1x80xi32, #tpu.memory_space<hbm>> -> memref<80xi32, #tpu.memory_space<hbm>>
      tpu.wait_dma2 semaphore(%arg23 : memref<!tpu.dma_semaphore, #tpu.memory_space<semaphore_mem>>) src(%dma_wait3A_393 : memref<80xi32, #tpu.memory_space<hbm>>) dst(%dma_wait3A_390 : memref<80xi32, #tpu.memory_space<vmem>>)
      %add3A_394 = arith.constant 0 : i32
      %add3A_395 = arith.addi %add3A_335, %add3A_394 : i32
      %add3A_396 = arith.constant 2 : i32
      %add3A_397 = arith.addi %add3A_395, %add3A_396 : i32
      %dma_start3A_398 = arith.constant 1 : i32
      %dma_start3A_399 = arith.constant 0 : i32
      %dma_start3A_400 = tpu.memref_slice %arg10[%dma_start3A_398, %dma_start3A_399] : memref<3x80xi32, #tpu.memory_space<vmem>> -> memref<1x80xi32, #tpu.memory_space<vmem>>
      %dma_start3A_401 = tpu.memref_squeeze %dma_start3A_400 : memref<1x80xi32, #tpu.memory_space<vmem>> -> memref<80xi32, #tpu.memory_space<vmem>>
      %dma_start3A_402 = arith.constant 0 : i32
      %dma_start3A_403 = arith.constant 0 : i32
      %dma_start3A_404 = tpu.memref_slice %arg2[%dma_start3A_402, %dma_start3A_403] : memref<10000x128xf32, #tpu.memory_space<hbm>> -> memref<10000x128xf32, #tpu.memory_space<hbm>>
      tpu.enqueue_indirect_dma source(%dma_start3A_404 : memref<10000x128xf32, #tpu.memory_space<hbm>>) target(%arg13 : memref<80x128xf32, #tpu.memory_space<vmem>>) offsets(%dma_start3A_401 : memref<80xi32, #tpu.memory_space<vmem>>) semaphore(%arg17 : memref<!tpu.dma_semaphore, #tpu.memory_space<semaphore_mem>>)
      %dma_wait3A_405 = arith.constant 0 : i32
      %dma_wait3A_406 = arith.constant 0 : i32
      %dma_wait3A_407 = tpu.memref_slice %arg10[%dma_wait3A_405, %dma_wait3A_406] : memref<3x80xi32, #tpu.memory_space<vmem>> -> memref<1x80xi32, #tpu.memory_space<vmem>>
      %dma_wait3A_408 = tpu.memref_squeeze %dma_wait3A_407 : memref<1x80xi32, #tpu.memory_space<vmem>> -> memref<80xi32, #tpu.memory_space<vmem>>
      %dma_wait3A_409 = arith.constant 0 : i32
      %dma_wait3A_410 = arith.constant 0 : i32
      %dma_wait3A_411 = tpu.memref_slice %arg2[%dma_wait3A_409, %dma_wait3A_410] : memref<10000x128xf32, #tpu.memory_space<hbm>> -> memref<10000x128xf32, #tpu.memory_space<hbm>>
      tpu.wait_indirect_dma semaphore(%arg16 : memref<!tpu.dma_semaphore, #tpu.memory_space<semaphore_mem>>) src(%dma_wait3A_411 : memref<10000x128xf32, #tpu.memory_space<hbm>>) dst(%arg12 : memref<80x128xf32, #tpu.memory_space<vmem>>)
      %add3A_412 = arith.constant 1 : i32
      %add3A_413 = arith.addi %add3A_335, %add3A_412 : i32
      %add3A_414 = arith.constant 3 : i32
      %add3A_415 = arith.addi %add3A_413, %add3A_414 : i32
      %dma_start3A_416 = arith.constant 0 : i32
      %dma_start3A_417 = arith.constant 0 : i32
      %dma_start3A_418 = tpu.memref_slice %arg10[%dma_start3A_416, %dma_start3A_417] : memref<3x80xi32, #tpu.memory_space<vmem>> -> memref<1x80xi32, #tpu.memory_space<vmem>>
      %dma_start3A_419 = tpu.memref_squeeze %dma_start3A_418 : memref<1x80xi32, #tpu.memory_space<vmem>> -> memref<80xi32, #tpu.memory_space<vmem>>
      %dma_start3A_420 = arith.constant 0 : i32
      %dma_start3A_421 = tpu.memref_slice %arg3[%add3A, %add3A_415, %dma_start3A_420] : memref<32x125x80xi32, #tpu.memory_space<hbm>> -> memref<1x1x80xi32, #tpu.memory_space<hbm>>
      %dma_start3A_422 = tpu.memref_squeeze %dma_start3A_421 : memref<1x1x80xi32, #tpu.memory_space<hbm>> -> memref<80xi32, #tpu.memory_space<hbm>>
      %dma_start3A_423 = arith.constant 0 : i32
      %dma_start3A_424 = tpu.memref_slice %arg10[%dma_start3A_416, %dma_start3A_423] : memref<3x80xi32, #tpu.memory_space<vmem>> -> memref<1x80xi32, #tpu.memory_space<vmem>>
      %dma_start3A_425 = tpu.memref_squeeze %dma_start3A_424 : memref<1x80xi32, #tpu.memory_space<vmem>> -> memref<80xi32, #tpu.memory_space<vmem>>
      %dma_start3A_426 = arith.constant 0 : i32
      %dma_start3A_427 = tpu.memref_slice %arg3[%add3A, %add3A_415, %dma_start3A_426] : memref<32x125x80xi32, #tpu.memory_space<hbm>> -> memref<1x1x80xi32, #tpu.memory_space<hbm>>
      %dma_start3A_428 = tpu.memref_squeeze %dma_start3A_427 : memref<1x1x80xi32, #tpu.memory_space<hbm>> -> memref<80xi32, #tpu.memory_space<hbm>>
      tpu.enqueue_dma source(%dma_start3A_428 : memref<80xi32, #tpu.memory_space<hbm>>) target(%dma_start3A_425 : memref<80xi32, #tpu.memory_space<vmem>>) target_semaphore(%arg22 : memref<!tpu.dma_semaphore, #tpu.memory_space<semaphore_mem>>)
      %add3A_429 = arith.constant 1 : i32
      %add3A_430 = arith.addi %add3A_335, %add3A_429 : i32
      %dma_start3A_431 = arith.constant 0 : i32
      %dma_start3A_432 = tpu.memref_slice %arg11[%add3A_430, %dma_start3A_431] : memref<125x80xi32, #tpu.memory_space<vmem>> -> memref<1x80xi32, #tpu.memory_space<vmem>>
      %dma_start3A_433 = tpu.memref_squeeze %dma_start3A_432 : memref<1x80xi32, #tpu.memory_space<vmem>> -> memref<80xi32, #tpu.memory_space<vmem>>
      %dma_start3A_434 = arith.constant 0 : i32
      %dma_start3A_435 = arith.constant 0 : i32
      %dma_start3A_436 = tpu.memref_slice %arg15[%dma_start3A_434, %dma_start3A_435] : memref<10240x128xf32, #tpu.memory_space<vmem_shared>> -> memref<10240x128xf32, #tpu.memory_space<vmem_shared>>
      tpu.enqueue_indirect_dma source(%arg12 : memref<80x128xf32, #tpu.memory_space<vmem>>) target(%dma_start3A_436 : memref<10240x128xf32, #tpu.memory_space<vmem_shared>>) offsets(%dma_start3A_433 : memref<80xi32, #tpu.memory_space<vmem>>) semaphore(%arg19 : memref<!tpu.dma_semaphore, #tpu.memory_space<semaphore_mem>>) {add = true}
      %dma_start3A_437 = arith.constant 0 : i32
      %dma_start3A_438 = tpu.memref_slice %arg11[%add3A_430, %dma_start3A_437] : memref<125x80xi32, #tpu.memory_space<vmem>> -> memref<1x80xi32, #tpu.memory_space<vmem>>
      %dma_start3A_439 = tpu.memref_squeeze %dma_start3A_438 : memref<1x80xi32, #tpu.memory_space<vmem>> -> memref<80xi32, #tpu.memory_space<vmem>>
      %dma_start3A_440 = arith.constant 0 : i32
      %dma_start3A_441 = tpu.memref_slice %arg26[%dma_start3A_440] : memref<10240xf32, #tpu.memory_space<vmem_shared>> -> memref<10240xf32, #tpu.memory_space<vmem_shared>>
      tpu.enqueue_indirect_dma source(%arg25 : memref<80xf32, #tpu.memory_space<vmem>>) target(%dma_start3A_441 : memref<10240xf32, #tpu.memory_space<vmem_shared>>) offsets(%dma_start3A_439 : memref<80xi32, #tpu.memory_space<vmem>>) semaphore(%arg28 : memref<!tpu.dma_semaphore, #tpu.memory_space<semaphore_mem>>) {add = true}
      %dma_wait3A_442 = arith.constant 0 : i32
      %dma_wait3A_443 = arith.constant 0 : i32
      %dma_wait3A_444 = tpu.memref_slice %arg11[%dma_wait3A_442, %dma_wait3A_443] : memref<125x80xi32, #tpu.memory_space<vmem>> -> memref<1x80xi32, #tpu.memory_space<vmem>>
      %dma_wait3A_445 = tpu.memref_squeeze %dma_wait3A_444 : memref<1x80xi32, #tpu.memory_space<vmem>> -> memref<80xi32, #tpu.memory_space<vmem>>
      %dma_wait3A_446 = arith.constant 0 : i32
      %dma_wait3A_447 = arith.constant 0 : i32
      %dma_wait3A_448 = tpu.memref_slice %arg15[%dma_wait3A_446, %dma_wait3A_447] : memref<10240x128xf32, #tpu.memory_space<vmem_shared>> -> memref<10240x128xf32, #tpu.memory_space<vmem_shared>>
      tpu.wait_indirect_dma semaphore(%arg21 : memref<!tpu.dma_semaphore, #tpu.memory_space<semaphore_mem>>) src(%arg14 : memref<80x128xf32, #tpu.memory_space<vmem>>) dst(%dma_wait3A_448 : memref<10240x128xf32, #tpu.memory_space<vmem_shared>>)
      %dma_wait3A_449 = arith.constant 0 : i32
      %dma_wait3A_450 = arith.constant 2 : i32
      %dma_wait3A_451 = arith.constant 0 : i32
      %dma_wait3A_452 = tpu.memref_slice %arg10[%dma_wait3A_450, %dma_wait3A_451] : memref<3x80xi32, #tpu.memory_space<vmem>> -> memref<1x80xi32, #tpu.memory_space<vmem>>
      %dma_wait3A_453 = tpu.memref_squeeze %dma_wait3A_452 : memref<1x80xi32, #tpu.memory_space<vmem>> -> memref<80xi32, #tpu.memory_space<vmem>>
      %dma_wait3A_454 = arith.constant 0 : i32
      %dma_wait3A_455 = tpu.memref_slice %arg3[%add3A, %dma_wait3A_449, %dma_wait3A_454] : memref<32x125x80xi32, #tpu.memory_space<hbm>> -> memref<1x1x80xi32, #tpu.memory_space<hbm>>
      %dma_wait3A_456 = tpu.memref_squeeze %dma_wait3A_455 : memref<1x1x80xi32, #tpu.memory_space<hbm>> -> memref<80xi32, #tpu.memory_space<hbm>>
      %dma_wait3A_457 = arith.constant 0 : i32
      %dma_wait3A_458 = tpu.memref_slice %arg10[%dma_wait3A_450, %dma_wait3A_457] : memref<3x80xi32, #tpu.memory_space<vmem>> -> memref<1x80xi32, #tpu.memory_space<vmem>>
      %dma_wait3A_459 = tpu.memref_squeeze %dma_wait3A_458 : memref<1x80xi32, #tpu.memory_space<vmem>> -> memref<80xi32, #tpu.memory_space<vmem>>
      %dma_wait3A_460 = arith.constant 0 : i32
      %dma_wait3A_461 = tpu.memref_slice %arg3[%add3A, %dma_wait3A_449, %dma_wait3A_460] : memref<32x125x80xi32, #tpu.memory_space<hbm>> -> memref<1x1x80xi32, #tpu.memory_space<hbm>>
      %dma_wait3A_462 = tpu.memref_squeeze %dma_wait3A_461 : memref<1x1x80xi32, #tpu.memory_space<hbm>> -> memref<80xi32, #tpu.memory_space<hbm>>
      tpu.wait_dma2 semaphore(%arg24 : memref<!tpu.dma_semaphore, #tpu.memory_space<semaphore_mem>>) src(%dma_wait3A_462 : memref<80xi32, #tpu.memory_space<hbm>>) dst(%dma_wait3A_459 : memref<80xi32, #tpu.memory_space<vmem>>)
      %add3A_463 = arith.constant 1 : i32
      %add3A_464 = arith.addi %add3A_335, %add3A_463 : i32
      %add3A_465 = arith.constant 2 : i32
      %add3A_466 = arith.addi %add3A_464, %add3A_465 : i32
      %dma_start3A_467 = arith.constant 2 : i32
      %dma_start3A_468 = arith.constant 0 : i32
      %dma_start3A_469 = tpu.memref_slice %arg10[%dma_start3A_467, %dma_start3A_468] : memref<3x80xi32, #tpu.memory_space<vmem>> -> memref<1x80xi32, #tpu.memory_space<vmem>>
      %dma_start3A_470 = tpu.memref_squeeze %dma_start3A_469 : memref<1x80xi32, #tpu.memory_space<vmem>> -> memref<80xi32, #tpu.memory_space<vmem>>
      %dma_start3A_471 = arith.constant 0 : i32
      %dma_start3A_472 = arith.constant 0 : i32
      %dma_start3A_473 = tpu.memref_slice %arg2[%dma_start3A_471, %dma_start3A_472] : memref<10000x128xf32, #tpu.memory_space<hbm>> -> memref<10000x128xf32, #tpu.memory_space<hbm>>
      tpu.enqueue_indirect_dma source(%dma_start3A_473 : memref<10000x128xf32, #tpu.memory_space<hbm>>) target(%arg14 : memref<80x128xf32, #tpu.memory_space<vmem>>) offsets(%dma_start3A_470 : memref<80xi32, #tpu.memory_space<vmem>>) semaphore(%arg18 : memref<!tpu.dma_semaphore, #tpu.memory_space<semaphore_mem>>)
      %dma_wait3A_474 = arith.constant 1 : i32
      %dma_wait3A_475 = arith.constant 0 : i32
      %dma_wait3A_476 = tpu.memref_slice %arg10[%dma_wait3A_474, %dma_wait3A_475] : memref<3x80xi32, #tpu.memory_space<vmem>> -> memref<1x80xi32, #tpu.memory_space<vmem>>
      %dma_wait3A_477 = tpu.memref_squeeze %dma_wait3A_476 : memref<1x80xi32, #tpu.memory_space<vmem>> -> memref<80xi32, #tpu.memory_space<vmem>>
      %dma_wait3A_478 = arith.constant 0 : i32
      %dma_wait3A_479 = arith.constant 0 : i32
      %dma_wait3A_480 = tpu.memref_slice %arg2[%dma_wait3A_478, %dma_wait3A_479] : memref<10000x128xf32, #tpu.memory_space<hbm>> -> memref<10000x128xf32, #tpu.memory_space<hbm>>
      tpu.wait_indirect_dma semaphore(%arg17 : memref<!tpu.dma_semaphore, #tpu.memory_space<semaphore_mem>>) src(%dma_wait3A_480 : memref<10000x128xf32, #tpu.memory_space<hbm>>) dst(%arg13 : memref<80x128xf32, #tpu.memory_space<vmem>>)
      %add3A_481 = arith.constant 2 : i32
      %add3A_482 = arith.addi %add3A_335, %add3A_481 : i32
      %add3A_483 = arith.constant 3 : i32
      %add3A_484 = arith.addi %add3A_482, %add3A_483 : i32
      %dma_start3A_485 = arith.constant 1 : i32
      %dma_start3A_486 = arith.constant 0 : i32
      %dma_start3A_487 = tpu.memref_slice %arg10[%dma_start3A_485, %dma_start3A_486] : memref<3x80xi32, #tpu.memory_space<vmem>> -> memref<1x80xi32, #tpu.memory_space<vmem>>
      %dma_start3A_488 = tpu.memref_squeeze %dma_start3A_487 : memref<1x80xi32, #tpu.memory_space<vmem>> -> memref<80xi32, #tpu.memory_space<vmem>>
      %dma_start3A_489 = arith.constant 0 : i32
      %dma_start3A_490 = tpu.memref_slice %arg3[%add3A, %add3A_484, %dma_start3A_489] : memref<32x125x80xi32, #tpu.memory_space<hbm>> -> memref<1x1x80xi32, #tpu.memory_space<hbm>>
      %dma_start3A_491 = tpu.memref_squeeze %dma_start3A_490 : memref<1x1x80xi32, #tpu.memory_space<hbm>> -> memref<80xi32, #tpu.memory_space<hbm>>
      %dma_start3A_492 = arith.constant 0 : i32
      %dma_start3A_493 = tpu.memref_slice %arg10[%dma_start3A_485, %dma_start3A_492] : memref<3x80xi32, #tpu.memory_space<vmem>> -> memref<1x80xi32, #tpu.memory_space<vmem>>
      %dma_start3A_494 = tpu.memref_squeeze %dma_start3A_493 : memref<1x80xi32, #tpu.memory_space<vmem>> -> memref<80xi32, #tpu.memory_space<vmem>>
      %dma_start3A_495 = arith.constant 0 : i32
      %dma_start3A_496 = tpu.memref_slice %arg3[%add3A, %add3A_484, %dma_start3A_495] : memref<32x125x80xi32, #tpu.memory_space<hbm>> -> memref<1x1x80xi32, #tpu.memory_space<hbm>>
      %dma_start3A_497 = tpu.memref_squeeze %dma_start3A_496 : memref<1x1x80xi32, #tpu.memory_space<hbm>> -> memref<80xi32, #tpu.memory_space<hbm>>
      tpu.enqueue_dma source(%dma_start3A_497 : memref<80xi32, #tpu.memory_space<hbm>>) target(%dma_start3A_494 : memref<80xi32, #tpu.memory_space<vmem>>) target_semaphore(%arg23 : memref<!tpu.dma_semaphore, #tpu.memory_space<semaphore_mem>>)
      %add3A_498 = arith.constant 2 : i32
      %add3A_499 = arith.addi %add3A_335, %add3A_498 : i32
      %dma_start3A_500 = arith.constant 0 : i32
      %dma_start3A_501 = tpu.memref_slice %arg11[%add3A_499, %dma_start3A_500] : memref<125x80xi32, #tpu.memory_space<vmem>> -> memref<1x80xi32, #tpu.memory_space<vmem>>
      %dma_start3A_502 = tpu.memref_squeeze %dma_start3A_501 : memref<1x80xi32, #tpu.memory_space<vmem>> -> memref<80xi32, #tpu.memory_space<vmem>>
      %dma_start3A_503 = arith.constant 0 : i32
      %dma_start3A_504 = arith.constant 0 : i32
      %dma_start3A_505 = tpu.memref_slice %arg15[%dma_start3A_503, %dma_start3A_504] : memref<10240x128xf32, #tpu.memory_space<vmem_shared>> -> memref<10240x128xf32, #tpu.memory_space<vmem_shared>>
      tpu.enqueue_indirect_dma source(%arg13 : memref<80x128xf32, #tpu.memory_space<vmem>>) target(%dma_start3A_505 : memref<10240x128xf32, #tpu.memory_space<vmem_shared>>) offsets(%dma_start3A_502 : memref<80xi32, #tpu.memory_space<vmem>>) semaphore(%arg20 : memref<!tpu.dma_semaphore, #tpu.memory_space<semaphore_mem>>) {add = true}
      %dma_start3A_506 = arith.constant 0 : i32
      %dma_start3A_507 = tpu.memref_slice %arg11[%add3A_499, %dma_start3A_506] : memref<125x80xi32, #tpu.memory_space<vmem>> -> memref<1x80xi32, #tpu.memory_space<vmem>>
      %dma_start3A_508 = tpu.memref_squeeze %dma_start3A_507 : memref<1x80xi32, #tpu.memory_space<vmem>> -> memref<80xi32, #tpu.memory_space<vmem>>
      %dma_start3A_509 = arith.constant 0 : i32
      %dma_start3A_510 = tpu.memref_slice %arg26[%dma_start3A_509] : memref<10240xf32, #tpu.memory_space<vmem_shared>> -> memref<10240xf32, #tpu.memory_space<vmem_shared>>
      tpu.enqueue_indirect_dma source(%arg25 : memref<80xf32, #tpu.memory_space<vmem>>) target(%dma_start3A_510 : memref<10240xf32, #tpu.memory_space<vmem_shared>>) offsets(%dma_start3A_508 : memref<80xi32, #tpu.memory_space<vmem>>) semaphore(%arg28 : memref<!tpu.dma_semaphore, #tpu.memory_space<semaphore_mem>>) {add = true}
      %dma_wait3A_511 = arith.constant 0 : i32
      %dma_wait3A_512 = arith.constant 0 : i32
      %dma_wait3A_513 = tpu.memref_slice %arg11[%dma_wait3A_511, %dma_wait3A_512] : memref<125x80xi32, #tpu.memory_space<vmem>> -> memref<1x80xi32, #tpu.memory_space<vmem>>
      %dma_wait3A_514 = tpu.memref_squeeze %dma_wait3A_513 : memref<1x80xi32, #tpu.memory_space<vmem>> -> memref<80xi32, #tpu.memory_space<vmem>>
      %dma_wait3A_515 = arith.constant 0 : i32
      %dma_wait3A_516 = arith.constant 0 : i32
      %dma_wait3A_517 = tpu.memref_slice %arg15[%dma_wait3A_515, %dma_wait3A_516] : memref<10240x128xf32, #tpu.memory_space<vmem_shared>> -> memref<10240x128xf32, #tpu.memory_space<vmem_shared>>
      tpu.wait_indirect_dma semaphore(%arg19 : memref<!tpu.dma_semaphore, #tpu.memory_space<semaphore_mem>>) src(%arg12 : memref<80x128xf32, #tpu.memory_space<vmem>>) dst(%dma_wait3A_517 : memref<10240x128xf32, #tpu.memory_space<vmem_shared>>)
      %dma_wait3A_518 = arith.constant 0 : i32
      %dma_wait3A_519 = arith.constant 0 : i32
      %dma_wait3A_520 = arith.constant 0 : i32
      %dma_wait3A_521 = tpu.memref_slice %arg10[%dma_wait3A_519, %dma_wait3A_520] : memref<3x80xi32, #tpu.memory_space<vmem>> -> memref<1x80xi32, #tpu.memory_space<vmem>>
      %dma_wait3A_522 = tpu.memref_squeeze %dma_wait3A_521 : memref<1x80xi32, #tpu.memory_space<vmem>> -> memref<80xi32, #tpu.memory_space<vmem>>
      %dma_wait3A_523 = arith.constant 0 : i32
      %dma_wait3A_524 = tpu.memref_slice %arg3[%add3A, %dma_wait3A_518, %dma_wait3A_523] : memref<32x125x80xi32, #tpu.memory_space<hbm>> -> memref<1x1x80xi32, #tpu.memory_space<hbm>>
      %dma_wait3A_525 = tpu.memref_squeeze %dma_wait3A_524 : memref<1x1x80xi32, #tpu.memory_space<hbm>> -> memref<80xi32, #tpu.memory_space<hbm>>
      %dma_wait3A_526 = arith.constant 0 : i32
      %dma_wait3A_527 = tpu.memref_slice %arg10[%dma_wait3A_519, %dma_wait3A_526] : memref<3x80xi32, #tpu.memory_space<vmem>> -> memref<1x80xi32, #tpu.memory_space<vmem>>
      %dma_wait3A_528 = tpu.memref_squeeze %dma_wait3A_527 : memref<1x80xi32, #tpu.memory_space<vmem>> -> memref<80xi32, #tpu.memory_space<vmem>>
      %dma_wait3A_529 = arith.constant 0 : i32
      %dma_wait3A_530 = tpu.memref_slice %arg3[%add3A, %dma_wait3A_518, %dma_wait3A_529] : memref<32x125x80xi32, #tpu.memory_space<hbm>> -> memref<1x1x80xi32, #tpu.memory_space<hbm>>
      %dma_wait3A_531 = tpu.memref_squeeze %dma_wait3A_530 : memref<1x1x80xi32, #tpu.memory_space<hbm>> -> memref<80xi32, #tpu.memory_space<hbm>>
      tpu.wait_dma2 semaphore(%arg22 : memref<!tpu.dma_semaphore, #tpu.memory_space<semaphore_mem>>) src(%dma_wait3A_531 : memref<80xi32, #tpu.memory_space<hbm>>) dst(%dma_wait3A_528 : memref<80xi32, #tpu.memory_space<vmem>>)
      %add3A_532 = arith.constant 2 : i32
      %add3A_533 = arith.addi %add3A_335, %add3A_532 : i32
      %add3A_534 = arith.constant 2 : i32
      %add3A_535 = arith.addi %add3A_533, %add3A_534 : i32
      %dma_start3A_536 = arith.constant 0 : i32
      %dma_start3A_537 = arith.constant 0 : i32
      %dma_start3A_538 = tpu.memref_slice %arg10[%dma_start3A_536, %dma_start3A_537] : memref<3x80xi32, #tpu.memory_space<vmem>> -> memref<1x80xi32, #tpu.memory_space<vmem>>
      %dma_start3A_539 = tpu.memref_squeeze %dma_start3A_538 : memref<1x80xi32, #tpu.memory_space<vmem>> -> memref<80xi32, #tpu.memory_space<vmem>>
      %dma_start3A_540 = arith.constant 0 : i32
      %dma_start3A_541 = arith.constant 0 : i32
      %dma_start3A_542 = tpu.memref_slice %arg2[%dma_start3A_540, %dma_start3A_541] : memref<10000x128xf32, #tpu.memory_space<hbm>> -> memref<10000x128xf32, #tpu.memory_space<hbm>>
      tpu.enqueue_indirect_dma source(%dma_start3A_542 : memref<10000x128xf32, #tpu.memory_space<hbm>>) target(%arg12 : memref<80x128xf32, #tpu.memory_space<vmem>>) offsets(%dma_start3A_539 : memref<80xi32, #tpu.memory_space<vmem>>) semaphore(%arg16 : memref<!tpu.dma_semaphore, #tpu.memory_space<semaphore_mem>>)
    }
    %scan3A_206 = arith.constant 40 : i32
    %dma_wait3A_207 = arith.constant 2 : i32
    %dma_wait3A_208 = arith.constant 0 : i32
    %dma_wait3A_209 = tpu.memref_slice %arg10[%dma_wait3A_207, %dma_wait3A_208] : memref<3x80xi32, #tpu.memory_space<vmem>> -> memref<1x80xi32, #tpu.memory_space<vmem>>
    %dma_wait3A_210 = tpu.memref_squeeze %dma_wait3A_209 : memref<1x80xi32, #tpu.memory_space<vmem>> -> memref<80xi32, #tpu.memory_space<vmem>>
    %dma_wait3A_211 = arith.constant 0 : i32
    %dma_wait3A_212 = arith.constant 0 : i32
    %dma_wait3A_213 = tpu.memref_slice %arg2[%dma_wait3A_211, %dma_wait3A_212] : memref<10000x128xf32, #tpu.memory_space<hbm>> -> memref<10000x128xf32, #tpu.memory_space<hbm>>
    tpu.wait_indirect_dma semaphore(%arg18 : memref<!tpu.dma_semaphore, #tpu.memory_space<semaphore_mem>>) src(%dma_wait3A_213 : memref<10000x128xf32, #tpu.memory_space<hbm>>) dst(%arg14 : memref<80x128xf32, #tpu.memory_space<vmem>>)
    %dma_start3A_214 = arith.constant 122 : i32
    %dma_start3A_215 = arith.constant 0 : i32
    %dma_start3A_216 = tpu.memref_slice %arg11[%dma_start3A_214, %dma_start3A_215] : memref<125x80xi32, #tpu.memory_space<vmem>> -> memref<1x80xi32, #tpu.memory_space<vmem>>
    %dma_start3A_217 = tpu.memref_squeeze %dma_start3A_216 : memref<1x80xi32, #tpu.memory_space<vmem>> -> memref<80xi32, #tpu.memory_space<vmem>>
    %dma_start3A_218 = arith.constant 0 : i32
    %dma_start3A_219 = arith.constant 0 : i32
    %dma_start3A_220 = tpu.memref_slice %arg15[%dma_start3A_218, %dma_start3A_219] : memref<10240x128xf32, #tpu.memory_space<vmem_shared>> -> memref<10240x128xf32, #tpu.memory_space<vmem_shared>>
    tpu.enqueue_indirect_dma source(%arg14 : memref<80x128xf32, #tpu.memory_space<vmem>>) target(%dma_start3A_220 : memref<10240x128xf32, #tpu.memory_space<vmem_shared>>) offsets(%dma_start3A_217 : memref<80xi32, #tpu.memory_space<vmem>>) semaphore(%arg21 : memref<!tpu.dma_semaphore, #tpu.memory_space<semaphore_mem>>) {add = true}
    %dma_start3A_221 = arith.constant 122 : i32
    %dma_start3A_222 = arith.constant 0 : i32
    %dma_start3A_223 = tpu.memref_slice %arg11[%dma_start3A_221, %dma_start3A_222] : memref<125x80xi32, #tpu.memory_space<vmem>> -> memref<1x80xi32, #tpu.memory_space<vmem>>
    %dma_start3A_224 = tpu.memref_squeeze %dma_start3A_223 : memref<1x80xi32, #tpu.memory_space<vmem>> -> memref<80xi32, #tpu.memory_space<vmem>>
    %dma_start3A_225 = arith.constant 0 : i32
    %dma_start3A_226 = tpu.memref_slice %arg26[%dma_start3A_225] : memref<10240xf32, #tpu.memory_space<vmem_shared>> -> memref<10240xf32, #tpu.memory_space<vmem_shared>>
    tpu.enqueue_indirect_dma source(%arg25 : memref<80xf32, #tpu.memory_space<vmem>>) target(%dma_start3A_226 : memref<10240xf32, #tpu.memory_space<vmem_shared>>) offsets(%dma_start3A_224 : memref<80xi32, #tpu.memory_space<vmem>>) semaphore(%arg28 : memref<!tpu.dma_semaphore, #tpu.memory_space<semaphore_mem>>) {add = true}
    %dma_wait3A_227 = arith.constant 0 : i32
    %dma_wait3A_228 = arith.constant 0 : i32
    %dma_wait3A_229 = tpu.memref_slice %arg11[%dma_wait3A_227, %dma_wait3A_228] : memref<125x80xi32, #tpu.memory_space<vmem>> -> memref<1x80xi32, #tpu.memory_space<vmem>>
    %dma_wait3A_230 = tpu.memref_squeeze %dma_wait3A_229 : memref<1x80xi32, #tpu.memory_space<vmem>> -> memref<80xi32, #tpu.memory_space<vmem>>
    %dma_wait3A_231 = arith.constant 0 : i32
    %dma_wait3A_232 = arith.constant 0 : i32
    %dma_wait3A_233 = tpu.memref_slice %arg15[%dma_wait3A_231, %dma_wait3A_232] : memref<10240x128xf32, #tpu.memory_space<vmem_shared>> -> memref<10240x128xf32, #tpu.memory_space<vmem_shared>>
    tpu.wait_indirect_dma semaphore(%arg20 : memref<!tpu.dma_semaphore, #tpu.memory_space<semaphore_mem>>) src(%arg13 : memref<80x128xf32, #tpu.memory_space<vmem>>) dst(%dma_wait3A_233 : memref<10240x128xf32, #tpu.memory_space<vmem_shared>>)
    %dma_wait3A_234 = arith.constant 0 : i32
    %dma_wait3A_235 = arith.constant 1 : i32
    %dma_wait3A_236 = arith.constant 0 : i32
    %dma_wait3A_237 = tpu.memref_slice %arg10[%dma_wait3A_235, %dma_wait3A_236] : memref<3x80xi32, #tpu.memory_space<vmem>> -> memref<1x80xi32, #tpu.memory_space<vmem>>
    %dma_wait3A_238 = tpu.memref_squeeze %dma_wait3A_237 : memref<1x80xi32, #tpu.memory_space<vmem>> -> memref<80xi32, #tpu.memory_space<vmem>>
    %dma_wait3A_239 = arith.constant 0 : i32
    %dma_wait3A_240 = tpu.memref_slice %arg3[%add3A, %dma_wait3A_234, %dma_wait3A_239] : memref<32x125x80xi32, #tpu.memory_space<hbm>> -> memref<1x1x80xi32, #tpu.memory_space<hbm>>
    %dma_wait3A_241 = tpu.memref_squeeze %dma_wait3A_240 : memref<1x1x80xi32, #tpu.memory_space<hbm>> -> memref<80xi32, #tpu.memory_space<hbm>>
    %dma_wait3A_242 = arith.constant 0 : i32
    %dma_wait3A_243 = tpu.memref_slice %arg10[%dma_wait3A_235, %dma_wait3A_242] : memref<3x80xi32, #tpu.memory_space<vmem>> -> memref<1x80xi32, #tpu.memory_space<vmem>>
    %dma_wait3A_244 = tpu.memref_squeeze %dma_wait3A_243 : memref<1x80xi32, #tpu.memory_space<vmem>> -> memref<80xi32, #tpu.memory_space<vmem>>
    %dma_wait3A_245 = arith.constant 0 : i32
    %dma_wait3A_246 = tpu.memref_slice %arg3[%add3A, %dma_wait3A_234, %dma_wait3A_245] : memref<32x125x80xi32, #tpu.memory_space<hbm>> -> memref<1x1x80xi32, #tpu.memory_space<hbm>>
    %dma_wait3A_247 = tpu.memref_squeeze %dma_wait3A_246 : memref<1x1x80xi32, #tpu.memory_space<hbm>> -> memref<80xi32, #tpu.memory_space<hbm>>
    tpu.wait_dma2 semaphore(%arg23 : memref<!tpu.dma_semaphore, #tpu.memory_space<semaphore_mem>>) src(%dma_wait3A_247 : memref<80xi32, #tpu.memory_space<hbm>>) dst(%dma_wait3A_244 : memref<80xi32, #tpu.memory_space<vmem>>)
    %dma_start3A_248 = arith.constant 1 : i32
    %dma_start3A_249 = arith.constant 0 : i32
    %dma_start3A_250 = tpu.memref_slice %arg10[%dma_start3A_248, %dma_start3A_249] : memref<3x80xi32, #tpu.memory_space<vmem>> -> memref<1x80xi32, #tpu.memory_space<vmem>>
    %dma_start3A_251 = tpu.memref_squeeze %dma_start3A_250 : memref<1x80xi32, #tpu.memory_space<vmem>> -> memref<80xi32, #tpu.memory_space<vmem>>
    %dma_start3A_252 = arith.constant 0 : i32
    %dma_start3A_253 = arith.constant 0 : i32
    %dma_start3A_254 = tpu.memref_slice %arg2[%dma_start3A_252, %dma_start3A_253] : memref<10000x128xf32, #tpu.memory_space<hbm>> -> memref<10000x128xf32, #tpu.memory_space<hbm>>
    tpu.enqueue_indirect_dma source(%dma_start3A_254 : memref<10000x128xf32, #tpu.memory_space<hbm>>) target(%arg13 : memref<80x128xf32, #tpu.memory_space<vmem>>) offsets(%dma_start3A_251 : memref<80xi32, #tpu.memory_space<vmem>>) semaphore(%arg17 : memref<!tpu.dma_semaphore, #tpu.memory_space<semaphore_mem>>)
    %dma_wait3A_255 = arith.constant 0 : i32
    %dma_wait3A_256 = arith.constant 0 : i32
    %dma_wait3A_257 = tpu.memref_slice %arg10[%dma_wait3A_255, %dma_wait3A_256] : memref<3x80xi32, #tpu.memory_space<vmem>> -> memref<1x80xi32, #tpu.memory_space<vmem>>
    %dma_wait3A_258 = tpu.memref_squeeze %dma_wait3A_257 : memref<1x80xi32, #tpu.memory_space<vmem>> -> memref<80xi32, #tpu.memory_space<vmem>>
    %dma_wait3A_259 = arith.constant 0 : i32
    %dma_wait3A_260 = arith.constant 0 : i32
    %dma_wait3A_261 = tpu.memref_slice %arg2[%dma_wait3A_259, %dma_wait3A_260] : memref<10000x128xf32, #tpu.memory_space<hbm>> -> memref<10000x128xf32, #tpu.memory_space<hbm>>
    tpu.wait_indirect_dma semaphore(%arg16 : memref<!tpu.dma_semaphore, #tpu.memory_space<semaphore_mem>>) src(%dma_wait3A_261 : memref<10000x128xf32, #tpu.memory_space<hbm>>) dst(%arg12 : memref<80x128xf32, #tpu.memory_space<vmem>>)
    %dma_start3A_262 = arith.constant 123 : i32
    %dma_start3A_263 = arith.constant 0 : i32
    %dma_start3A_264 = tpu.memref_slice %arg11[%dma_start3A_262, %dma_start3A_263] : memref<125x80xi32, #tpu.memory_space<vmem>> -> memref<1x80xi32, #tpu.memory_space<vmem>>
    %dma_start3A_265 = tpu.memref_squeeze %dma_start3A_264 : memref<1x80xi32, #tpu.memory_space<vmem>> -> memref<80xi32, #tpu.memory_space<vmem>>
    %dma_start3A_266 = arith.constant 0 : i32
    %dma_start3A_267 = arith.constant 0 : i32
    %dma_start3A_268 = tpu.memref_slice %arg15[%dma_start3A_266, %dma_start3A_267] : memref<10240x128xf32, #tpu.memory_space<vmem_shared>> -> memref<10240x128xf32, #tpu.memory_space<vmem_shared>>
    tpu.enqueue_indirect_dma source(%arg12 : memref<80x128xf32, #tpu.memory_space<vmem>>) target(%dma_start3A_268 : memref<10240x128xf32, #tpu.memory_space<vmem_shared>>) offsets(%dma_start3A_265 : memref<80xi32, #tpu.memory_space<vmem>>) semaphore(%arg19 : memref<!tpu.dma_semaphore, #tpu.memory_space<semaphore_mem>>) {add = true}
    %dma_start3A_269 = arith.constant 123 : i32
    %dma_start3A_270 = arith.constant 0 : i32
    %dma_start3A_271 = tpu.memref_slice %arg11[%dma_start3A_269, %dma_start3A_270] : memref<125x80xi32, #tpu.memory_space<vmem>> -> memref<1x80xi32, #tpu.memory_space<vmem>>
    %dma_start3A_272 = tpu.memref_squeeze %dma_start3A_271 : memref<1x80xi32, #tpu.memory_space<vmem>> -> memref<80xi32, #tpu.memory_space<vmem>>
    %dma_start3A_273 = arith.constant 0 : i32
    %dma_start3A_274 = tpu.memref_slice %arg26[%dma_start3A_273] : memref<10240xf32, #tpu.memory_space<vmem_shared>> -> memref<10240xf32, #tpu.memory_space<vmem_shared>>
    tpu.enqueue_indirect_dma source(%arg25 : memref<80xf32, #tpu.memory_space<vmem>>) target(%dma_start3A_274 : memref<10240xf32, #tpu.memory_space<vmem_shared>>) offsets(%dma_start3A_272 : memref<80xi32, #tpu.memory_space<vmem>>) semaphore(%arg28 : memref<!tpu.dma_semaphore, #tpu.memory_space<semaphore_mem>>) {add = true}
    %dma_wait3A_275 = arith.constant 1 : i32
    %dma_wait3A_276 = arith.constant 0 : i32
    %dma_wait3A_277 = tpu.memref_slice %arg10[%dma_wait3A_275, %dma_wait3A_276] : memref<3x80xi32, #tpu.memory_space<vmem>> -> memref<1x80xi32, #tpu.memory_space<vmem>>
    %dma_wait3A_278 = tpu.memref_squeeze %dma_wait3A_277 : memref<1x80xi32, #tpu.memory_space<vmem>> -> memref<80xi32, #tpu.memory_space<vmem>>
    %dma_wait3A_279 = arith.constant 0 : i32
    %dma_wait3A_280 = arith.constant 0 : i32
    %dma_wait3A_281 = tpu.memref_slice %arg2[%dma_wait3A_279, %dma_wait3A_280] : memref<10000x128xf32, #tpu.memory_space<hbm>> -> memref<10000x128xf32, #tpu.memory_space<hbm>>
    tpu.wait_indirect_dma semaphore(%arg17 : memref<!tpu.dma_semaphore, #tpu.memory_space<semaphore_mem>>) src(%dma_wait3A_281 : memref<10000x128xf32, #tpu.memory_space<hbm>>) dst(%arg13 : memref<80x128xf32, #tpu.memory_space<vmem>>)
    %dma_start3A_282 = arith.constant 124 : i32
    %dma_start3A_283 = arith.constant 0 : i32
    %dma_start3A_284 = tpu.memref_slice %arg11[%dma_start3A_282, %dma_start3A_283] : memref<125x80xi32, #tpu.memory_space<vmem>> -> memref<1x80xi32, #tpu.memory_space<vmem>>
    %dma_start3A_285 = tpu.memref_squeeze %dma_start3A_284 : memref<1x80xi32, #tpu.memory_space<vmem>> -> memref<80xi32, #tpu.memory_space<vmem>>
    %dma_start3A_286 = arith.constant 0 : i32
    %dma_start3A_287 = arith.constant 0 : i32
    %dma_start3A_288 = tpu.memref_slice %arg15[%dma_start3A_286, %dma_start3A_287] : memref<10240x128xf32, #tpu.memory_space<vmem_shared>> -> memref<10240x128xf32, #tpu.memory_space<vmem_shared>>
    tpu.enqueue_indirect_dma source(%arg13 : memref<80x128xf32, #tpu.memory_space<vmem>>) target(%dma_start3A_288 : memref<10240x128xf32, #tpu.memory_space<vmem_shared>>) offsets(%dma_start3A_285 : memref<80xi32, #tpu.memory_space<vmem>>) semaphore(%arg20 : memref<!tpu.dma_semaphore, #tpu.memory_space<semaphore_mem>>) {add = true}
    %dma_start3A_289 = arith.constant 124 : i32
    %dma_start3A_290 = arith.constant 0 : i32
    %dma_start3A_291 = tpu.memref_slice %arg11[%dma_start3A_289, %dma_start3A_290] : memref<125x80xi32, #tpu.memory_space<vmem>> -> memref<1x80xi32, #tpu.memory_space<vmem>>
    %dma_start3A_292 = tpu.memref_squeeze %dma_start3A_291 : memref<1x80xi32, #tpu.memory_space<vmem>> -> memref<80xi32, #tpu.memory_space<vmem>>
    %dma_start3A_293 = arith.constant 0 : i32
    %dma_start3A_294 = tpu.memref_slice %arg26[%dma_start3A_293] : memref<10240xf32, #tpu.memory_space<vmem_shared>> -> memref<10240xf32, #tpu.memory_space<vmem_shared>>
    tpu.enqueue_indirect_dma source(%arg25 : memref<80xf32, #tpu.memory_space<vmem>>) target(%dma_start3A_294 : memref<10240xf32, #tpu.memory_space<vmem_shared>>) offsets(%dma_start3A_292 : memref<80xi32, #tpu.memory_space<vmem>>) semaphore(%arg28 : memref<!tpu.dma_semaphore, #tpu.memory_space<semaphore_mem>>) {add = true}
    %dma_wait3A_295 = arith.constant 0 : i32
    %dma_wait3A_296 = arith.constant 0 : i32
    %dma_wait3A_297 = tpu.memref_slice %arg11[%dma_wait3A_295, %dma_wait3A_296] : memref<125x80xi32, #tpu.memory_space<vmem>> -> memref<1x80xi32, #tpu.memory_space<vmem>>
    %dma_wait3A_298 = tpu.memref_squeeze %dma_wait3A_297 : memref<1x80xi32, #tpu.memory_space<vmem>> -> memref<80xi32, #tpu.memory_space<vmem>>
    %dma_wait3A_299 = arith.constant 0 : i32
    %dma_wait3A_300 = arith.constant 0 : i32
    %dma_wait3A_301 = tpu.memref_slice %arg15[%dma_wait3A_299, %dma_wait3A_300] : memref<10240x128xf32, #tpu.memory_space<vmem_shared>> -> memref<10240x128xf32, #tpu.memory_space<vmem_shared>>
    tpu.wait_indirect_dma semaphore(%arg21 : memref<!tpu.dma_semaphore, #tpu.memory_space<semaphore_mem>>) src(%arg14 : memref<80x128xf32, #tpu.memory_space<vmem>>) dst(%dma_wait3A_301 : memref<10240x128xf32, #tpu.memory_space<vmem_shared>>)
    %dma_wait3A_302 = arith.constant 0 : i32
    %dma_wait3A_303 = arith.constant 0 : i32
    %dma_wait3A_304 = tpu.memref_slice %arg11[%dma_wait3A_302, %dma_wait3A_303] : memref<125x80xi32, #tpu.memory_space<vmem>> -> memref<1x80xi32, #tpu.memory_space<vmem>>
    %dma_wait3A_305 = tpu.memref_squeeze %dma_wait3A_304 : memref<1x80xi32, #tpu.memory_space<vmem>> -> memref<80xi32, #tpu.memory_space<vmem>>
    %dma_wait3A_306 = arith.constant 0 : i32
    %dma_wait3A_307 = arith.constant 0 : i32
    %dma_wait3A_308 = tpu.memref_slice %arg15[%dma_wait3A_306, %dma_wait3A_307] : memref<10240x128xf32, #tpu.memory_space<vmem_shared>> -> memref<10240x128xf32, #tpu.memory_space<vmem_shared>>
    tpu.wait_indirect_dma semaphore(%arg19 : memref<!tpu.dma_semaphore, #tpu.memory_space<semaphore_mem>>) src(%arg12 : memref<80x128xf32, #tpu.memory_space<vmem>>) dst(%dma_wait3A_308 : memref<10240x128xf32, #tpu.memory_space<vmem_shared>>)
    %dma_wait3A_309 = arith.constant 0 : i32
    %dma_wait3A_310 = arith.constant 0 : i32
    %dma_wait3A_311 = tpu.memref_slice %arg11[%dma_wait3A_309, %dma_wait3A_310] : memref<125x80xi32, #tpu.memory_space<vmem>> -> memref<1x80xi32, #tpu.memory_space<vmem>>
    %dma_wait3A_312 = tpu.memref_squeeze %dma_wait3A_311 : memref<1x80xi32, #tpu.memory_space<vmem>> -> memref<80xi32, #tpu.memory_space<vmem>>
    %dma_wait3A_313 = arith.constant 0 : i32
    %dma_wait3A_314 = arith.constant 0 : i32
    %dma_wait3A_315 = tpu.memref_slice %arg15[%dma_wait3A_313, %dma_wait3A_314] : memref<10240x128xf32, #tpu.memory_space<vmem_shared>> -> memref<10240x128xf32, #tpu.memory_space<vmem_shared>>
    tpu.wait_indirect_dma semaphore(%arg20 : memref<!tpu.dma_semaphore, #tpu.memory_space<semaphore_mem>>) src(%arg13 : memref<80x128xf32, #tpu.memory_space<vmem>>) dst(%dma_wait3A_315 : memref<10240x128xf32, #tpu.memory_space<vmem_shared>>)
    %dma_wait3A_316 = arith.constant 0 : i32
    %dma_wait3A_317 = arith.constant 0 : i32
    %dma_wait3A_318 = tpu.memref_slice %arg4[%add3A, %dma_wait3A_316, %dma_wait3A_317] : memref<32x125x80xi32, #tpu.memory_space<hbm>> -> memref<1x125x80xi32, #tpu.memory_space<hbm>>
    %dma_wait3A_319 = tpu.memref_squeeze %dma_wait3A_318 : memref<1x125x80xi32, #tpu.memory_space<hbm>> -> memref<125x80xi32, #tpu.memory_space<hbm>>
    %dma_wait3A_320 = arith.constant 0 : i32
    %dma_wait3A_321 = arith.constant 0 : i32
    %dma_wait3A_322 = tpu.memref_slice %arg4[%add3A, %dma_wait3A_320, %dma_wait3A_321] : memref<32x125x80xi32, #tpu.memory_space<hbm>> -> memref<1x125x80xi32, #tpu.memory_space<hbm>>
    %dma_wait3A_323 = tpu.memref_squeeze %dma_wait3A_322 : memref<1x125x80xi32, #tpu.memory_space<hbm>> -> memref<125x80xi32, #tpu.memory_space<hbm>>
    tpu.wait_dma2 semaphore(%arg28 : memref<!tpu.dma_semaphore, #tpu.memory_space<semaphore_mem>>) src(%dma_wait3A_323 : memref<125x80xi32, #tpu.memory_space<hbm>>) dst(%arg11 : memref<125x80xi32, #tpu.memory_space<vmem>>)
    %barrier3A_324 = arith.constant 0 : index
    tpu.barrier barrier_id(%barrier3A_324)
    %lt3A = arith.constant 15 : i32
    %lt3A_325 = arith.cmpi slt, %arg1, %lt3A : i32
    %convert_element_type3A = arith.extui %lt3A_325 : i1 to i32
    %cond3A = arith.constant 0 : i32
    %cond3A_326 = arith.cmpi ne, %convert_element_type3A, %cond3A : i32
    scf.if %cond3A_326 {
      "tpu.region"() ({
        %run_scoped3A = tpu.sem_alloc : memref<!tpu.dma_semaphore, #tpu.memory_space<semaphore_mem>>
        %dma_start3A_335 = arith.constant 0 : i32
        %dma_start3A_336 = tpu.memref_slice %arg8[%arg0, %multiple_of3A, %dma_start3A_335] : memref<2x10000x128xf32, #tpu.memory_space<hbm>> -> memref<1x640x128xf32, #tpu.memory_space<hbm>>
        %dma_start3A_337 = tpu.memref_squeeze %dma_start3A_336 : memref<1x640x128xf32, #tpu.memory_space<hbm>> -> memref<640x128xf32, #tpu.memory_space<hbm>>
        %dma_start3A_338 = arith.constant 0 : i32
        %dma_start3A_339 = tpu.memref_slice %arg15[%multiple_of3A, %dma_start3A_338] : memref<10240x128xf32, #tpu.memory_space<vmem_shared>> -> memref<640x128xf32, #tpu.memory_space<vmem_shared>>
        tpu.enqueue_dma source(%dma_start3A_339 : memref<640x128xf32, #tpu.memory_space<vmem_shared>>) target(%dma_start3A_337 : memref<640x128xf32, #tpu.memory_space<hbm>>) target_semaphore(%run_scoped3A : memref<!tpu.dma_semaphore, #tpu.memory_space<semaphore_mem>>)
        %dma_wait3A_340 = arith.constant 0 : i32
        %dma_wait3A_341 = tpu.memref_slice %arg8[%arg0, %multiple_of3A, %dma_wait3A_340] : memref<2x10000x128xf32, #tpu.memory_space<hbm>> -> memref<1x640x128xf32, #tpu.memory_space<hbm>>
        %dma_wait3A_342 = tpu.memref_squeeze %dma_wait3A_341 : memref<1x640x128xf32, #tpu.memory_space<hbm>> -> memref<640x128xf32, #tpu.memory_space<hbm>>
        %dma_wait3A_343 = arith.constant 0 : i32
        %dma_wait3A_344 = tpu.memref_slice %arg15[%multiple_of3A, %dma_wait3A_343] : memref<10240x128xf32, #tpu.memory_space<vmem_shared>> -> memref<640x128xf32, #tpu.memory_space<vmem_shared>>
        tpu.wait_dma2 semaphore(%run_scoped3A : memref<!tpu.dma_semaphore, #tpu.memory_space<semaphore_mem>>) src(%dma_wait3A_344 : memref<640x128xf32, #tpu.memory_space<vmem_shared>>) dst(%dma_wait3A_342 : memref<640x128xf32, #tpu.memory_space<hbm>>)
        tpu.yield
      }) : () -> ()
      %mul3A_331 = arith.constant 10000 : i32
      %mul3A_332 = arith.muli %arg0, %mul3A_331 : i32
      %add3A_333 = arith.addi %mul3A_332, %multiple_of3A : i32
      %multiple_of3A_334 = tpu.assume_multiple %add3A_333, 8 : i32
      "tpu.region"() ({
        %run_scoped3A = tpu.sem_alloc : memref<!tpu.dma_semaphore, #tpu.memory_space<semaphore_mem>>
        %dma_start3A_335 = tpu.memref_slice %arg26[%multiple_of3A] : memref<10240xf32, #tpu.memory_space<vmem_shared>> -> memref<640xf32, #tpu.memory_space<vmem_shared>>
        %dma_start3A_336 = tpu.memref_slice %arg26[%multiple_of3A] : memref<10240xf32, #tpu.memory_space<vmem_shared>> -> memref<640xf32, #tpu.memory_space<vmem_shared>>
        tpu.enqueue_dma source(%dma_start3A_336 : memref<640xf32, #tpu.memory_space<vmem_shared>>) target(%arg27 : memref<640xf32, #tpu.memory_space<vmem>>) target_semaphore(%run_scoped3A : memref<!tpu.dma_semaphore, #tpu.memory_space<semaphore_mem>>)
        %dma_wait3A_337 = tpu.memref_slice %arg26[%multiple_of3A] : memref<10240xf32, #tpu.memory_space<vmem_shared>> -> memref<640xf32, #tpu.memory_space<vmem_shared>>
        %dma_wait3A_338 = tpu.memref_slice %arg26[%multiple_of3A] : memref<10240xf32, #tpu.memory_space<vmem_shared>> -> memref<640xf32, #tpu.memory_space<vmem_shared>>
        tpu.wait_dma2 semaphore(%run_scoped3A : memref<!tpu.dma_semaphore, #tpu.memory_space<semaphore_mem>>) src(%dma_wait3A_338 : memref<640xf32, #tpu.memory_space<vmem_shared>>) dst(%arg27 : memref<640xf32, #tpu.memory_space<vmem>>)
        tpu.yield
      }) : () -> ()
      "tpu.region"() ({
        %run_scoped3A = tpu.sem_alloc : memref<!tpu.dma_semaphore, #tpu.memory_space<semaphore_mem>>
        %dma_start3A_335 = tpu.memref_slice %arg9[%multiple_of3A_334] : memref<20000xf32, #tpu.memory_space<hbm>> -> memref<640xf32, #tpu.memory_space<hbm>>
        %dma_start3A_336 = tpu.memref_slice %arg9[%multiple_of3A_334] : memref<20000xf32, #tpu.memory_space<hbm>> -> memref<640xf32, #tpu.memory_space<hbm>>
        tpu.enqueue_dma source(%arg27 : memref<640xf32, #tpu.memory_space<vmem>>) target(%dma_start3A_336 : memref<640xf32, #tpu.memory_space<hbm>>) target_semaphore(%run_scoped3A : memref<!tpu.dma_semaphore, #tpu.memory_space<semaphore_mem>>)
        %dma_wait3A_337 = tpu.memref_slice %arg9[%multiple_of3A_334] : memref<20000xf32, #tpu.memory_space<hbm>> -> memref<640xf32, #tpu.memory_space<hbm>>
        %dma_wait3A_338 = tpu.memref_slice %arg9[%multiple_of3A_334] : memref<20000xf32, #tpu.memory_space<hbm>> -> memref<640xf32, #tpu.memory_space<hbm>>
        tpu.wait_dma2 semaphore(%run_scoped3A : memref<!tpu.dma_semaphore, #tpu.memory_space<semaphore_mem>>) src(%arg27 : memref<640xf32, #tpu.memory_space<vmem>>) dst(%dma_wait3A_338 : memref<640xf32, #tpu.memory_space<hbm>>)
        tpu.yield
      }) : () -> ()
    } else {
    }
    %eq3A = arith.constant 15 : i32
    %eq3A_327 = arith.cmpi eq, %arg1, %eq3A : i32
    %convert_element_type3A_328 = arith.extui %eq3A_327 : i1 to i32
    %cond3A_329 = arith.constant 0 : i32
    %cond3A_330 = arith.cmpi ne, %convert_element_type3A_328, %cond3A_329 : i32
    scf.if %cond3A_330 {
      "tpu.region"() ({
        %run_scoped3A = tpu.sem_alloc : memref<!tpu.dma_semaphore, #tpu.memory_space<semaphore_mem>>
        %dma_start3A_335 = arith.constant 0 : i32
        %dma_start3A_336 = tpu.memref_slice %arg8[%arg0, %multiple_of3A, %dma_start3A_335] : memref<2x10000x128xf32, #tpu.memory_space<hbm>> -> memref<1x400x128xf32, #tpu.memory_space<hbm>>
        %dma_start3A_337 = tpu.memref_squeeze %dma_start3A_336 : memref<1x400x128xf32, #tpu.memory_space<hbm>> -> memref<400x128xf32, #tpu.memory_space<hbm>>
        %dma_start3A_338 = arith.constant 0 : i32
        %dma_start3A_339 = tpu.memref_slice %arg15[%multiple_of3A, %dma_start3A_338] : memref<10240x128xf32, #tpu.memory_space<vmem_shared>> -> memref<400x128xf32, #tpu.memory_space<vmem_shared>>
        tpu.enqueue_dma source(%dma_start3A_339 : memref<400x128xf32, #tpu.memory_space<vmem_shared>>) target(%dma_start3A_337 : memref<400x128xf32, #tpu.memory_space<hbm>>) target_semaphore(%run_scoped3A : memref<!tpu.dma_semaphore, #tpu.memory_space<semaphore_mem>>)
        %dma_wait3A_340 = arith.constant 0 : i32
        %dma_wait3A_341 = tpu.memref_slice %arg8[%arg0, %multiple_of3A, %dma_wait3A_340] : memref<2x10000x128xf32, #tpu.memory_space<hbm>> -> memref<1x400x128xf32, #tpu.memory_space<hbm>>
        %dma_wait3A_342 = tpu.memref_squeeze %dma_wait3A_341 : memref<1x400x128xf32, #tpu.memory_space<hbm>> -> memref<400x128xf32, #tpu.memory_space<hbm>>
        %dma_wait3A_343 = arith.constant 0 : i32
        %dma_wait3A_344 = tpu.memref_slice %arg15[%multiple_of3A, %dma_wait3A_343] : memref<10240x128xf32, #tpu.memory_space<vmem_shared>> -> memref<400x128xf32, #tpu.memory_space<vmem_shared>>
        tpu.wait_dma2 semaphore(%run_scoped3A : memref<!tpu.dma_semaphore, #tpu.memory_space<semaphore_mem>>) src(%dma_wait3A_344 : memref<400x128xf32, #tpu.memory_space<vmem_shared>>) dst(%dma_wait3A_342 : memref<400x128xf32, #tpu.memory_space<hbm>>)
        tpu.yield
      }) : () -> ()
      %mul3A_331 = arith.constant 10000 : i32
      %mul3A_332 = arith.muli %arg0, %mul3A_331 : i32
      %add3A_333 = arith.addi %mul3A_332, %multiple_of3A : i32
      %multiple_of3A_334 = tpu.assume_multiple %add3A_333, 8 : i32
      "tpu.region"() ({
        %run_scoped3A = tpu.sem_alloc : memref<!tpu.dma_semaphore, #tpu.memory_space<semaphore_mem>>
        %dma_start3A_335 = arith.constant 0 : i32
        %dma_start3A_336 = tpu.memref_slice %arg27[%dma_start3A_335] : memref<640xf32, #tpu.memory_space<vmem>> -> memref<400xf32, #tpu.memory_space<vmem>>
        %dma_start3A_337 = tpu.memref_slice %arg26[%multiple_of3A] : memref<10240xf32, #tpu.memory_space<vmem_shared>> -> memref<400xf32, #tpu.memory_space<vmem_shared>>
        %dma_start3A_338 = arith.constant 0 : i32
        %dma_start3A_339 = tpu.memref_slice %arg27[%dma_start3A_338] : memref<640xf32, #tpu.memory_space<vmem>> -> memref<400xf32, #tpu.memory_space<vmem>>
        %dma_start3A_340 = tpu.memref_slice %arg26[%multiple_of3A] : memref<10240xf32, #tpu.memory_space<vmem_shared>> -> memref<400xf32, #tpu.memory_space<vmem_shared>>
        tpu.enqueue_dma source(%dma_start3A_340 : memref<400xf32, #tpu.memory_space<vmem_shared>>) target(%dma_start3A_339 : memref<400xf32, #tpu.memory_space<vmem>>) target_semaphore(%run_scoped3A : memref<!tpu.dma_semaphore, #tpu.memory_space<semaphore_mem>>)
        %dma_wait3A_341 = arith.constant 0 : i32
        %dma_wait3A_342 = tpu.memref_slice %arg27[%dma_wait3A_341] : memref<640xf32, #tpu.memory_space<vmem>> -> memref<400xf32, #tpu.memory_space<vmem>>
        %dma_wait3A_343 = tpu.memref_slice %arg26[%multiple_of3A] : memref<10240xf32, #tpu.memory_space<vmem_shared>> -> memref<400xf32, #tpu.memory_space<vmem_shared>>
        %dma_wait3A_344 = arith.constant 0 : i32
        %dma_wait3A_345 = tpu.memref_slice %arg27[%dma_wait3A_344] : memref<640xf32, #tpu.memory_space<vmem>> -> memref<400xf32, #tpu.memory_space<vmem>>
        %dma_wait3A_346 = tpu.memref_slice %arg26[%multiple_of3A] : memref<10240xf32, #tpu.memory_space<vmem_shared>> -> memref<400xf32, #tpu.memory_space<vmem_shared>>
        tpu.wait_dma2 semaphore(%run_scoped3A : memref<!tpu.dma_semaphore, #tpu.memory_space<semaphore_mem>>) src(%dma_wait3A_346 : memref<400xf32, #tpu.memory_space<vmem_shared>>) dst(%dma_wait3A_345 : memref<400xf32, #tpu.memory_space<vmem>>)
        tpu.yield
      }) : () -> ()
      "tpu.region"() ({
        %run_scoped3A = tpu.sem_alloc : memref<!tpu.dma_semaphore, #tpu.memory_space<semaphore_mem>>
        %dma_start3A_335 = arith.constant 0 : i32
        %dma_start3A_336 = tpu.memref_slice %arg27[%dma_start3A_335] : memref<640xf32, #tpu.memory_space<vmem>> -> memref<400xf32, #tpu.memory_space<vmem>>
        %dma_start3A_337 = tpu.memref_slice %arg9[%multiple_of3A_334] : memref<20000xf32, #tpu.memory_space<hbm>> -> memref<400xf32, #tpu.memory_space<hbm>>
        %dma_start3A_338 = tpu.memref_slice %arg9[%multiple_of3A_334] : memref<20000xf32, #tpu.memory_space<hbm>> -> memref<400xf32, #tpu.memory_space<hbm>>
        %dma_start3A_339 = arith.constant 0 : i32
        %dma_start3A_340 = tpu.memref_slice %arg27[%dma_start3A_339] : memref<640xf32, #tpu.memory_space<vmem>> -> memref<400xf32, #tpu.memory_space<vmem>>
        tpu.enqueue_dma source(%dma_start3A_340 : memref<400xf32, #tpu.memory_space<vmem>>) target(%dma_start3A_338 : memref<400xf32, #tpu.memory_space<hbm>>) target_semaphore(%run_scoped3A : memref<!tpu.dma_semaphore, #tpu.memory_space<semaphore_mem>>)
        %dma_wait3A_341 = arith.constant 0 : i32
        %dma_wait3A_342 = tpu.memref_slice %arg27[%dma_wait3A_341] : memref<640xf32, #tpu.memory_space<vmem>> -> memref<400xf32, #tpu.memory_space<vmem>>
        %dma_wait3A_343 = tpu.memref_slice %arg9[%multiple_of3A_334] : memref<20000xf32, #tpu.memory_space<hbm>> -> memref<400xf32, #tpu.memory_space<hbm>>
        %dma_wait3A_344 = tpu.memref_slice %arg9[%multiple_of3A_334] : memref<20000xf32, #tpu.memory_space<hbm>> -> memref<400xf32, #tpu.memory_space<hbm>>
        %dma_wait3A_345 = arith.constant 0 : i32
        %dma_wait3A_346 = tpu.memref_slice %arg27[%dma_wait3A_345] : memref<640xf32, #tpu.memory_space<vmem>> -> memref<400xf32, #tpu.memory_space<vmem>>
        tpu.wait_dma2 semaphore(%run_scoped3A : memref<!tpu.dma_semaphore, #tpu.memory_space<semaphore_mem>>) src(%dma_wait3A_346 : memref<400xf32, #tpu.memory_space<vmem>>) dst(%dma_wait3A_344 : memref<400xf32, #tpu.memory_space<hbm>>)
        tpu.yield
      }) : () -> ()
    } else {
    }
    return
  }
}

module attributes {stable_mosaic.version = 14 : i64} {
  func.func @_mm2_body(%arg0: i32, %arg1: memref<2000x128xf32, #tpu.memory_space<vmem>>, %arg2: memref<128x128xf32, #tpu.memory_space<vmem>>, %arg3: memref<128x128xf32, #tpu.memory_space<vmem>>, %arg4: memref<2000x128xf32, #tpu.memory_space<vmem>>, %arg5: memref<2000x128xf32, #tpu.memory_space<vmem>>) attributes {dimension_semantics = [#tpu.dimension_semantics<arbitrary>], iteration_bounds = array<i64: 5>, scalar_prefetch = 0 : i64, scratch_operands = 0 : i64, tpu.core_type = #tpu.core_type<tc>, window_params = [{transform_indices = @transform_0, window_bounds = array<i64: 2000, 128>}, {pipeline_mode = #tpu.pipeline_mode<synchronous>, transform_indices = @transform_1, window_bounds = array<i64: 128, 128>}, {pipeline_mode = #tpu.pipeline_mode<synchronous>, transform_indices = @transform_2, window_bounds = array<i64: 128, 128>}, {transform_indices = @transform_3, window_bounds = array<i64: 2000, 128>}, {transform_indices = @transform_4, window_bounds = array<i64: 2000, 128>}]} {
    %get3A = arith.constant 0 : index
    %get3A_0 = arith.constant 0 : index
    %get3A_1 = vector.load %arg1[%get3A, %get3A_0] : memref<2000x128xf32, #tpu.memory_space<vmem>>, vector<2000x128xf32>
    %get3A_2 = arith.constant 0 : index
    %get3A_3 = arith.constant 0 : index
    %get3A_4 = vector.load %arg2[%get3A_2, %get3A_3] : memref<128x128xf32, #tpu.memory_space<vmem>>, vector<128x128xf32>
    %dot_general3A = arith.constant dense<0.000000e+00> : vector<2000x128xf32>
    %dot_general3A_5 = tpu.matmul %get3A_1, %get3A_4, %dot_general3A {dimension_numbers = #tpu.dot_dimension_numbers<[1], [0], [0], [1], [0, 0, 1, 1], [], []>, precision = #tpu.contract_precision<fp32>, transpose_lhs_hint = false} : vector<2000x128xf32>, vector<128x128xf32>, vector<2000x128xf32> -> vector<2000x128xf32>
    %swap3A = arith.constant 0 : index
    %swap3A_6 = arith.constant 0 : index
    %swap3A_7 = vector.load %arg4[%swap3A, %swap3A_6] : memref<2000x128xf32, #tpu.memory_space<vmem>>, vector<2000x128xf32>
    tpu.vector_store %arg4[%swap3A, %swap3A_6], %dot_general3A_5 {strides = array<i32>} : memref<2000x128xf32, #tpu.memory_space<vmem>>, vector<2000x128xf32>,
    %get3A_8 = arith.constant 0 : index
    %get3A_9 = arith.constant 0 : index
    %get3A_10 = vector.load %arg3[%get3A_8, %get3A_9] : memref<128x128xf32, #tpu.memory_space<vmem>>, vector<128x128xf32>
    %dot_general3A_11 = arith.constant dense<0.000000e+00> : vector<2000x128xf32>
    %dot_general3A_12 = tpu.matmul %get3A_1, %get3A_10, %dot_general3A_11 {dimension_numbers = #tpu.dot_dimension_numbers<[1], [0], [0], [1], [0, 0, 1, 1], [], []>, precision = #tpu.contract_precision<fp32>, transpose_lhs_hint = false} : vector<2000x128xf32>, vector<128x128xf32>, vector<2000x128xf32> -> vector<2000x128xf32>
    %swap3A_13 = arith.constant 0 : index
    %swap3A_14 = arith.constant 0 : index
    %swap3A_15 = vector.load %arg5[%swap3A_13, %swap3A_14] : memref<2000x128xf32, #tpu.memory_space<vmem>>, vector<2000x128xf32>
    tpu.vector_store %arg5[%swap3A_13, %swap3A_14], %dot_general3A_12 {strides = array<i32>} : memref<2000x128xf32, #tpu.memory_space<vmem>>, vector<2000x128xf32>,
    return
  }
  func.func @transform_0(%arg0: i32) -> (i32, i32) {
    %c0_i32 = arith.constant 0 : i32
    %c0_i32_0 = arith.constant 0 : i32
    return %arg0, %c0_i32 : i32, i32
  }
  func.func @transform_1(%arg0: i32) -> (i32, i32) {
    %c0_i32 = arith.constant 0 : i32
    %c0_i32_0 = arith.constant 0 : i32
    %c0_i32_1 = arith.constant 0 : i32
    return %c0_i32, %c0_i32_0 : i32, i32
  }
  func.func @transform_2(%arg0: i32) -> (i32, i32) {
    %c0_i32 = arith.constant 0 : i32
    %c0_i32_0 = arith.constant 0 : i32
    %c0_i32_1 = arith.constant 0 : i32
    return %c0_i32, %c0_i32_0 : i32, i32
  }
  func.func @transform_3(%arg0: i32) -> (i32, i32) {
    %c0_i32 = arith.constant 0 : i32
    %c0_i32_0 = arith.constant 0 : i32
    return %arg0, %c0_i32 : i32, i32
  }
  func.func @transform_4(%arg0: i32) -> (i32, i32) {
    %c0_i32 = arith.constant 0 : i32
    %c0_i32_0 = arith.constant 0 : i32
    return %arg0, %c0_i32 : i32, i32
  }
}

module attributes {stable_mosaic.version = 14 : i64} {
  func.func @_l1mm_body(%arg0: i32, %arg1: memref<2000x128xf32, #tpu.memory_space<vmem>>, %arg2: memref<2x2000x128xf32, #tpu.memory_space<vmem>>, %arg3: memref<2000x2xf32, #tpu.memory_space<vmem>>, %arg4: memref<1x128xf32, #tpu.memory_space<vmem>>, %arg5: memref<128x64xf32, #tpu.memory_space<vmem>>, %arg6: memref<128x64xf32, #tpu.memory_space<vmem>>, %arg7: memref<2000x64xf32, #tpu.memory_space<vmem>>, %arg8: memref<2000x64xf32, #tpu.memory_space<vmem>>) attributes {dimension_semantics = [#tpu.dimension_semantics<arbitrary>], iteration_bounds = array<i64: 5>, scalar_prefetch = 0 : i64, scratch_operands = 0 : i64, tpu.core_type = #tpu.core_type<tc>, window_params = [{transform_indices = @transform_0, window_bounds = array<i64: 2000, 128>}, {transform_indices = @transform_1, window_bounds = array<i64: 2, 2000, 128>}, {transform_indices = @transform_2, window_bounds = array<i64: 2000, 2>}, {pipeline_mode = #tpu.pipeline_mode<synchronous>, transform_indices = @transform_3, window_bounds = array<i64: 1, 128>}, {pipeline_mode = #tpu.pipeline_mode<synchronous>, transform_indices = @transform_4, window_bounds = array<i64: 128, 64>}, {pipeline_mode = #tpu.pipeline_mode<synchronous>, transform_indices = @transform_5, window_bounds = array<i64: 128, 64>}, {transform_indices = @transform_6, window_bounds = array<i64: 2000, 64>}, {transform_indices = @transform_7, window_bounds = array<i64: 2000, 64>}]} {
    %get3A = arith.constant 0 : index
    %get3A_0 = arith.constant 0 : index
    %get3A_1 = vector.load %arg3[%get3A, %get3A_0] : memref<2000x2xf32, #tpu.memory_space<vmem>>, vector<2000x1xf32>
    %get3A_2 = arith.constant 0 : index
    %get3A_3 = arith.constant 1 : index
    %get3A_4 = vector.load %arg3[%get3A_2, %get3A_3] : memref<2000x2xf32, #tpu.memory_space<vmem>>, vector<2000x1xf32>
    %add3A = arith.addf %get3A_1, %get3A_4 : vector<2000x1xf32>
    %max3A = arith.constant 1.000000e+00 : f32
    %max3A_5 = vector.broadcast %max3A : f32 to vector<2000x1xf32>
    %max3A_6 = arith.maximumf %add3A, %max3A_5 : vector<2000x1xf32>
    %get3A_7 = arith.constant 0 : index
    %get3A_8 = arith.constant 0 : index
    %get3A_9 = arith.constant 0 : index
    %get3A_10 = vector.load %arg2[%get3A_7, %get3A_8, %get3A_9] : memref<2x2000x128xf32, #tpu.memory_space<vmem>>, vector<1x2000x128xf32>
    %get3A_11 = vector.shape_cast %get3A_10 : vector<1x2000x128xf32> to vector<2000x128xf32>
    %get3A_12 = arith.constant 1 : index
    %get3A_13 = arith.constant 0 : index
    %get3A_14 = arith.constant 0 : index
    %get3A_15 = vector.load %arg2[%get3A_12, %get3A_13, %get3A_14] : memref<2x2000x128xf32, #tpu.memory_space<vmem>>, vector<1x2000x128xf32>
    %get3A_16 = vector.shape_cast %get3A_15 : vector<1x2000x128xf32> to vector<2000x128xf32>
    %add3A_17 = arith.addf %get3A_11, %get3A_16 : vector<2000x128xf32>
    %div3A = vector.broadcast %max3A_6 : vector<2000x1xf32> to vector<2000x128xf32>
    %div3A_18 = arith.divf %add3A_17, %div3A : vector<2000x128xf32>
    %get3A_19 = arith.constant 0 : index
    %get3A_20 = arith.constant 0 : index
    %get3A_21 = vector.load %arg1[%get3A_19, %get3A_20] : memref<2000x128xf32, #tpu.memory_space<vmem>>, vector<2000x128xf32>
    %add3A_22 = arith.addf %get3A_21, %div3A_18 : vector<2000x128xf32>
    %get3A_23 = arith.constant 0 : index
    %get3A_24 = arith.constant 0 : index
    %get3A_25 = vector.load %arg4[%get3A_23, %get3A_24] : memref<1x128xf32, #tpu.memory_space<vmem>>, vector<1x128xf32>
    %add3A_26 = vector.broadcast %get3A_25 : vector<1x128xf32> to vector<2000x128xf32>
    %add3A_27 = arith.addf %add3A_22, %add3A_26 : vector<2000x128xf32>
    %max3A_28 = arith.constant 0.000000e+00 : f32
    %max3A_29 = vector.broadcast %max3A_28 : f32 to vector<2000x128xf32>
    %max3A_30 = arith.maximumf %add3A_27, %max3A_29 : vector<2000x128xf32>
    %get3A_31 = arith.constant 0 : index
    %get3A_32 = arith.constant 0 : index
    %get3A_33 = vector.load %arg5[%get3A_31, %get3A_32] : memref<128x64xf32, #tpu.memory_space<vmem>>, vector<128x64xf32>
    %dot_general3A = arith.constant dense<0.000000e+00> : vector<2000x64xf32>
    %dot_general3A_34 = tpu.matmul %max3A_30, %get3A_33, %dot_general3A {dimension_numbers = #tpu.dot_dimension_numbers<[1], [0], [0], [1], [0, 0, 1, 1], [], []>, precision = #tpu.contract_precision<fp32>, transpose_lhs_hint = false} : vector<2000x128xf32>, vector<128x64xf32>, vector<2000x64xf32> -> vector<2000x64xf32>
    %swap3A = arith.constant 0 : index
    %swap3A_35 = arith.constant 0 : index
    %swap3A_36 = vector.load %arg7[%swap3A, %swap3A_35] : memref<2000x64xf32, #tpu.memory_space<vmem>>, vector<2000x64xf32>
    tpu.vector_store %arg7[%swap3A, %swap3A_35], %dot_general3A_34 {strides = array<i32>} : memref<2000x64xf32, #tpu.memory_space<vmem>>, vector<2000x64xf32>,
    %get3A_37 = arith.constant 0 : index
    %get3A_38 = arith.constant 0 : index
    %get3A_39 = vector.load %arg6[%get3A_37, %get3A_38] : memref<128x64xf32, #tpu.memory_space<vmem>>, vector<128x64xf32>
    %dot_general3A_40 = arith.constant dense<0.000000e+00> : vector<2000x64xf32>
    %dot_general3A_41 = tpu.matmul %max3A_30, %get3A_39, %dot_general3A_40 {dimension_numbers = #tpu.dot_dimension_numbers<[1], [0], [0], [1], [0, 0, 1, 1], [], []>, precision = #tpu.contract_precision<fp32>, transpose_lhs_hint = false} : vector<2000x128xf32>, vector<128x64xf32>, vector<2000x64xf32> -> vector<2000x64xf32>
    %swap3A_42 = arith.constant 0 : index
    %swap3A_43 = arith.constant 0 : index
    %swap3A_44 = vector.load %arg8[%swap3A_42, %swap3A_43] : memref<2000x64xf32, #tpu.memory_space<vmem>>, vector<2000x64xf32>
    tpu.vector_store %arg8[%swap3A_42, %swap3A_43], %dot_general3A_41 {strides = array<i32>} : memref<2000x64xf32, #tpu.memory_space<vmem>>, vector<2000x64xf32>,
    return
  }
  func.func @transform_0(%arg0: i32) -> (i32, i32) {
    %c0_i32 = arith.constant 0 : i32
    %c0_i32_0 = arith.constant 0 : i32
    return %arg0, %c0_i32 : i32, i32
  }
  func.func @transform_1(%arg0: i32) -> (i32, i32, i32) {
    %c0_i32 = arith.constant 0 : i32
    %c0_i32_0 = arith.constant 0 : i32
    %c0_i32_1 = arith.constant 0 : i32
    return %c0_i32, %arg0, %c0_i32_0 : i32, i32, i32
  }
  func.func @transform_2(%arg0: i32) -> (i32, i32) {
    %c0_i32 = arith.constant 0 : i32
    %c0_i32_0 = arith.constant 0 : i32
    return %arg0, %c0_i32 : i32, i32
  }
  func.func @transform_3(%arg0: i32) -> (i32, i32) {
    %c0_i32 = arith.constant 0 : i32
    %c0_i32_0 = arith.constant 0 : i32
    %c0_i32_1 = arith.constant 0 : i32
    return %c0_i32, %c0_i32_0 : i32, i32
  }
  func.func @transform_4(%arg0: i32) -> (i32, i32) {
    %c0_i32 = arith.constant 0 : i32
    %c0_i32_0 = arith.constant 0 : i32
    %c0_i32_1 = arith.constant 0 : i32
    return %c0_i32, %c0_i32_0 : i32, i32
  }
  func.func @transform_5(%arg0: i32) -> (i32, i32) {
    %c0_i32 = arith.constant 0 : i32
    %c0_i32_0 = arith.constant 0 : i32
    %c0_i32_1 = arith.constant 0 : i32
    return %c0_i32, %c0_i32_0 : i32, i32
  }
  func.func @transform_6(%arg0: i32) -> (i32, i32) {
    %c0_i32 = arith.constant 0 : i32
    %c0_i32_0 = arith.constant 0 : i32
    return %arg0, %c0_i32 : i32, i32
  }
  func.func @transform_7(%arg0: i32) -> (i32, i32) {
    %c0_i32 = arith.constant 0 : i32
    %c0_i32_0 = arith.constant 0 : i32
    return %arg0, %c0_i32 : i32, i32
  }
}

module attributes {stable_mosaic.version = 14 : i64} {
  func.func @_l2fin_body(%arg0: i32, %arg1: memref<2000x64xf32, #tpu.memory_space<vmem>>, %arg2: memref<2x2000x64xf32, #tpu.memory_space<vmem>>, %arg3: memref<2000x2xf32, #tpu.memory_space<vmem>>, %arg4: memref<1x64xf32, #tpu.memory_space<vmem>>, %arg5: memref<2000x64xf32, #tpu.memory_space<vmem>>) attributes {dimension_semantics = [#tpu.dimension_semantics<arbitrary>], iteration_bounds = array<i64: 5>, scalar_prefetch = 0 : i64, scratch_operands = 0 : i64, tpu.core_type = #tpu.core_type<tc>, window_params = [{transform_indices = @transform_0, window_bounds = array<i64: 2000, 64>}, {transform_indices = @transform_1, window_bounds = array<i64: 2, 2000, 64>}, {transform_indices = @transform_2, window_bounds = array<i64: 2000, 2>}, {pipeline_mode = #tpu.pipeline_mode<synchronous>, transform_indices = @transform_3, window_bounds = array<i64: 1, 64>}, {transform_indices = @transform_4, window_bounds = array<i64: 2000, 64>}]} {
    %get3A = arith.constant 0 : index
    %get3A_0 = arith.constant 0 : index
    %get3A_1 = vector.load %arg3[%get3A, %get3A_0] : memref<2000x2xf32, #tpu.memory_space<vmem>>, vector<2000x1xf32>
    %get3A_2 = arith.constant 0 : index
    %get3A_3 = arith.constant 1 : index
    %get3A_4 = vector.load %arg3[%get3A_2, %get3A_3] : memref<2000x2xf32, #tpu.memory_space<vmem>>, vector<2000x1xf32>
    %add3A = arith.addf %get3A_1, %get3A_4 : vector<2000x1xf32>
    %max3A = arith.constant 1.000000e+00 : f32
    %max3A_5 = vector.broadcast %max3A : f32 to vector<2000x1xf32>
    %max3A_6 = arith.maximumf %add3A, %max3A_5 : vector<2000x1xf32>
    %get3A_7 = arith.constant 0 : index
    %get3A_8 = arith.constant 0 : index
    %get3A_9 = vector.load %arg1[%get3A_7, %get3A_8] : memref<2000x64xf32, #tpu.memory_space<vmem>>, vector<2000x64xf32>
    %get3A_10 = arith.constant 0 : index
    %get3A_11 = arith.constant 0 : index
    %get3A_12 = arith.constant 0 : index
    %get3A_13 = vector.load %arg2[%get3A_10, %get3A_11, %get3A_12] : memref<2x2000x64xf32, #tpu.memory_space<vmem>>, vector<1x2000x64xf32>
    %get3A_14 = vector.shape_cast %get3A_13 : vector<1x2000x64xf32> to vector<2000x64xf32>
    %get3A_15 = arith.constant 1 : index
    %get3A_16 = arith.constant 0 : index
    %get3A_17 = arith.constant 0 : index
    %get3A_18 = vector.load %arg2[%get3A_15, %get3A_16, %get3A_17] : memref<2x2000x64xf32, #tpu.memory_space<vmem>>, vector<1x2000x64xf32>
    %get3A_19 = vector.shape_cast %get3A_18 : vector<1x2000x64xf32> to vector<2000x64xf32>
    %add3A_20 = arith.addf %get3A_14, %get3A_19 : vector<2000x64xf32>
    %div3A = vector.broadcast %max3A_6 : vector<2000x1xf32> to vector<2000x64xf32>
    %div3A_21 = arith.divf %add3A_20, %div3A : vector<2000x64xf32>
    %add3A_22 = arith.addf %get3A_9, %div3A_21 : vector<2000x64xf32>
    %get3A_23 = arith.constant 0 : index
    %get3A_24 = arith.constant 0 : index
    %get3A_25 = vector.load %arg4[%get3A_23, %get3A_24] : memref<1x64xf32, #tpu.memory_space<vmem>>, vector<1x64xf32>
    %add3A_26 = vector.broadcast %get3A_25 : vector<1x64xf32> to vector<2000x64xf32>
    %add3A_27 = arith.addf %add3A_22, %add3A_26 : vector<2000x64xf32>
    %reduce_max3A = arith.constant dense<0xFF800000> : vector<2000xf32>
    %reduce_max3A_28 = vector.multi_reduction <maximumf>, %add3A_27, %reduce_max3A [1] : vector<2000x64xf32> to vector<2000xf32>
    %broadcast_in_dim3A = vector.shape_cast %reduce_max3A_28 : vector<2000xf32> to vector<2000x1xf32>
    %sub3A = vector.broadcast %broadcast_in_dim3A : vector<2000x1xf32> to vector<2000x64xf32>
    %sub3A_29 = arith.subf %add3A_27, %sub3A : vector<2000x64xf32>
    %exp3A = math.exp %sub3A_29 : vector<2000x64xf32>
    %reduce_sum3A = arith.constant dense<0.000000e+00> : vector<2000xf32>
    %reduce_sum3A_30 = vector.multi_reduction <add>, %exp3A, %reduce_sum3A [1] : vector<2000x64xf32> to vector<2000xf32>
    %broadcast_in_dim3A_31 = vector.shape_cast %reduce_sum3A_30 : vector<2000xf32> to vector<2000x1xf32>
    %log3A = math.log %broadcast_in_dim3A_31 : vector<2000x1xf32>
    %sub3A_32 = vector.broadcast %log3A : vector<2000x1xf32> to vector<2000x64xf32>
    %sub3A_33 = arith.subf %sub3A_29, %sub3A_32 : vector<2000x64xf32>
    %swap3A = arith.constant 0 : index
    %swap3A_34 = arith.constant 0 : index
    %swap3A_35 = vector.load %arg5[%swap3A, %swap3A_34] : memref<2000x64xf32, #tpu.memory_space<vmem>>, vector<2000x64xf32>
    tpu.vector_store %arg5[%swap3A, %swap3A_34], %sub3A_33 {strides = array<i32>} : memref<2000x64xf32, #tpu.memory_space<vmem>>, vector<2000x64xf32>,
    return
  }
  func.func @transform_0(%arg0: i32) -> (i32, i32) {
    %c0_i32 = arith.constant 0 : i32
    %c0_i32_0 = arith.constant 0 : i32
    return %arg0, %c0_i32 : i32, i32
  }
  func.func @transform_1(%arg0: i32) -> (i32, i32, i32) {
    %c0_i32 = arith.constant 0 : i32
    %c0_i32_0 = arith.constant 0 : i32
    %c0_i32_1 = arith.constant 0 : i32
    return %c0_i32, %arg0, %c0_i32_0 : i32, i32, i32
  }
  func.func @transform_2(%arg0: i32) -> (i32, i32) {
    %c0_i32 = arith.constant 0 : i32
    %c0_i32_0 = arith.constant 0 : i32
    return %arg0, %c0_i32 : i32, i32
  }
  func.func @transform_3(%arg0: i32) -> (i32, i32) {
    %c0_i32 = arith.constant 0 : i32
    %c0_i32_0 = arith.constant 0 : i32
    %c0_i32_1 = arith.constant 0 : i32
    return %c0_i32, %c0_i32_0 : i32, i32
  }
  func.func @transform_4(%arg0: i32) -> (i32, i32) {
    %c0_i32 = arith.constant 0 : i32
    %c0_i32_0 = arith.constant 0 : i32
    return %arg0, %c0_i32 : i32, i32
  }
}

</mosaic_0001>

<sc_bundles>
// kernel: kernel.10.cloned.1.call-start
scs
__scs_entry_jumppad:
0x0: {  	(pc) =	sbr.rel $0x88, $3  }
0x1: {  	(tag) =	ssettag $0x0;
	lr =	simm.s32 $0x1  }
0x2: {  	[smem:$0x3F99] =	sst lr;
	_ =	strace $0xD0000000  }
0x3: {  	_ = 	snop  }
0x4: {  	_ = 	snop  }
0x5: {  	_ = 	snop  }
0x6: {  	_ = 	snop  }
0x7: {  	_ = 	snop  }
__scs_overlays_trampoline_lowered:
0x8: {  	[smem:$0x3FA8] =	sst s0  }
0x9: {  	[smem:$0x3FA9] =	sst s1  }
0xa: {  	[smem:$0x3FAA] =	sst s2  }
0xb: {  	[smem:$0x3FAB] =	sst s3  }
0xc: {  	[smem:$0x3FAC] =	sst s4  }
0xd: {  	[smem:$0x3FAD] =	sst s5  }
0xe: {  	[smem:$0x3FAE] =	sst s6  }
0xf: {  	[smem:$0x3FAF] =	sst s7  }
0x10: {  	[smem:$0x3FB0] =	sst s8  }
0x11: {  	[smem:$0x3FB1] =	sst s9;
	s0 =	simm.s32 @!p0 $0x0  }
0x12: {  	s1 =	sld [smem:$0x3F97];
	s0 =	simm.s32 @p0 $0x1  }
0x13: {  	[smem:$0x3FB2] =	sst s0;
	s0 =	simm.s32 @!p1 $0x0  }
0x14: {  	s2 =	sld [smem:$0x3F96];
	s0 =	simm.s32 @p1 $0x1  }
0x15: {  	[smem:$0x3FB3] =	sst s0;
	s0 =	simm.s32 @!p2 $0x0  }
0x16: {  	s3 =	sld [smem:$0x3FDB];
	s0 =	simm.s32 @p2 $0x1  }
0x17: {  	s4 =	simm.s32 $0x1BF5;
	[smem:$0x3FB5] =	sst s0  }
0x18: {  	s0 =	sld [smem:$0x3F98];
	_ =	swait.ge [sflag:s4], $0x0  }
0x19: {  	s7 =	sld [smem:$0x3F99]  }
0x1a: {  	s8 =	sadd.s32 $0xFFFFE003, lr  }
0x1b: {  	s9 =	sadd.s32 $0xFFFFFEF7, lr;
	s5 =	simm.s32 $0xFFFFFFFF;
	p2 =	slt.u32 s8, $0xFFFFF086  }
0x1c: {  	p1 =	slt.u32 s9, $0xF7A;
	s5 =	simm.s32 @!p2 $0x0  }
0x1d: {  	s5 =	simm.s32 @p1 $0x1;
	p0 =	seq.s32 s7, s2  }
0x1e: {  	s7 =	smul.u32 @!p0 $0xF7A, s2;
	p2 =	seq.s32 @!p0 s5, $0x0  }
0x1f: {  	s9 =	smul.u32 $0xF7A, s1;
	s8 =	simm.s32 @!p0 $0x1BF5;
	p2 =	por !p2, p0  }
0x20: {  	[sflag:s8] =	ssyncset.s32 @!p0 $0xFFFFF086;
	s6 =	sadd.s32 @!p0 s3, s7;
	s7 =	simm.s32 @!p0 $0x108  }
0x21: {  	s3 =	sadd.s32 s3, s9;
	s6 =	sadd.s32 @!p0 $0x88, s6;
	s7 =	simm.s32 @p2 $0x1082  }
0x22: {  	[simem:s7], [sflag:s8] =	dma.local @!p0 [hbm:s6], $0xF7A  }
0x23: {  	s9 =	sor.u32 $0xD0000000, s2;
	s6 =	simm.s32 $0x108;
	_ =	swait.ge @!p0 [sflag:s8], $0x0  }
0x24: {  	s3 =	sadd.s32 $0x88, s3;
	s6 =	simm.s32 @!p1 $0x1082;
	[sflag:s4] =	ssyncset.s32 $0xFFFFF086  }
0x25: {  	[simem:s6], [sflag:s4] =	dma.local [hbm:s3], $0xF7A  }
0x26: {  	[smem:$0x3F99] =	sst s1;
	(tag) =	ssettag s2;
	_ =	strace s9  }
0x27: {  	s1 =	sld [smem:$0x3FA9]  }
0x28: {  	s2 =	sld [smem:$0x3FAA]  }
0x29: {  	s4 =	sld [smem:$0x3FAC]  }
0x2a: {  	p0 =	seq.s32 s5, $0x0;
	s5 =	sld [smem:$0x3FAD]  }
0x2b: {  	s6 =	sld [smem:$0x3FAE]  }
0x2c: {  	s7 =	sld [smem:$0x3FAF]  }
0x2d: {  	s3 =	simm.s32 $0x108;
	s8 =	sld [smem:$0x3FB0]  }
0x2e: {  	s3 =	simm.s32 @!p0 $0x1082;
	s9 =	sld [smem:$0x3FB1]  }
0x2f: {  	lr =	sadd.s32 s0, s3;
	s0 =	sld [smem:$0x3FA8]  }
0x30: {  	s3 =	sld [smem:$0x3FAB]  }
0x31: {  	[smem:$0x3FB4] =	sst s10  }
0x32: {  	s10 =	sld [smem:$0x3FB2];
	_ =	sdelay $0x3  }
0x33: {  	p0 =	seq.s32 s10, $0x1;
	s10 =	sld [smem:$0x3FB4];
	_ =	sdelay $0x3  }
0x34: {  	[smem:$0x3FB4] =	sst s10  }
0x35: {  	s10 =	sld [smem:$0x3FB3];
	_ =	sdelay $0x3  }
0x36: {  	p1 =	seq.s32 s10, $0x1;
	s10 =	sld [smem:$0x3FB4];
	_ =	sdelay $0x3  }
0x37: {  	[smem:$0x3FB4] =	sst s10  }
0x38: {  	s10 =	sld [smem:$0x3FB5]  }
0x39: {  	_ = 	snop;
	(pc) =	sbr.ind lr, $3  }
0x3a: {  	_ = 	snop  }
0x3b: {  	_ = 	snop  }
0x3c: {  	p2 =	seq.s32 s10, $0x1;
	s10 =	sld [smem:$0x3FB4]  }
0x3d: {  	_ =	shalt  }
0x3e: {  	_ =	shalt  }
0x3f: {  	_ =	shalt  }
0x40: {  	_ =	shalt  }
0x41: {  	_ =	shalt  }
0x42: {  	_ =	shalt  }
0x43: {  	_ =	shalt  }
0x44: {  	_ =	shalt  }
0x45: {  	_ =	shalt  }
0x46: {  	_ =	shalt  }
0x47: {  	_ =	shalt  }
0x48: {  	_ =	shalt  }
0x49: {  	_ =	shalt  }
0x4a: {  	_ =	shalt  }
0x4b: {  	_ =	shalt  }
0x4c: {  	_ =	shalt  }
0x4d: {  	_ =	shalt  }
0x4e: {  	_ =	shalt  }
0x4f: {  	_ =	shalt  }
0x50: {  	_ =	shalt  }
0x51: {  	_ =	shalt  }
0x52: {  	_ =	shalt  }
0x53: {  	_ =	shalt  }
0x54: {  	_ =	shalt  }
0x55: {  	_ =	shalt  }
0x56: {  	_ =	shalt  }
0x57: {  	_ =	shalt  }
0x58: {  	_ =	shalt  }
0x59: {  	_ =	shalt  }
0x5a: {  	_ =	shalt  }
0x5b: {  	_ =	shalt  }
0x5c: {  	_ =	shalt  }
0x5d: {  	_ =	shalt  }
0x5e: {  	_ =	shalt  }
0x5f: {  	_ =	shalt  }
0x60: {  	_ =	shalt  }
0x61: {  	_ =	shalt  }
0x62: {  	_ =	shalt  }
0x63: {  	_ =	shalt  }
0x64: {  	_ =	shalt  }
0x65: {  	_ =	shalt  }
0x66: {  	_ =	shalt  }
0x67: {  	_ =	shalt  }
0x68: {  	_ =	shalt  }
0x69: {  	_ =	shalt  }
0x6a: {  	_ =	shalt  }
0x6b: {  	_ =	shalt  }
0x6c: {  	_ =	shalt  }
0x6d: {  	_ =	shalt  }
0x6e: {  	_ =	shalt  }
0x6f: {  	_ =	shalt  }
0x70: {  	_ =	shalt  }
0x71: {  	_ =	shalt  }
0x72: {  	_ =	shalt  }
0x73: {  	_ =	shalt  }
0x74: {  	_ =	shalt  }
0x75: {  	_ =	shalt  }
0x76: {  	_ =	shalt  }
0x77: {  	_ =	shalt  }
0x78: {  	_ =	shalt  }
0x79: {  	_ =	shalt  }
0x7a: {  	_ =	shalt  }
0x7b: {  	_ =	shalt  }
0x7c: {  	_ =	shalt  }
0x7d: {  	_ =	shalt  }
0x7e: {  	_ =	shalt  }
0x7f: {  	_ =	shalt  }
0x80: {  	_ =	shalt  }
0x81: {  	_ =	shalt  }
0x82: {  	_ =	shalt  }
0x83: {  	_ =	shalt  }
0x84: {  	_ =	shalt  }
0x85: {  	_ =	shalt  }
0x86: {  	_ =	shalt  }
0x87: {  	_ =	shalt  }
.Lfunc_end0:
.L_simem_size_0:
called_computation.1_lowered:
.L_overlay_start_0:
0x88: {  	s2 =	sld [smem:$0x3FD9]  }
0x89: {  	s3 =	sld [smem:$0x3FFE];
	_ =	sdelay $0x1  }
0x8a: {  	s1 =	srdreg.scid  }
0x8b: {  	s0 =	sand.u32 $0x1, s1  }
0x8c: {  	s17 =	sshll.u32 s0, $0xA;
	s2 =	sadd.s32 s3, s2  }
0x8d: {  	s2 =	sadd.s32 s2, s17  }
0x8e: {  	[smem:$0x3FC0] =	sst s2  }
0x8f: {  	_ = 	snop  }
0x90: {  	s2 =	sld [smem:$0x3FD0];
	(tm) =	ssettm $0x1  }
0x91: {  	s18 =	sld [smem:$0x3FFB];
	_ =	sdelay $0x3  }
0x92: {  	_ =	strace s18  }
0x93: {  	s3 =	sld [smem:$0x3FFC];
	_ =	sdelay $0x3  }
0x94: {  	_ =	strace s3  }
0x95: {  	s3 =	sld [smem:$0x3FFD];
	_ =	sdelay $0x3  }
0x96: {  	_ =	strace s3  }
0x97: {  	_ =	strace $0x8FFFFFFF  }
0x98: {  	s19 =	sld [smem:$0x3FDB];
	_ =	sdelay $0x1  }
0x99: {  	s4 =	simm.s32 $_scs_section_size  }
0x9a: {  	s5 =	simm.s32 $_size__tile_overlayer_lowered;
	s6 =	simm.s32 $_tile_overlayer_lowered  }
0x9b: {  	s22 =	simm.s32 $0x1BFF;
	s21 =	sshll.u32 s6, $0x1;
	s3 =	sadd.s32 s4, s19  }
0x9c: {  	s7 =	simm.s32 $0x0;
	s20 =	sshll.u32 s5, $0x1;
	s5 =	sadd.s32 s21, s3  }
0x9d: {  	[timem:s7], [sflag:s22] =	dma.local [hbm:s5], s20  }
0x9e: {  	_ =	swait.ge [sflag:s22], s20  }
0x9f: {  	s4 =	ssub.s32 $0x0, s20;
	[sflag:s22] =	ssyncset.done $0x0  }
0xa0: {  	[sflag:s22] =	ssyncadd.s32 s4;
	_ =	sdelay $0x1  }
0xa1: {  	s23 =	simm.s32 $0x1B8B  }
0xa2: {  	_ =	swait.ge [sflag:s23], $0x1  }
0xa3: {  	[sflag:s23] =	ssyncset.done $0x0  }
0xa4: {  	s25 =	simm.s32 $0x1B8E;
	s24 =	sld [smem:$0x3FFE];
	[sflag:s23] =	ssyncadd.s32 $0xFFFFFFFF  }
0xa5: {  	s26 =	simm.s32 $execute0_lowered;
	[smem:$0x3FD2] =	sst s25  }
0xa6: {  	s5 =	sshll.u32 s26, $0x1;
	_ =	strace $0x80000049;
	[dreg:$0x1] =	wrdreg $0xFFFFFFFF  }
0xa7: {  	s28 =	simm.s32 $_size_execute0_lowered;
	s3 =	sadd.s32 s3, s5;
	[dreg:$0x0] =	wrdreg $0x0  }
0xa8: {  	s5 =	sshll.u32 s28, $0x1;
	[dreg:$0x2] =	wrdreg s3  }
0xa9: {  	[dreg:$0x3] =	wrdreg s5  }
0xaa: {  	[dreg:$0x4] =	wrdreg $0xC0  }
0xab: {  	_ =	task [dreg:s7], $0x5FFFF  }
0xac: {  	[dreg:$0x1] =	wrdreg $0xFFFFFFFF  }
0xad: {  	[dreg:$0x0] =	wrdreg $0x60  }
0xae: {  	[dreg:$0x2] =	wrdreg s2  }
0xaf: {  	[dreg:$0x3] =	wrdreg s24  }
0xb0: {  	[dreg:$0x4] =	wrdreg $0x8A200  }
0xb1: {  	[dreg:$0x5] =	wrdreg $0x9  }
0xb2: {  	_ =	task.clear_ibuf [dreg:s7], $0x6FFFF;
	_ =	strace $0x90000049  }
0xb3: {  	s29 =	simm.s32 $0x9;
	_ =	strace $0x8000004B  }
0xb4: {  	_ =	swait.ge [sflag:s29], $0x1  }
0xb5: {  	[sflag:s29] =	ssyncadd.s32 $0xFFFFFFFF  }
0xb6: {  	_ =	strace $0x9000004B  }
0xb7: {  	_ =	sfence  }
0xb8: {  	s30 =	sld [smem:$0x0];
	_ =	sdelay $0x2  }
0xb9: {  	s31 =	sshll.u32 s1, $0xD;
	s1 =	sshrl.u32 s1, $0x2  }
0xba: {  	s3 =	sand.u32 $0x4000, s31;
	s1 =	sadd.s32 s1, s30  }
0xbb: {  	s0 =	sor.u32 s3, s0;
	s1 =	sshll.u32 s1, $0x11  }
0xbc: {  	s0 =	sor.u32 s1, s0  }
0xbd: {  	s0 =	sadd.s32 $0x8F2B, s0  }
0xbe: {  	[sflag:s0] =	ssyncadd.remote.s32 $0x1  }
0xbf: {  	_ =	sfence.sel $0xFFFF  }
0xc0: {  	[dreg:$0x0] =	wrdreg $0xFFFFFFFF;
	(pc) =	sbr.abs _section_cstart, $3  }
0xc1: {  	[dreg:$0x1] =	wrdreg $0xFFFFFFFF  }
0xc2: {  	_ =	task.clear_ibuf [dreg:s7], $0x2FFFF;
	_ =	strace $0x9FFFFFFF  }
0xc3: {  	(tm) =	ssettm $0x7FFFFFFF  }
tec
execute0_lowered:
.L_overlay_start_1:
0x0: {  	(tag) =	ssettag $0x1  }
0x1: {  	s0 =	rddreg [dreg:$0x0]  }
0x2: {  	s1 =	srdreg.scid;
	s2 =	rddreg [dreg:$0x1]  }
0x3: {  	s3 =	rddreg [dreg:$0x2];
	s20 =	stileid.u32  }
0x4: {  	s4 =	simm.s32 $0x0;
	s12 =	simm.s32 $0x7;
	s13 =	simm.s32 $0x2710  }
0x5: {  	s16 =	simm.s32 $0x50;
	s17 =	simm.s32 $0x4E20;
	s18 =	simm.s32 $0x6220  }
0x6: {  	s19 =	simm.s32 $0x1;
	s21 =	simm.s32 $0x7620;
	s22 =	simm.s32 $0x2  }
0x7: {  	s24 =	simm.s32 $0x4;
	s28 =	simm.s32 $0x5;
	s29 =	simm.s32 $0x6  }
0x8: {  	s31 =	simm.s32 $0x26C0;
	s1 =	sand.u32 $0x1, s1;
	[smem:$0x7FF] =	sst s4  }
0x9: {  	s8 =	smul.u32 $0xA000, s20;
	s30 =	sshll.u32 s20, $0x6;
	p0 =	seq.s32 s20, $0xF  }
0xa: {  	s5 =	sshll.u32 s1, $0x4;
	_ =	strace $0x8000004A;
	s6 =	ssub.s32 $0x2, s1  }
0xb: {  	s1 =	smul.u32 $0x9C400, s1;
	s14 =	sor.u32 $0x1C07, s30;
	s5 =	sor.u32 s20, s5  }
0xc: {  	s9 =	sshrl.u32 s6, $0x1;
	s20 =	simm.s32 $0x0;
	s5 =	smul.u32 $0x4E2, s5  }
0xd: {  	s11 =	ssub.s32 s6, s9;
	s26 =	sadd.s32 s8, s1;
	s1 =	sshrl.u32 s1, $0x3  }
0xe: {  	s8 =	sadd.s32 s8, s3;
	s9 =	sshrl.u32 s26, $0x3;
	s11 =	smax.u32 s11, $0x1  }
0xf: {  	s15 =	sshrl.u32 s8, $0x3;
	s26 =	simm.s32 $0x3;
	s7 =	sadd.s32 s5, s2  }
0x10: {  	s5 =	sadd.s32 $0x15400, s2;
	s2 =	sadd.s32 $0x16800, s2;
	s6 =	sadd.s32 $0xB600, s7  }
0x11: {  	s7 =	sadd.s32 $0x1800, s7;
	s1 =	sadd.s32 s2, s1;
	s9 =	sadd.s32 s2, s9  }
0x12: {  	s2 =	simm.s32 $0x4DD0;
	s10 =	sadd.s32 $0x12C00, s1;
	s1 =	simm.s32 $0x4D80  }
.LBB2_1:
0x13: {  	[tilespmem:s4], [sflag:$0x7] =	stream.linear.gather [hbm4b:s6+s4], $0x2710, $0x38;
	[tilespmem:$0x12A20] =	vst v63  }
0x14: {  	_ =	swait.ge [sflag:s12], $0x2710  }
0x15: {  	[sflag:s12] =	ssyncset.done $0x0  }
0x16: {  	[sflag:s12] =	ssyncadd.s32 $0xFFFFD8F0  }
0x17: {  	[tilespmem:s13], [sflag:$0x7] =	stream.linear.gather [hbm4b:s7+s4], $0x2710, $0x38;
	[tilespmem:$0x12A20] =	vst v63  }
0x18: {  	_ =	swait.ge [sflag:s12], $0x2710  }
0x19: {  	[sflag:s12] =	ssyncset.done $0x0  }
0x1a: {  	[sflag:s12] =	ssyncadd.s32 $0xFFFFD8F0  }
0x1b: {  	[spmem:s15], [sflag:s14] =	dma.local [hbm:s5], $0x1400  }
0x1c: {  	_ =	swait.ge [sflag:s12], $0x1400  }
0x1d: {  	[sflag:s12] =	ssyncset.done $0x0  }
0x1e: {  	[sflag:s12] =	ssyncadd.s32 $0xFFFFEC00  }
0x1f: {  	[bflag:$0x0] =	sbarrier.arrive $0xFFFF  }
0x20: {  	[tilespmem:s17], [sflag:$0x1] =	stream.indirect.gather [hbm4b:s0+s16], $0x40, s4, s16, $0xb8;
	[tilespmem:$0x12A20] =	vst v63  }
0x21: {  	_ = 	snop  }
0x22: {  	[tilespmem:s18], [sflag:$0x2] =	stream.indirect.gather [hbm4b:s0+s16], $0x40, s16, s16, $0xb8;
	[tilespmem:$0x12A20] =	vst v63  }
0x23: {  	_ =	swait.ge [sflag:s19], $0x1400  }
0x24: {  	[sflag:s19] =	ssyncset.done $0x0  }
0x25: {  	[sflag:s19] =	ssyncadd.s32 $0xFFFFEC00  }
0x26: {  	[spmem:s3] =	stream.indirect.scatter.add.f32 [tilespmem:s17], [sflag:$0x4], $0x40, s13, s16, $0xb8;
	[tilespmem:$0x12A20] =	vst v63  }
0x27: {  	s23 =	simm.s32 $0xA0  }
0x28: {  	[tilespmem:s21], [sflag:$0x3] =	stream.indirect.gather [hbm4b:s0+s16], $0x40, s23, s16, $0xb8;
	[tilespmem:$0x12A20] =	vst v63  }
0x29: {  	_ =	swait.ge [sflag:s22], $0x1400  }
0x2a: {  	[sflag:s22] =	ssyncset.done $0x0  }
0x2b: {  	s30 =	simm.s32 $0x2760;
	[sflag:s22] =	ssyncadd.s32 $0xFFFFEC00  }
0x2c: {  	[spmem:s3] =	stream.indirect.scatter.add.f32 [tilespmem:s18], [sflag:$0x5], $0x40, s30, s16, $0xb8;
	[tilespmem:$0x12A20] =	vst v63  }
0x2d: {  	_ =	swait.ge [sflag:s24], $0x1400  }
0x2e: {  	[sflag:s24] =	ssyncset.done $0x0  }
0x2f: {  	s25 =	simm.s32 $0xF0;
	[sflag:s24] =	ssyncadd.s32 $0xFFFFEC00  }
0x30: {  	[tilespmem:s17], [sflag:$0x1] =	stream.indirect.gather [hbm4b:s0+s16], $0x40, s25, s16, $0xb8;
	[tilespmem:$0x12A20] =	vst v63  }
0x31: {  	_ =	swait.ge [sflag:s26], $0x1400  }
0x32: {  	[sflag:s26] =	ssyncset.done $0x0  }
0x33: {  	s30 =	simm.s32 $0x27B0;
	[sflag:s26] =	ssyncadd.s32 $0xFFFFEC00  }
0x34: {  	[spmem:s3] =	stream.indirect.scatter.add.f32 [tilespmem:s21], [sflag:$0x6], $0x40, s30, s16, $0xb8;
	[tilespmem:$0x12A20] =	vst v63  }
0x35: {  	_ =	swait.ge [sflag:s28], $0x1400  }
0x36: {  	[sflag:s28] =	ssyncset.done $0x0  }
0x37: {  	s25 =	simm.s32 $0x140;
	[sflag:s28] =	ssyncadd.s32 $0xFFFFEC00  }
0x38: {  	[tilespmem:s18], [sflag:$0x2] =	stream.indirect.gather [hbm4b:s0+s16], $0x40, s25, s16, $0xb8;
	[tilespmem:$0x12A20] =	vst v63  }
0x39: {  	_ =	swait.ge [sflag:s19], $0x1400  }
0x3a: {  	[sflag:s19] =	ssyncset.done $0x0  }
0x3b: {  	s30 =	simm.s32 $0x2800;
	[sflag:s19] =	ssyncadd.s32 $0xFFFFEC00  }
0x3c: {  	[spmem:s3] =	stream.indirect.scatter.add.f32 [tilespmem:s17], [sflag:$0x4], $0x40, s30, s16, $0xb8;
	[tilespmem:$0x12A20] =	vst v63  }
0x3d: {  	_ =	swait.ge [sflag:s29], $0x1400  }
0x3e: {  	[sflag:s29] =	ssyncset.done $0x0  }
0x3f: {  	s25 =	simm.s32 $0x190;
	[sflag:s29] =	ssyncadd.s32 $0xFFFFEC00  }
0x40: {  	[tilespmem:s21], [sflag:$0x3] =	stream.indirect.gather [hbm4b:s0+s16], $0x40, s25, s16, $0xb8;
	[tilespmem:$0x12A20] =	vst v63  }
0x41: {  	_ =	swait.ge [sflag:s22], $0x1400  }
0x42: {  	[sflag:s22] =	ssyncset.done $0x0  }
0x43: {  	s30 =	simm.s32 $0x2850;
	[sflag:s22] =	ssyncadd.s32 $0xFFFFEC00  }
0x44: {  	[spmem:s3] =	stream.indirect.scatter.add.f32 [tilespmem:s18], [sflag:$0x5], $0x40, s30, s16, $0xb8;
	[tilespmem:$0x12A20] =	vst v63  }
0x45: {  	_ =	swait.ge [sflag:s24], $0x1400  }
0x46: {  	[sflag:s24] =	ssyncset.done $0x0  }
0x47: {  	s23 =	simm.s32 $0x3C0;
	s25 =	simm.s32 $0x1E0;
	[sflag:s24] =	ssyncadd.s32 $0xFFFFEC00  }
.LBB2_2:
0x48: {  	[tilespmem:s17], [sflag:$0x1] =	stream.indirect.gather [hbm4b:s0+s16], $0x40, s25, s16, $0xb8;
	[tilespmem:$0x12A20] =	vst v63  }
0x49: {  	s25 =	smov.u32 s23  }
0x4a: {  	p1 =	sne.s32 s23, $0x9240;
	s23 =	sadd.s32 $0x3C0, s23;
	_ =	swait.ge [sflag:s26], $0x1400  }
0x4b: {  	s25 =	sshra.s32 s25, $0x2;
	[sflag:s26] =	ssyncset.done $0x0  }
0x4c: {  	s30 =	sadd.s32 $0x27B0, s25;
	[sflag:s26] =	ssyncadd.s32 $0xFFFFEC00  }
0x4d: {  	[spmem:s3] =	stream.indirect.scatter.add.f32 [tilespmem:s21], [sflag:$0x6], $0x40, s30, s16, $0xb8;
	[tilespmem:$0x12A20] =	vst v63  }
0x4e: {  	_ =	swait.ge [sflag:s28], $0x1400  }
0x4f: {  	[sflag:s28] =	ssyncset.done $0x0  }
0x50: {  	s30 =	sadd.s32 $0x140, s25;
	[sflag:s28] =	ssyncadd.s32 $0xFFFFEC00  }
0x51: {  	[tilespmem:s18], [sflag:$0x2] =	stream.indirect.gather [hbm4b:s0+s16], $0x40, s30, s16, $0xb8;
	[tilespmem:$0x12A20] =	vst v63  }
0x52: {  	_ =	swait.ge [sflag:s19], $0x1400  }
0x53: {  	[sflag:s19] =	ssyncset.done $0x0  }
0x54: {  	s30 =	sadd.s32 $0x2800, s25;
	[sflag:s19] =	ssyncadd.s32 $0xFFFFEC00  }
0x55: {  	[spmem:s3] =	stream.indirect.scatter.add.f32 [tilespmem:s17], [sflag:$0x4], $0x40, s30, s16, $0xb8;
	[tilespmem:$0x12A20] =	vst v63  }
0x56: {  	_ =	swait.ge [sflag:s29], $0x1400  }
0x57: {  	[sflag:s29] =	ssyncset.done $0x0  }
0x58: {  	s30 =	sadd.s32 $0x190, s25;
	[sflag:s29] =	ssyncadd.s32 $0xFFFFEC00  }
0x59: {  	[tilespmem:s21], [sflag:$0x3] =	stream.indirect.gather [hbm4b:s0+s16], $0x40, s30, s16, $0xb8;
	[tilespmem:$0x12A20] =	vst v63  }
0x5a: {  	_ =	swait.ge [sflag:s22], $0x1400  }
0x5b: {  	[sflag:s22] =	ssyncset.done $0x0  }
.Ltmp0:
0x5c: {  	s30 =	sadd.s32 $0x2850, s25;
	[sflag:s22] =	ssyncadd.s32 $0xFFFFEC00;
	(pc) =	sbr.rel @p1 .LBB2_2-.Ltmp0, $4  }
0x5d: {  	[spmem:s3] =	stream.indirect.scatter.add.f32 [tilespmem:s18], [sflag:$0x5], $0x40, s30, s16, $0xb8;
	[tilespmem:$0x12A20] =	vst v63  }
0x5e: {  	_ =	swait.ge [sflag:s24], $0x1400  }
0x5f: {  	[sflag:s24] =	ssyncset.done $0x0  }
0x60: {  	s25 =	sadd.s32 $0x1E0, s25;
	[sflag:s24] =	ssyncadd.s32 $0xFFFFEC00  }
0x61: {  	[tilespmem:s17], [sflag:$0x1] =	stream.indirect.gather [hbm4b:s0+s16], $0x40, s25, s16, $0xb8;
	[tilespmem:$0x12A20] =	vst v63  }
0x62: {  	_ =	swait.ge [sflag:s26], $0x1400  }
0x63: {  	[sflag:s26] =	ssyncset.done $0x0  }
0x64: {  	s23 =	simm.s32 $0x4D30;
	[sflag:s26] =	ssyncadd.s32 $0xFFFFEC00  }
0x65: {  	[spmem:s3] =	stream.indirect.scatter.add.f32 [tilespmem:s21], [sflag:$0x6], $0x40, s23, s16, $0xb8;
	[tilespmem:$0x12A20] =	vst v63  }
0x66: {  	_ =	swait.ge [sflag:s28], $0x1400  }
0x67: {  	[sflag:s28] =	ssyncset.done $0x0  }
0x68: {  	[sflag:s28] =	ssyncadd.s32 $0xFFFFEC00  }
0x69: {  	[tilespmem:s18], [sflag:$0x2] =	stream.indirect.gather [hbm4b:s0+s16], $0x40, s31, s16, $0xb8;
	[tilespmem:$0x12A20] =	vst v63  }
0x6a: {  	_ =	swait.ge [sflag:s19], $0x1400  }
0x6b: {  	[sflag:s19] =	ssyncset.done $0x0  }
0x6c: {  	[sflag:s19] =	ssyncadd.s32 $0xFFFFEC00  }
0x6d: {  	[spmem:s3] =	stream.indirect.scatter.add.f32 [tilespmem:s17], [sflag:$0x4], $0x40, s1, s16, $0xb8;
	[tilespmem:$0x12A20] =	vst v63  }
0x6e: {  	_ =	swait.ge [sflag:s22], $0x1400  }
0x6f: {  	[sflag:s22] =	ssyncset.done $0x0  }
0x70: {  	[sflag:s22] =	ssyncadd.s32 $0xFFFFEC00  }
0x71: {  	[spmem:s3] =	stream.indirect.scatter.add.f32 [tilespmem:s18], [sflag:$0x5], $0x40, s2, s16, $0xb8;
	[tilespmem:$0x12A20] =	vst v63  }
0x72: {  	_ =	swait.ge [sflag:s29], $0x1400  }
0x73: {  	[sflag:s29] =	ssyncset.done $0x0  }
0x74: {  	[sflag:s29] =	ssyncadd.s32 $0xFFFFEC00  }
0x75: {  	_ =	swait.ge [sflag:s24], $0x1400  }
0x76: {  	[sflag:s24] =	ssyncset.done $0x0  }
0x77: {  	[sflag:s24] =	ssyncadd.s32 $0xFFFFEC00  }
0x78: {  	_ =	swait.ge [sflag:s28], $0x1400  }
0x79: {  	[sflag:s28] =	ssyncset.done $0x0  }
0x7a: {  	[sflag:s28] =	ssyncadd.s32 $0xFFFFEC00  }
0x7b: {  	s23 =	sshrl.u32 @p0 s8, $0x3;
	[bflag:$0x0] =	sbarrier.arrive $0xFFFF  }
0x7c: {  	[hbm:s10], [sflag:s14] =	dma.local @p0 [spmem:s23], $0xC80  }
0x7d: {  	s23 =	simm.s32 @p0 $0x7  }
0x7e: {  	_ =	swait.ge @p0 [sflag:s23], $0xC80  }
0x7f: {  	s20 =	sadd.s32 $0x1, s20;
	[sflag:s23] =	ssyncset.done @p0 $0x0  }
0x80: {  	p1 =	sne.s32 s20, s11;
	[sflag:s23] =	ssyncadd.s32 @p0 $0xFFFFF380;
	s23 =	sshrl.u32 @!p0 s8, $0x3  }
0x81: {  	[hbm:s9], [sflag:s14] =	dma.local @!p0 [spmem:s23], $0x1400  }
.Ltmp1:
0x82: {  	_ = 	snop;
	(pc) =	sbr.rel @p1 .LBB2_1-.Ltmp1, $4  }
0x83: {  	s23 =	simm.s32 @!p0 $0x7  }
0x84: {  	_ =	swait.ge @!p0 [sflag:s23], $0x1400  }
0x85: {  	[sflag:s23] =	ssyncset.done @!p0 $0x0  }
0x86: {  	[sflag:s23] =	ssyncadd.s32 @!p0 $0xFFFFEC00  }
0x87: {  	_ =	sfence.sel $0x180000  }
0x88: {  	[bflag:$0x0] =	sbarrier.arrive $0xFFFF  }
0x89: {  	_ =	strace $0x9000004A  }
0x8a: {  	s0 =	stileid.u32;
	[bflag:$0x2] =	sbarrier.arrive $0xFFFF  }
0x8b: {  	p0 =	sne.s32 s0, $0x0;
	s0 =	rddreg [dreg:$0x3]  }
0x8c: {  	s0 =	sadd.s32 @!p0 $0x100000, s0  }
0x8d: {  	[sflag:s0] =	ssyncadd.tile.s32 @!p0 $0x1;
	_ =	shalt  }
.Lfunc_end2:
_tile_overlayer_lowered:
.L_overlay_start_2:
0x8e: {  	(tag) =	ssettag $0x2  }
0x8f: {  	s0 =	rddreg [dreg:$0x0];
	s2 =	stileid.u32  }
0x90: {  	s1 =	rddreg [dreg:$0x1];
	p0 =	sne.s32 s2, $0x0  }
0x91: {  	s3 =	rddreg [dreg:$0x2];
	[bflag:$0x3] =	sbarrier.arrive $0xFFFF;
	s2 =	simm.s32 @!p0 $0x1C07  }
0x92: {  	[timem:s3], [sflag:s2] =	dma.local @!p0 [hbm:s0], s1  }
0x93: {  	s0 =	simm.s32 @!p0 $0x7  }
0x94: {  	_ =	swait.ge @!p0 [sflag:s0], s1  }
0x95: {  	s1 =	ssub.s32 @!p0 $0x0, s1;
	[sflag:s0] =	ssyncset.done @!p0 $0x0  }
0x96: {  	[sflag:s0] =	ssyncadd.s32 @!p0 s1  }
0x97: {  	[bflag:$0x3] =	sbarrier.arrive $0xFFFF  }
0x98: {  	_ =	shalt  }

// kernel: kernel.7.cloned.1.call-start
scs
__scs_entry_jumppad:
0x0: {  	(pc) =	sbr.rel $0x88, $3  }
0x1: {  	(tag) =	ssettag $0x0;
	lr =	simm.s32 $0x1  }
0x2: {  	[smem:$0x3F99] =	sst lr;
	_ =	strace $0xD0000000  }
0x3: {  	_ = 	snop  }
0x4: {  	_ = 	snop  }
0x5: {  	_ = 	snop  }
0x6: {  	_ = 	snop  }
0x7: {  	_ = 	snop  }
__scs_overlays_trampoline_lowered:
0x8: {  	[smem:$0x3FA8] =	sst s0  }
0x9: {  	[smem:$0x3FA9] =	sst s1  }
0xa: {  	[smem:$0x3FAA] =	sst s2  }
0xb: {  	[smem:$0x3FAB] =	sst s3  }
0xc: {  	[smem:$0x3FAC] =	sst s4  }
0xd: {  	[smem:$0x3FAD] =	sst s5  }
0xe: {  	[smem:$0x3FAE] =	sst s6  }
0xf: {  	[smem:$0x3FAF] =	sst s7  }
0x10: {  	[smem:$0x3FB0] =	sst s8  }
0x11: {  	[smem:$0x3FB1] =	sst s9;
	s0 =	simm.s32 @!p0 $0x0  }
0x12: {  	s1 =	sld [smem:$0x3F97];
	s0 =	simm.s32 @p0 $0x1  }
0x13: {  	[smem:$0x3FB2] =	sst s0;
	s0 =	simm.s32 @!p1 $0x0  }
0x14: {  	s2 =	sld [smem:$0x3F96];
	s0 =	simm.s32 @p1 $0x1  }
0x15: {  	[smem:$0x3FB3] =	sst s0;
	s0 =	simm.s32 @!p2 $0x0  }
0x16: {  	s3 =	sld [smem:$0x3FDB];
	s0 =	simm.s32 @p2 $0x1  }
0x17: {  	s4 =	simm.s32 $0x1BF5;
	[smem:$0x3FB5] =	sst s0  }
0x18: {  	s0 =	sld [smem:$0x3F98];
	_ =	swait.ge [sflag:s4], $0x0  }
0x19: {  	s7 =	sld [smem:$0x3F99]  }
0x1a: {  	s8 =	sadd.s32 $0xFFFFE003, lr  }
0x1b: {  	s9 =	sadd.s32 $0xFFFFFEF7, lr;
	s5 =	simm.s32 $0xFFFFFFFF;
	p2 =	slt.u32 s8, $0xFFFFF086  }
0x1c: {  	p1 =	slt.u32 s9, $0xF7A;
	s5 =	simm.s32 @!p2 $0x0  }
0x1d: {  	s5 =	simm.s32 @p1 $0x1;
	p0 =	seq.s32 s7, s2  }
0x1e: {  	s7 =	smul.u32 @!p0 $0xF7A, s2;
	p2 =	seq.s32 @!p0 s5, $0x0  }
0x1f: {  	s9 =	smul.u32 $0xF7A, s1;
	s8 =	simm.s32 @!p0 $0x1BF5;
	p2 =	por !p2, p0  }
0x20: {  	[sflag:s8] =	ssyncset.s32 @!p0 $0xFFFFF086;
	s6 =	sadd.s32 @!p0 s3, s7;
	s7 =	simm.s32 @!p0 $0x108  }
0x21: {  	s3 =	sadd.s32 s3, s9;
	s6 =	sadd.s32 @!p0 $0x88, s6;
	s7 =	simm.s32 @p2 $0x1082  }
0x22: {  	[simem:s7], [sflag:s8] =	dma.local @!p0 [hbm:s6], $0xF7A  }
0x23: {  	s9 =	sor.u32 $0xD0000000, s2;
	s6 =	simm.s32 $0x108;
	_ =	swait.ge @!p0 [sflag:s8], $0x0  }
0x24: {  	s3 =	sadd.s32 $0x88, s3;
	s6 =	simm.s32 @!p1 $0x1082;
	[sflag:s4] =	ssyncset.s32 $0xFFFFF086  }
0x25: {  	[simem:s6], [sflag:s4] =	dma.local [hbm:s3], $0xF7A  }
0x26: {  	[smem:$0x3F99] =	sst s1;
	(tag) =	ssettag s2;
	_ =	strace s9  }
0x27: {  	s1 =	sld [smem:$0x3FA9]  }
0x28: {  	s2 =	sld [smem:$0x3FAA]  }
0x29: {  	s4 =	sld [smem:$0x3FAC]  }
0x2a: {  	p0 =	seq.s32 s5, $0x0;
	s5 =	sld [smem:$0x3FAD]  }
0x2b: {  	s6 =	sld [smem:$0x3FAE]  }
0x2c: {  	s7 =	sld [smem:$0x3FAF]  }
0x2d: {  	s3 =	simm.s32 $0x108;
	s8 =	sld [smem:$0x3FB0]  }
0x2e: {  	s3 =	simm.s32 @!p0 $0x1082;
	s9 =	sld [smem:$0x3FB1]  }
0x2f: {  	lr =	sadd.s32 s0, s3;
	s0 =	sld [smem:$0x3FA8]  }
0x30: {  	s3 =	sld [smem:$0x3FAB]  }
0x31: {  	[smem:$0x3FB4] =	sst s10  }
0x32: {  	s10 =	sld [smem:$0x3FB2];
	_ =	sdelay $0x3  }
0x33: {  	p0 =	seq.s32 s10, $0x1;
	s10 =	sld [smem:$0x3FB4];
	_ =	sdelay $0x3  }
0x34: {  	[smem:$0x3FB4] =	sst s10  }
0x35: {  	s10 =	sld [smem:$0x3FB3];
	_ =	sdelay $0x3  }
0x36: {  	p1 =	seq.s32 s10, $0x1;
	s10 =	sld [smem:$0x3FB4];
	_ =	sdelay $0x3  }
0x37: {  	[smem:$0x3FB4] =	sst s10  }
0x38: {  	s10 =	sld [smem:$0x3FB5]  }
0x39: {  	_ = 	snop;
	(pc) =	sbr.ind lr, $3  }
0x3a: {  	_ = 	snop  }
0x3b: {  	_ = 	snop  }
0x3c: {  	p2 =	seq.s32 s10, $0x1;
	s10 =	sld [smem:$0x3FB4]  }
0x3d: {  	_ =	shalt  }
0x3e: {  	_ =	shalt  }
0x3f: {  	_ =	shalt  }
0x40: {  	_ =	shalt  }
0x41: {  	_ =	shalt  }
0x42: {  	_ =	shalt  }
0x43: {  	_ =	shalt  }
0x44: {  	_ =	shalt  }
0x45: {  	_ =	shalt  }
0x46: {  	_ =	shalt  }
0x47: {  	_ =	shalt  }
0x48: {  	_ =	shalt  }
0x49: {  	_ =	shalt  }
0x4a: {  	_ =	shalt  }
0x4b: {  	_ =	shalt  }
0x4c: {  	_ =	shalt  }
0x4d: {  	_ =	shalt  }
0x4e: {  	_ =	shalt  }
0x4f: {  	_ =	shalt  }
0x50: {  	_ =	shalt  }
0x51: {  	_ =	shalt  }
0x52: {  	_ =	shalt  }
0x53: {  	_ =	shalt  }
0x54: {  	_ =	shalt  }
0x55: {  	_ =	shalt  }
0x56: {  	_ =	shalt  }
0x57: {  	_ =	shalt  }
0x58: {  	_ =	shalt  }
0x59: {  	_ =	shalt  }
0x5a: {  	_ =	shalt  }
0x5b: {  	_ =	shalt  }
0x5c: {  	_ =	shalt  }
0x5d: {  	_ =	shalt  }
0x5e: {  	_ =	shalt  }
0x5f: {  	_ =	shalt  }
0x60: {  	_ =	shalt  }
0x61: {  	_ =	shalt  }
0x62: {  	_ =	shalt  }
0x63: {  	_ =	shalt  }
0x64: {  	_ =	shalt  }
0x65: {  	_ =	shalt  }
0x66: {  	_ =	shalt  }
0x67: {  	_ =	shalt  }
0x68: {  	_ =	shalt  }
0x69: {  	_ =	shalt  }
0x6a: {  	_ =	shalt  }
0x6b: {  	_ =	shalt  }
0x6c: {  	_ =	shalt  }
0x6d: {  	_ =	shalt  }
0x6e: {  	_ =	shalt  }
0x6f: {  	_ =	shalt  }
0x70: {  	_ =	shalt  }
0x71: {  	_ =	shalt  }
0x72: {  	_ =	shalt  }
0x73: {  	_ =	shalt  }
0x74: {  	_ =	shalt  }
0x75: {  	_ =	shalt  }
0x76: {  	_ =	shalt  }
0x77: {  	_ =	shalt  }
0x78: {  	_ =	shalt  }
0x79: {  	_ =	shalt  }
0x7a: {  	_ =	shalt  }
0x7b: {  	_ =	shalt  }
0x7c: {  	_ =	shalt  }
0x7d: {  	_ =	shalt  }
0x7e: {  	_ =	shalt  }
0x7f: {  	_ =	shalt  }
0x80: {  	_ =	shalt  }
0x81: {  	_ =	shalt  }
0x82: {  	_ =	shalt  }
0x83: {  	_ =	shalt  }
0x84: {  	_ =	shalt  }
0x85: {  	_ =	shalt  }
0x86: {  	_ =	shalt  }
0x87: {  	_ =	shalt  }
.Lfunc_end0:
.L_simem_size_0:
called_computation_lowered:
.L_overlay_start_0:
0x88: {  	s2 =	sld [smem:$0x3FD9]  }
0x89: {  	s3 =	sld [smem:$0x3FFE];
	_ =	sdelay $0x1  }
0x8a: {  	s1 =	srdreg.scid  }
0x8b: {  	s0 =	sand.u32 $0x1, s1  }
0x8c: {  	s17 =	sshll.u32 s0, $0xA;
	s2 =	sadd.s32 s3, s2  }
0x8d: {  	s2 =	sadd.s32 s2, s17  }
0x8e: {  	[smem:$0x3FC0] =	sst s2  }
0x8f: {  	_ = 	snop  }
0x90: {  	s2 =	sld [smem:$0x3FD0];
	(tm) =	ssettm $0x1  }
0x91: {  	s18 =	sld [smem:$0x3FFB];
	_ =	sdelay $0x3  }
0x92: {  	_ =	strace s18  }
0x93: {  	s3 =	sld [smem:$0x3FFC];
	_ =	sdelay $0x3  }
0x94: {  	_ =	strace s3  }
0x95: {  	s3 =	sld [smem:$0x3FFD];
	_ =	sdelay $0x3  }
0x96: {  	_ =	strace s3  }
0x97: {  	_ =	strace $0x8FFFFFFF  }
0x98: {  	s19 =	sld [smem:$0x3FDB];
	_ =	sdelay $0x1  }
0x99: {  	s4 =	simm.s32 $_scs_section_size  }
0x9a: {  	s5 =	simm.s32 $_size__tile_overlayer_lowered;
	s6 =	simm.s32 $_tile_overlayer_lowered  }
0x9b: {  	s22 =	simm.s32 $0x1BFF;
	s21 =	sshll.u32 s6, $0x1;
	s3 =	sadd.s32 s4, s19  }
0x9c: {  	s7 =	simm.s32 $0x0;
	s20 =	sshll.u32 s5, $0x1;
	s5 =	sadd.s32 s21, s3  }
0x9d: {  	[timem:s7], [sflag:s22] =	dma.local [hbm:s5], s20  }
0x9e: {  	_ =	swait.ge [sflag:s22], s20  }
0x9f: {  	s4 =	ssub.s32 $0x0, s20;
	[sflag:s22] =	ssyncset.done $0x0  }
0xa0: {  	[sflag:s22] =	ssyncadd.s32 s4;
	_ =	sdelay $0x1  }
0xa1: {  	s23 =	simm.s32 $0x1B8B  }
0xa2: {  	_ =	swait.ge [sflag:s23], $0x1  }
0xa3: {  	[sflag:s23] =	ssyncset.done $0x0  }
0xa4: {  	s25 =	simm.s32 $0x1B8E;
	s24 =	sld [smem:$0x3FFE];
	[sflag:s23] =	ssyncadd.s32 $0xFFFFFFFF  }
0xa5: {  	s26 =	simm.s32 $execute0_lowered;
	[smem:$0x3FD2] =	sst s25  }
0xa6: {  	s5 =	sshll.u32 s26, $0x1;
	_ =	strace $0x80000046;
	[dreg:$0x1] =	wrdreg $0xFFFFFFFF  }
0xa7: {  	s28 =	simm.s32 $_size_execute0_lowered;
	s3 =	sadd.s32 s3, s5;
	[dreg:$0x0] =	wrdreg $0x0  }
0xa8: {  	s5 =	sshll.u32 s28, $0x1;
	[dreg:$0x2] =	wrdreg s3  }
0xa9: {  	[dreg:$0x3] =	wrdreg s5  }
0xaa: {  	[dreg:$0x4] =	wrdreg $0xC0  }
0xab: {  	_ =	task [dreg:s7], $0x5FFFF  }
0xac: {  	[dreg:$0x1] =	wrdreg $0xFFFFFFFF  }
0xad: {  	[dreg:$0x0] =	wrdreg $0x60  }
0xae: {  	[dreg:$0x2] =	wrdreg s24  }
0xaf: {  	[dreg:$0x3] =	wrdreg s2  }
0xb0: {  	[dreg:$0x4] =	wrdreg $0xA0000  }
0xb1: {  	[dreg:$0x5] =	wrdreg $0x1E0500  }
0xb2: {  	[dreg:$0x6] =	wrdreg $0x9  }
0xb3: {  	_ =	task.clear_ibuf [dreg:s7], $0x7FFFF;
	_ =	strace $0x90000046  }
0xb4: {  	s29 =	simm.s32 $0x9;
	_ =	strace $0x80000048  }
0xb5: {  	_ =	swait.ge [sflag:s29], $0x1  }
0xb6: {  	[sflag:s29] =	ssyncadd.s32 $0xFFFFFFFF  }
0xb7: {  	_ =	strace $0x90000048  }
0xb8: {  	_ =	sfence  }
0xb9: {  	s30 =	sld [smem:$0x0];
	_ =	sdelay $0x2  }
0xba: {  	s31 =	sshll.u32 s1, $0xD;
	s1 =	sshrl.u32 s1, $0x2  }
0xbb: {  	s3 =	sand.u32 $0x4000, s31;
	s1 =	sadd.s32 s1, s30  }
0xbc: {  	s0 =	sor.u32 s3, s0;
	s1 =	sshll.u32 s1, $0x11  }
0xbd: {  	s0 =	sor.u32 s1, s0  }
0xbe: {  	s0 =	sadd.s32 $0x8F2B, s0  }
0xbf: {  	[sflag:s0] =	ssyncadd.remote.s32 $0x1  }
0xc0: {  	_ =	sfence.sel $0xFFFF  }
0xc1: {  	[dreg:$0x0] =	wrdreg $0xFFFFFFFF;
	(pc) =	sbr.abs _section_cstart, $3  }
0xc2: {  	[dreg:$0x1] =	wrdreg $0xFFFFFFFF  }
0xc3: {  	_ =	task.clear_ibuf [dreg:s7], $0x2FFFF;
	_ =	strace $0x9FFFFFFF  }
0xc4: {  	(tm) =	ssettm $0x7FFFFFFF  }
0xc5: {  	_ =	shalt  }
tec
execute0_lowered:
.L_overlay_start_1:
0x0: {  	(tag) =	ssettag $0x1  }
0x1: {  	s0 =	rddreg [dreg:$0x0]  }
0x2: {  	s1 =	srdreg.scid;
	s3 =	rddreg [dreg:$0x2]  }
0x3: {  	s16 =	stileid.u32;
	s4 =	rddreg [dreg:$0x3];
	s5 =	simm.s32 $0x0  }
0x4: {  	s29 =	simm.s32 $0x1E000;
	s30 =	simm.s32 $0x50;
	s31 =	simm.s32 $0xA0  }
0x5: {  	s1 =	sand.u32 $0x1, s1;
	[smem:$0x7FF] =	sst s5;
	s6 =	sadd.s32 $0x15400, s0  }
0x6: {  	s7 =	sadd.s32 $0xB600, s0;
	s9 =	sadd.s32 $0x3C600, s0;
	s22 =	smul.u32 $0x280, s16  }
0x7: {  	s21 =	sadd.s32 $0x3C800, s0;
	s12 =	sadd.s32 $0x3D400, s0;
	s13 =	smul.u32 $0x14000, s16  }
0x8: {  	s20 =	smul.u32 $0x2710, s16;
	p0 =	seq.s32 s16, $0xF;
	s2 =	sshll.u32 s1, $0x4  }
0x9: {  	_ =	strace $0x80000047;
	[dreg:$0x5] =	wrdreg s9;
	s14 =	smul.u32 $0x138800, s1  }
0xa: {  	[dreg:$0x6] =	wrdreg s21;
	s10 =	ssub.s32 $0x2, s1;
	s25 =	smul.u32 $0x2710, s1  }
0xb: {  	s1 =	smul.u32 $0x27100, s1;
	s2 =	sor.u32 s16, s2;
	s11 =	sshrl.u32 s10, $0x1  }
0xc: {  	s16 =	simm.s32 $0x4;
	s2 =	smul.u32 $0x2710, s2;
	s15 =	ssub.s32 s10, s11  }
0xd: {  	s10 =	sadd.s32 s13, s3;
	s11 =	sadd.s32 s22, s4;
	s23 =	sadd.s32 s13, s14  }
0xe: {  	s18 =	sadd.s32 s22, s25;
	s19 =	sshrl.u32 s14, $0x3;
	s22 =	sshrl.u32 s25, $0x3  }
0xf: {  	s1 =	sadd.s32 s20, s1;
	s13 =	simm.s32 $0x7800;
	s2 =	sshrl.u32 s2, $0x3  }
0x10: {  	s9 =	sadd.s32 s12, s19;
	s8 =	sadd.s32 s2, s0;
	s17 =	sadd.s32 s7, s2  }
0x11: {  	s2 =	sshrl.u32 s23, $0x3;
	s23 =	sadd.s32 $0x25800, s9;
	[dreg:$0x8] =	wrdreg s17  }
0x12: {  	s14 =	simm.s32 $0x2;
	s8 =	sadd.s32 $0x1800, s8;
	[dreg:$0xf] =	wrdreg s23  }
0x13: {  	s25 =	sadd.s32 $0x230, s1;
	s24 =	sadd.s32 $0xA, s17;
	[dreg:$0x7] =	wrdreg s8  }
0x14: {  	s19 =	simm.s32 $0x6;
	s26 =	sadd.s32 $0x14, s17;
	[dreg:$0x9] =	wrdreg s24  }
0x15: {  	s0 =	sadd.s32 $0x3CA00, s0;
	s28 =	sadd.s32 $0x1E, s17;
	[dreg:$0xa] =	wrdreg s26  }
0x16: {  	s9 =	simm.s32 $0x1;
	s2 =	sadd.s32 s12, s2;
	[dreg:$0xb] =	wrdreg s28  }
0x17: {  	s21 =	sadd.s32 $0x28, s17;
	s17 =	simm.s32 $0x3;
	[dreg:$0xc] =	wrdreg s2  }
0x18: {  	s2 =	sshrl.u32 s18, $0x3;
	[dreg:$0xd] =	wrdreg s21;
	s24 =	smax.u32 s15, $0x1  }
0x19: {  	s26 =	sadd.s32 $0x1E0, s1;
	s1 =	sadd.s32 $0x190, s1;
	s8 =	simm.s32 $0x5000  }
0x1a: {  	s18 =	simm.s32 $0x5;
	s15 =	simm.s32 $0x0;
	s2 =	sadd.s32 s0, s2  }
0x1b: {  	s0 =	sadd.s32 s0, s22;
	[dreg:$0x11] =	wrdreg s24;
	s28 =	sshrl.u32 s26, $0x3  }
0x1c: {  	s1 =	sshrl.u32 s1, $0x3;
	[dreg:$0xe] =	wrdreg s2;
	s0 =	sadd.s32 $0x4B0, s0  }
0x1d: {  	s26 =	simm.s32 $0xB;
	[dreg:$0x10] =	wrdreg s0;
	s0 =	sshrl.u32 s25, $0x3  }
0x1e: {  	s24 =	sadd.s32 s1, s7;
	s2 =	simm.s32 $0x7;
	s0 =	sadd.s32 s0, s7  }
0x1f: {  	s1 =	simm.s32 $0x8;
	[dreg:$0x12] =	wrdreg s0;
	s0 =	sadd.s32 s28, s7  }
0x20: {  	s7 =	simm.s32 $0x2800;
	[dreg:$0x13] =	wrdreg s0;
	s0 =	simm.s32 $0x9  }
.LBB2_1:
0x21: {  	s12 =	rddreg [dreg:$0x7];
	s22 =	simm.s32 $0xF0  }
0x22: {  	[tilespmem:s22], [sflag:$0xB] =	stream.linear.gather [hbm4b:s12+s5], $0x2710, $0x38;
	[tilespmem:$0x1E550] =	vst v63  }
0x23: {  	_ =	swait.ge [sflag:s26], $0x2710  }
0x24: {  	s23 =	stileid.u32;
	[sflag:s26] =	ssyncset.done $0x0  }
0x25: {  	s12 =	sshll.u32 s23, $0x6;
	[sflag:s26] =	ssyncadd.s32 $0xFFFFD8F0  }
0x26: {  	s25 =	sshrl.u32 s10, $0x3;
	s20 =	sor.u32 $0x1C0B, s12;
	s21 =	rddreg [dreg:$0x1]  }
0x27: {  	[spmem:s25], [sflag:s20] =	dma.local [hbm:s21], $0x2800  }
0x28: {  	_ =	swait.ge [sflag:s26], $0x2800  }
0x29: {  	[sflag:s26] =	ssyncset.done $0x0  }
0x2a: {  	s23 =	simm.s32 $0x1E2D0;
	s21 =	rddreg [dreg:$0x5];
	[sflag:s26] =	ssyncadd.s32 $0xFFFFD800  }
0x2b: {  	[tilespmem:s23], [sflag:$0xB] =	stream.linear.gather [hbm4b:s21+s5], $0x280, $0x38;
	[tilespmem:$0x1E550] =	vst v63  }
0x2c: {  	_ =	swait.ge [sflag:s26], $0x280  }
0x2d: {  	[sflag:s26] =	ssyncset.done $0x0  }
0x2e: {  	[sflag:s26] =	ssyncadd.s32 $0xFFFFFD80  }
0x2f: {  	[spmem:s11] =	stream.linear.scatter [tilespmem:s23], [sflag:$0xB], $0x280, $0x38;
	[tilespmem:$0x1E550] =	vst v63  }
0x30: {  	_ =	swait.ge [sflag:s26], $0x280  }
0x31: {  	[sflag:s26] =	ssyncset.done $0x0  }
0x32: {  	s25 =	rddreg [dreg:$0x6];
	[sflag:s26] =	ssyncadd.s32 $0xFFFFFD80  }
0x33: {  	[tilespmem:s29], [sflag:$0xB] =	stream.linear.gather [hbm4b:s25+s5], $0x50, $0x38;
	[tilespmem:$0x1E550] =	vst v63  }
0x34: {  	_ =	swait.ge [sflag:s26], $0x50  }
0x35: {  	[sflag:s26] =	ssyncset.done $0x0  }
0x36: {  	[sflag:s26] =	ssyncadd.s32 $0xFFFFFFB0  }
0x37: {  	[bflag:$0x0] =	sbarrier.arrive $0xFFFF  }
0x38: {  	s21 =	rddreg [dreg:$0x8]  }
0x39: {  	[tilespmem:s5], [sflag:$0x7] =	stream.linear.gather [hbm4b:s21+s5], $0x50, $0x38;
	[tilespmem:$0x1E550] =	vst v63  }
0x3a: {  	s23 =	rddreg [dreg:$0x9]  }
0x3b: {  	[tilespmem:s30], [sflag:$0x8] =	stream.linear.gather [hbm4b:s23+s5], $0x50, $0x38;
	[tilespmem:$0x1E550] =	vst v63  }
0x3c: {  	s25 =	rddreg [dreg:$0xa]  }
0x3d: {  	[tilespmem:s31], [sflag:$0x9] =	stream.linear.gather [hbm4b:s25+s5], $0x50, $0x38;
	[tilespmem:$0x1E550] =	vst v63  }
0x3e: {  	_ =	swait.ge [sflag:s2], $0x50  }
0x3f: {  	[sflag:s2] =	ssyncset.done $0x0  }
0x40: {  	[sflag:s2] =	ssyncadd.s32 $0xFFFFFFB0  }
0x41: {  	_ =	swait.ge [sflag:s1], $0x50  }
0x42: {  	[sflag:s1] =	ssyncset.done $0x0  }
0x43: {  	[sflag:s1] =	ssyncadd.s32 $0xFFFFFFB0  }
0x44: {  	_ =	swait.ge [sflag:s0], $0x50  }
0x45: {  	[sflag:s0] =	ssyncset.done $0x0  }
0x46: {  	[sflag:s0] =	ssyncadd.s32 $0xFFFFFFB0  }
0x47: {  	[tilespmem:s7], [sflag:$0x1] =	stream.indirect.gather [hbm4b:s6+s30], $0x80, s5, s30, $0xb8;
	[tilespmem:$0x1E550] =	vst v63  }
0x48: {  	_ = 	snop  }
0x49: {  	[tilespmem:s8], [sflag:$0x2] =	stream.indirect.gather [hbm4b:s6+s30], $0x80, s30, s30, $0xb8;
	[tilespmem:$0x1E550] =	vst v63  }
0x4a: {  	_ =	swait.ge [sflag:s9], $0x2800  }
0x4b: {  	[sflag:s9] =	ssyncset.done $0x0  }
0x4c: {  	s21 =	rddreg [dreg:$0xb];
	[sflag:s9] =	ssyncadd.s32 $0xFFFFD800  }
0x4d: {  	[tilespmem:s5], [sflag:$0x7] =	stream.linear.gather [hbm4b:s21+s5], $0x50, $0x38;
	[tilespmem:$0x1E550] =	vst v63  }
0x4e: {  	_ = 	snop  }
0x4f: {  	[spmem:s3] =	stream.indirect.scatter.add.f32 [tilespmem:s7], [sflag:$0x4], $0x80, s22, s30, $0xb8;
	[tilespmem:$0x1E550] =	vst v63  }
0x50: {  	_ = 	snop  }
0x51: {  	[spmem:s4] =	stream.indirect.scatter.add.f32 [tilespmem:s29], [sflag:$0xA], $0x1, s22, s30, $0xb8;
	[tilespmem:$0x1E550] =	vst v63  }
0x52: {  	_ = 	snop  }
0x53: {  	[tilespmem:s13], [sflag:$0x3] =	stream.indirect.gather [hbm4b:s6+s30], $0x80, s31, s30, $0xb8;
	[tilespmem:$0x1E550] =	vst v63  }
0x54: {  	_ =	swait.ge [sflag:s14], $0x2800  }
0x55: {  	[sflag:s14] =	ssyncset.done $0x0  }
0x56: {  	s23 =	rddreg [dreg:$0xd];
	[sflag:s14] =	ssyncadd.s32 $0xFFFFD800  }
0x57: {  	[tilespmem:s30], [sflag:$0x8] =	stream.linear.gather [hbm4b:s23+s5], $0x50, $0x38;
	[tilespmem:$0x1E550] =	vst v63  }
0x58: {  	s25 =	simm.s32 $0x140  }
0x59: {  	[spmem:s3] =	stream.indirect.scatter.add.f32 [tilespmem:s8], [sflag:$0x5], $0x80, s25, s30, $0xb8;
	[tilespmem:$0x1E550] =	vst v63  }
0x5a: {  	_ = 	snop  }
0x5b: {  	[spmem:s4] =	stream.indirect.scatter.add.f32 [tilespmem:s29], [sflag:$0xA], $0x1, s25, s30, $0xb8;
	[tilespmem:$0x1E550] =	vst v63  }
0x5c: {  	_ =	swait.ge [sflag:s16], $0x2800  }
0x5d: {  	[sflag:s16] =	ssyncset.done $0x0  }
0x5e: {  	[sflag:s16] =	ssyncadd.s32 $0xFFFFD800  }
0x5f: {  	_ =	swait.ge [sflag:s2], $0x50  }
0x60: {  	[sflag:s2] =	ssyncset.done $0x0  }
0x61: {  	[sflag:s2] =	ssyncadd.s32 $0xFFFFFFB0  }
0x62: {  	[tilespmem:s7], [sflag:$0x1] =	stream.indirect.gather [hbm4b:s6+s30], $0x80, s5, s30, $0xb8;
	[tilespmem:$0x1E550] =	vst v63  }
0x63: {  	_ =	swait.ge [sflag:s17], $0x2800  }
0x64: {  	[sflag:s17] =	ssyncset.done $0x0  }
0x65: {  	[sflag:s17] =	ssyncadd.s32 $0xFFFFD800  }
0x66: {  	[tilespmem:s31], [sflag:$0x9] =	stream.linear.gather [hbm4b:s24+s5], $0x50, $0x38;
	[tilespmem:$0x1E550] =	vst v63  }
0x67: {  	s21 =	simm.s32 $0x190  }
0x68: {  	[spmem:s3] =	stream.indirect.scatter.add.f32 [tilespmem:s13], [sflag:$0x6], $0x80, s21, s30, $0xb8;
	[tilespmem:$0x1E550] =	vst v63  }
0x69: {  	_ = 	snop  }
0x6a: {  	[spmem:s4] =	stream.indirect.scatter.add.f32 [tilespmem:s29], [sflag:$0xA], $0x1, s21, s30, $0xb8;
	[tilespmem:$0x1E550] =	vst v63  }
0x6b: {  	_ =	swait.ge [sflag:s18], $0x2800  }
0x6c: {  	[sflag:s18] =	ssyncset.done $0x0  }
0x6d: {  	[sflag:s18] =	ssyncadd.s32 $0xFFFFD800  }
0x6e: {  	_ =	swait.ge [sflag:s1], $0x50  }
0x6f: {  	[sflag:s1] =	ssyncset.done $0x0  }
0x70: {  	[sflag:s1] =	ssyncadd.s32 $0xFFFFFFB0  }
0x71: {  	[tilespmem:s8], [sflag:$0x2] =	stream.indirect.gather [hbm4b:s6+s30], $0x80, s30, s30, $0xb8;
	[tilespmem:$0x1E550] =	vst v63  }
0x72: {  	_ =	swait.ge [sflag:s9], $0x2800  }
0x73: {  	[sflag:s9] =	ssyncset.done $0x0  }
0x74: {  	s23 =	rddreg [dreg:$0x13];
	[sflag:s9] =	ssyncadd.s32 $0xFFFFD800  }
0x75: {  	[tilespmem:s5], [sflag:$0x7] =	stream.linear.gather [hbm4b:s23+s5], $0x50, $0x38;
	[tilespmem:$0x1E550] =	vst v63  }
0x76: {  	s22 =	simm.s32 $0x1E0  }
0x77: {  	[spmem:s3] =	stream.indirect.scatter.add.f32 [tilespmem:s7], [sflag:$0x4], $0x80, s22, s30, $0xb8;
	[tilespmem:$0x1E550] =	vst v63  }
0x78: {  	_ = 	snop  }
0x79: {  	[spmem:s4] =	stream.indirect.scatter.add.f32 [tilespmem:s29], [sflag:$0xA], $0x1, s22, s30, $0xb8;
	[tilespmem:$0x1E550] =	vst v63  }
0x7a: {  	_ =	swait.ge [sflag:s19], $0x2800  }
0x7b: {  	[sflag:s19] =	ssyncset.done $0x0  }
0x7c: {  	[sflag:s19] =	ssyncadd.s32 $0xFFFFD800  }
0x7d: {  	_ =	swait.ge [sflag:s0], $0x50  }
0x7e: {  	[sflag:s0] =	ssyncset.done $0x0  }
0x7f: {  	[sflag:s0] =	ssyncadd.s32 $0xFFFFFFB0  }
0x80: {  	[tilespmem:s13], [sflag:$0x3] =	stream.indirect.gather [hbm4b:s6+s30], $0x80, s31, s30, $0xb8;
	[tilespmem:$0x1E550] =	vst v63  }
0x81: {  	_ =	swait.ge [sflag:s14], $0x2800  }
0x82: {  	[sflag:s14] =	ssyncset.done $0x0  }
0x83: {  	s22 =	rddreg [dreg:$0x12];
	[sflag:s14] =	ssyncadd.s32 $0xFFFFD800  }
0x84: {  	[tilespmem:s30], [sflag:$0x8] =	stream.linear.gather [hbm4b:s22+s5], $0x50, $0x38;
	[tilespmem:$0x1E550] =	vst v63  }
0x85: {  	s25 =	simm.s32 $0x230  }
0x86: {  	[spmem:s3] =	stream.indirect.scatter.add.f32 [tilespmem:s8], [sflag:$0x5], $0x80, s25, s30, $0xb8;
	[tilespmem:$0x1E550] =	vst v63  }
0x87: {  	_ = 	snop  }
0x88: {  	[spmem:s4] =	stream.indirect.scatter.add.f32 [tilespmem:s29], [sflag:$0xA], $0x1, s25, s30, $0xb8;
	[tilespmem:$0x1E550] =	vst v63  }
0x89: {  	_ =	swait.ge [sflag:s16], $0x2800  }
0x8a: {  	[sflag:s16] =	ssyncset.done $0x0  }
0x8b: {  	[sflag:s16] =	ssyncadd.s32 $0xFFFFD800  }
0x8c: {  	_ =	swait.ge [sflag:s2], $0x50  }
0x8d: {  	s28 =	sadd.s32 $0x1E, s24;
	s21 =	simm.s32 $0x3C0;
	[sflag:s2] =	ssyncset.done $0x0  }
0x8e: {  	s12 =	sadd.s32 $0x1E, s23;
	s25 =	sadd.s32 $0x1E, s22;
	[sflag:s2] =	ssyncadd.s32 $0xFFFFFFB0  }
.LBB2_2:
0x8f: {  	[tilespmem:s7], [sflag:$0x1] =	stream.indirect.gather [hbm4b:s6+s30], $0x80, s5, s30, $0xb8;
	[tilespmem:$0x1E550] =	vst v63  }
0x90: {  	s22 =	smov.u32 s21  }
0x91: {  	p1 =	sne.s32 s21, $0x9240;
	s21 =	sadd.s32 $0x3C0, s21;
	_ =	swait.ge [sflag:s17], $0x2800  }
0x92: {  	[sflag:s17] =	ssyncset.done $0x0  }
0x93: {  	s22 =	sshra.s32 s22, $0x2;
	[sflag:s17] =	ssyncadd.s32 $0xFFFFD800  }
0x94: {  	[tilespmem:s31], [sflag:$0x9] =	stream.linear.gather [hbm4b:s28+s5], $0x50, $0x38;
	[tilespmem:$0x1E550] =	vst v63  }
0x95: {  	s23 =	sadd.s32 $0x190, s22  }
0x96: {  	[spmem:s3] =	stream.indirect.scatter.add.f32 [tilespmem:s13], [sflag:$0x6], $0x80, s23, s30, $0xb8;
	[tilespmem:$0x1E550] =	vst v63  }
0x97: {  	_ = 	snop  }
0x98: {  	[spmem:s4] =	stream.indirect.scatter.add.f32 [tilespmem:s29], [sflag:$0xA], $0x1, s23, s30, $0xb8;
	[tilespmem:$0x1E550] =	vst v63  }
0x99: {  	_ =	swait.ge [sflag:s18], $0x2800  }
0x9a: {  	[sflag:s18] =	ssyncset.done $0x0  }
0x9b: {  	[sflag:s18] =	ssyncadd.s32 $0xFFFFD800  }
0x9c: {  	_ =	swait.ge [sflag:s1], $0x50  }
0x9d: {  	[sflag:s1] =	ssyncset.done $0x0  }
0x9e: {  	[sflag:s1] =	ssyncadd.s32 $0xFFFFFFB0  }
0x9f: {  	[tilespmem:s8], [sflag:$0x2] =	stream.indirect.gather [hbm4b:s6+s30], $0x80, s30, s30, $0xb8;
	[tilespmem:$0x1E550] =	vst v63  }
0xa0: {  	_ =	swait.ge [sflag:s9], $0x2800  }
0xa1: {  	[sflag:s9] =	ssyncset.done $0x0  }
0xa2: {  	[sflag:s9] =	ssyncadd.s32 $0xFFFFD800  }
0xa3: {  	[tilespmem:s5], [sflag:$0x7] =	stream.linear.gather [hbm4b:s12+s5], $0x50, $0x38;
	[tilespmem:$0x1E550] =	vst v63  }
0xa4: {  	s23 =	sadd.s32 $0x1E0, s22  }
0xa5: {  	[spmem:s3] =	stream.indirect.scatter.add.f32 [tilespmem:s7], [sflag:$0x4], $0x80, s23, s30, $0xb8;
	[tilespmem:$0x1E550] =	vst v63  }
0xa6: {  	_ = 	snop  }
0xa7: {  	[spmem:s4] =	stream.indirect.scatter.add.f32 [tilespmem:s29], [sflag:$0xA], $0x1, s23, s30, $0xb8;
	[tilespmem:$0x1E550] =	vst v63  }
0xa8: {  	_ =	swait.ge [sflag:s19], $0x2800  }
0xa9: {  	[sflag:s19] =	ssyncset.done $0x0  }
0xaa: {  	[sflag:s19] =	ssyncadd.s32 $0xFFFFD800  }
0xab: {  	_ =	swait.ge [sflag:s0], $0x50  }
0xac: {  	[sflag:s0] =	ssyncset.done $0x0  }
0xad: {  	[sflag:s0] =	ssyncadd.s32 $0xFFFFFFB0  }
0xae: {  	[tilespmem:s13], [sflag:$0x3] =	stream.indirect.gather [hbm4b:s6+s30], $0x80, s31, s30, $0xb8;
	[tilespmem:$0x1E550] =	vst v63  }
0xaf: {  	_ =	swait.ge [sflag:s14], $0x2800  }
0xb0: {  	[sflag:s14] =	ssyncset.done $0x0  }
0xb1: {  	[sflag:s14] =	ssyncadd.s32 $0xFFFFD800  }
0xb2: {  	[tilespmem:s30], [sflag:$0x8] =	stream.linear.gather [hbm4b:s25+s5], $0x50, $0x38;
	[tilespmem:$0x1E550] =	vst v63  }
0xb3: {  	s22 =	sadd.s32 $0x230, s22  }
0xb4: {  	[spmem:s3] =	stream.indirect.scatter.add.f32 [tilespmem:s8], [sflag:$0x5], $0x80, s22, s30, $0xb8;
	[tilespmem:$0x1E550] =	vst v63  }
0xb5: {  	_ = 	snop  }
0xb6: {  	[spmem:s4] =	stream.indirect.scatter.add.f32 [tilespmem:s29], [sflag:$0xA], $0x1, s22, s30, $0xb8;
	[tilespmem:$0x1E550] =	vst v63  }
0xb7: {  	_ =	swait.ge [sflag:s16], $0x2800  }
.Ltmp0:
0xb8: {  	[sflag:s16] =	ssyncset.done $0x0;
	(pc) =	sbr.rel @p1 .LBB2_2-.Ltmp0, $4  }
0xb9: {  	[sflag:s16] =	ssyncadd.s32 $0xFFFFD800  }
0xba: {  	_ =	swait.ge [sflag:s2], $0x50  }
0xbb: {  	s28 =	sadd.s32 $0x1E, s28;
	[sflag:s2] =	ssyncset.done $0x0  }
0xbc: {  	s12 =	sadd.s32 $0x1E, s12;
	s25 =	sadd.s32 $0x1E, s25;
	[sflag:s2] =	ssyncadd.s32 $0xFFFFFFB0  }
0xbd: {  	[tilespmem:s7], [sflag:$0x1] =	stream.indirect.gather [hbm4b:s6+s30], $0x80, s5, s30, $0xb8;
	[tilespmem:$0x1E550] =	vst v63  }
0xbe: {  	_ =	swait.ge [sflag:s17], $0x2800  }
0xbf: {  	[sflag:s17] =	ssyncset.done $0x0  }
0xc0: {  	s12 =	simm.s32 $0x2710;
	[sflag:s17] =	ssyncadd.s32 $0xFFFFD800  }
0xc1: {  	[spmem:s3] =	stream.indirect.scatter.add.f32 [tilespmem:s13], [sflag:$0x6], $0x80, s12, s30, $0xb8;
	[tilespmem:$0x1E550] =	vst v63  }
0xc2: {  	_ = 	snop  }
0xc3: {  	[spmem:s4] =	stream.indirect.scatter.add.f32 [tilespmem:s29], [sflag:$0xA], $0x1, s12, s30, $0xb8;
	[tilespmem:$0x1E550] =	vst v63  }
0xc4: {  	_ =	swait.ge [sflag:s18], $0x2800  }
0xc5: {  	[sflag:s18] =	ssyncset.done $0x0  }
0xc6: {  	[sflag:s18] =	ssyncadd.s32 $0xFFFFD800  }
0xc7: {  	_ =	swait.ge [sflag:s1], $0x50  }
0xc8: {  	[sflag:s1] =	ssyncset.done $0x0  }
0xc9: {  	[sflag:s1] =	ssyncadd.s32 $0xFFFFFFB0  }
0xca: {  	[tilespmem:s8], [sflag:$0x2] =	stream.indirect.gather [hbm4b:s6+s30], $0x80, s30, s30, $0xb8;
	[tilespmem:$0x1E550] =	vst v63  }
0xcb: {  	_ =	swait.ge [sflag:s9], $0x2800  }
0xcc: {  	[sflag:s9] =	ssyncset.done $0x0  }
0xcd: {  	s22 =	simm.s32 $0x2760;
	[sflag:s9] =	ssyncadd.s32 $0xFFFFD800  }
0xce: {  	[spmem:s3] =	stream.indirect.scatter.add.f32 [tilespmem:s7], [sflag:$0x4], $0x80, s22, s30, $0xb8;
	[tilespmem:$0x1E550] =	vst v63  }
0xcf: {  	_ = 	snop  }
0xd0: {  	[spmem:s4] =	stream.indirect.scatter.add.f32 [tilespmem:s29], [sflag:$0xA], $0x1, s22, s30, $0xb8;
	[tilespmem:$0x1E550] =	vst v63  }
0xd1: {  	_ =	swait.ge [sflag:s14], $0x2800  }
0xd2: {  	[sflag:s14] =	ssyncset.done $0x0  }
0xd3: {  	s23 =	simm.s32 $0x27B0;
	[sflag:s14] =	ssyncadd.s32 $0xFFFFD800  }
0xd4: {  	[spmem:s3] =	stream.indirect.scatter.add.f32 [tilespmem:s8], [sflag:$0x5], $0x80, s23, s30, $0xb8;
	[tilespmem:$0x1E550] =	vst v63  }
0xd5: {  	_ = 	snop  }
0xd6: {  	[spmem:s4] =	stream.indirect.scatter.add.f32 [tilespmem:s29], [sflag:$0xA], $0x1, s23, s30, $0xb8;
	[tilespmem:$0x1E550] =	vst v63  }
0xd7: {  	_ =	swait.ge [sflag:s19], $0x2800  }
0xd8: {  	[sflag:s19] =	ssyncset.done $0x0  }
0xd9: {  	[sflag:s19] =	ssyncadd.s32 $0xFFFFD800  }
0xda: {  	_ =	swait.ge [sflag:s16], $0x2800  }
0xdb: {  	[sflag:s16] =	ssyncset.done $0x0  }
0xdc: {  	[sflag:s16] =	ssyncadd.s32 $0xFFFFD800  }
0xdd: {  	_ =	swait.ge [sflag:s18], $0x2800  }
0xde: {  	[sflag:s18] =	ssyncset.done $0x0  }
0xdf: {  	s25 =	simm.s32 $0xA;
	[sflag:s18] =	ssyncadd.s32 $0xFFFFD800  }
0xe0: {  	_ =	swait.ge [sflag:s25], $0x2710  }
0xe1: {  	[sflag:s25] =	ssyncset.done $0x0  }
0xe2: {  	[sflag:s25] =	ssyncadd.s32 $0xFFFFD8F0  }
0xe3: {  	[bflag:$0x0] =	sbarrier.arrive $0xFFFF  }
0xe4: {  	s12 =	sshrl.u32 @p0 s10, $0x3;
	s21 =	rddreg [dreg:$0xf]  }
0xe5: {  	[hbm:s21], [sflag:s20] =	dma.local @p0 [spmem:s12], $0x1900  }
0xe6: {  	s12 =	simm.s32 @p0 $0xB  }
0xe7: {  	_ =	swait.ge @p0 [sflag:s12], $0x1900  }
0xe8: {  	[sflag:s12] =	ssyncset.done @p0 $0x0  }
0xe9: {  	s21 =	simm.s32 @p0 $0x1E2D0;
	[sflag:s12] =	ssyncadd.s32 @p0 $0xFFFFE700  }
0xea: {  	[tilespmem:s21], [sflag:$0xB] =	stream.linear.gather @p0 [spmem:s11], $0x190, $0x38;
	[tilespmem:$0x1E550] =	vst v63  }
0xeb: {  	_ =	swait.ge @p0 [sflag:s12], $0x190  }
0xec: {  	[sflag:s12] =	ssyncset.done @p0 $0x0  }
0xed: {  	s22 =	simm.s32 @p0 $0x0;
	s23 =	rddreg [dreg:$0x10];
	[sflag:s12] =	ssyncadd.s32 @p0 $0xFFFFFE70  }
0xee: {  	[hbm4b:s23+s22] =	stream.linear.scatter @p0 [tilespmem:s21], [sflag:$0xB], $0x190, $0x38;
	[tilespmem:$0x1E550] =	vst v63  }
0xef: {  	_ =	swait.ge @p0 [sflag:s12], $0x190  }
0xf0: {  	[sflag:s12] =	ssyncset.done @p0 $0x0  }
0xf1: {  	s21 =	rddreg [dreg:$0xc];
	[sflag:s12] =	ssyncadd.s32 @p0 $0xFFFFFE70;
	s12 =	sshrl.u32 @!p0 s10, $0x3  }
0xf2: {  	[hbm:s21], [sflag:s20] =	dma.local @!p0 [spmem:s12], $0x2800  }
0xf3: {  	s12 =	simm.s32 @!p0 $0xB  }
0xf4: {  	_ =	swait.ge @!p0 [sflag:s12], $0x2800  }
0xf5: {  	[sflag:s12] =	ssyncset.done @!p0 $0x0  }
0xf6: {  	s20 =	simm.s32 @!p0 $0x1E2D0;
	[sflag:s12] =	ssyncadd.s32 @!p0 $0xFFFFD800  }
0xf7: {  	[tilespmem:s20], [sflag:$0xB] =	stream.linear.gather @!p0 [spmem:s11], $0x280, $0x38;
	[tilespmem:$0x1E550] =	vst v63  }
0xf8: {  	_ =	swait.ge @!p0 [sflag:s12], $0x280  }
0xf9: {  	[sflag:s12] =	ssyncset.done @!p0 $0x0  }
0xfa: {  	s21 =	simm.s32 @!p0 $0x0;
	s22 =	rddreg [dreg:$0xe];
	[sflag:s12] =	ssyncadd.s32 @!p0 $0xFFFFFD80  }
0xfb: {  	[hbm4b:s22+s21] =	stream.linear.scatter @!p0 [tilespmem:s20], [sflag:$0xB], $0x280, $0x38;
	[tilespmem:$0x1E550] =	vst v63  }
0xfc: {  	_ =	swait.ge @!p0 [sflag:s12], $0x280  }
0xfd: {  	s15 =	sadd.s32 $0x1, s15;
	s28 =	rddreg [dreg:$0x11]  }
0xfe: {  	p1 =	sne.s32 s15, s28  }
.Ltmp1:
0xff: {  	_ = 	snop;
	(pc) =	sbr.rel @p1 .LBB2_1-.Ltmp1, $3  }
0x100: {  	_ =	sdelay $0x1  }
0x101: {  	[sflag:s12] =	ssyncset.done @!p0 $0x0  }
0x102: {  	[sflag:s12] =	ssyncadd.s32 @!p0 $0xFFFFFD80  }
0x103: {  	_ =	sfence.sel $0x180000  }
0x104: {  	[bflag:$0x0] =	sbarrier.arrive $0xFFFF  }
0x105: {  	_ =	strace $0x90000047  }
0x106: {  	s0 =	stileid.u32;
	[bflag:$0x2] =	sbarrier.arrive $0xFFFF  }
0x107: {  	p0 =	sne.s32 s0, $0x0;
	s0 =	rddreg [dreg:$0x4]  }
0x108: {  	s0 =	sadd.s32 @!p0 $0x100000, s0  }
0x109: {  	[sflag:s0] =	ssyncadd.tile.s32 @!p0 $0x1;
	_ =	shalt  }
.Lfunc_end2:
_tile_overlayer_lowered:
.L_overlay_start_2:
0x10a: {  	(tag) =	ssettag $0x2  }
0x10b: {  	s0 =	rddreg [dreg:$0x0];
	s2 =	stileid.u32  }
0x10c: {  	s1 =	rddreg [dreg:$0x1];
	p0 =	sne.s32 s2, $0x0  }
0x10d: {  	s3 =	rddreg [dreg:$0x2];
	[bflag:$0x3] =	sbarrier.arrive $0xFFFF;
	s2 =	simm.s32 @!p0 $0x1C0B  }
0x10e: {  	[timem:s3], [sflag:s2] =	dma.local @!p0 [hbm:s0], s1  }
0x10f: {  	s0 =	simm.s32 @!p0 $0xB  }
0x110: {  	_ =	swait.ge @!p0 [sflag:s0], s1  }
0x111: {  	s1 =	ssub.s32 @!p0 $0x0, s1;
	[sflag:s0] =	ssyncset.done @!p0 $0x0  }
0x112: {  	[sflag:s0] =	ssyncadd.s32 @!p0 s1  }
0x113: {  	[bflag:$0x3] =	sbarrier.arrive $0xFFFF  }
0x114: {  	_ =	shalt  }

</sc_bundles>
